<compile_context>
chip_gen: v7x
topology: tpu7x:2x2x1
jax: 0.10.2.dev20260603
libtpu: 0.0.44.dev20260713+nightly
codegen_flags: <defaults>
</compile_context>

<pallas_src>
import functools

import jax
import jax.numpy as jnp
import numpy as np
from jax import lax
from jax.experimental import pallas as pl
from jax.experimental.pallas import tpu as pltpu
from jax.experimental.pallas import tpu_sc as plsc

NEG = -1e30


def _mlp(layers, x, plain_last=True):
    shp = x.shape
    x = x.reshape(-1, shp[-1])
    n = len(layers)
    for i, lyr in enumerate(layers):
        x = x @ lyr["W"] + lyr["b"]
        last = i == n - 1
        if (not last) or (not plain_last):
            if lyr["g"] is not None:
                mu = jnp.mean(x, axis=0, keepdims=True)
                var = jnp.var(x, axis=0, keepdims=True)
                x = (x - mu) / jnp.sqrt(var + 1e-5) * lyr["g"] + lyr["bb"]
            x = jax.nn.relu(x)
    return x.reshape(shp[:-1] + (x.shape[-1],))


def _fps_body(px_ref, py_ref, pz_ref, idx_ref, carry_ref):
    N, B = px_ref.shape
    m = idx_ref.shape[0]
    px = px_ref[...]
    py = py_ref[...]
    pz = pz_ref[...]
    d0 = (
        (px - px[0:1, :]) ** 2
        + (py - py[0:1, :]) ** 2
        + (pz - pz[0:1, :]) ** 2
    )
    carry_ref[...] = d0
    idx_ref[0:1, :] = jnp.zeros((1, B), jnp.int32)
    iota = lax.broadcasted_iota(jnp.int32, (N, B), 0)

    def step(t, _):
        carry = carry_ref[...]
        maxv = jnp.max(carry, axis=0, keepdims=True)
        cand = jnp.where(carry == maxv, iota, N)
        nxt = jnp.min(cand, axis=0, keepdims=True)
        oh = iota == nxt
        xn = jnp.sum(jnp.where(oh, px, 0.0), axis=0, keepdims=True)
        yn = jnp.sum(jnp.where(oh, py, 0.0), axis=0, keepdims=True)
        zn = jnp.sum(jnp.where(oh, pz, 0.0), axis=0, keepdims=True)
        d2 = (px - xn) ** 2 + (py - yn) ** 2 + (pz - zn) ** 2
        carry_ref[...] = jnp.minimum(carry, d2)
        idx_ref[pl.ds(t, 1), :] = nxt.astype(jnp.int32)
        return 0

    lax.fori_loop(1, m, step, 0)


def _fps_batched(pos, m):
    B, N, _ = pos.shape
    px = pos[..., 0].T
    py = pos[..., 1].T
    pz = pos[..., 2].T
    idx_t = pl.pallas_call(
        _fps_body,
        out_shape=jax.ShapeDtypeStruct((m, B), jnp.int32),
        scratch_shapes=[pltpu.VMEM((N, B), jnp.float32)],
    )(px, py, pz)
    return idx_t.T


def _sc_gather_rows(table, gidx):
    V, C = table.shape
    (M,) = gidx.shape
    info = plsc.get_sparse_core_info()
    NC, NS = info.num_cores, info.num_subcores
    NW = NC * NS
    CH = 128 if C <= 384 else 64
    rpw = M // NW
    nch = rpw // CH
    assert rpw % CH == 0, (M, C, CH)
    mesh = plsc.VectorSubcoreMesh(core_axis_name="c", subcore_axis_name="s")

    @functools.partial(
        pl.kernel,
        mesh=mesh,
        out_type=jax.ShapeDtypeStruct((M, C), jnp.float32),
        scratch_types=[
            pltpu.VMEM((CH,), jnp.int32),
            pltpu.VMEM((CH, C), jnp.float32),
            pltpu.SemaphoreType.DMA,
        ],
    )
    def k(table_hbm, idx_hbm, out_hbm, idx_v, rows_v, sem):
        wid = lax.axis_index("s") * NC + lax.axis_index("c")
        base = wid * rpw

        def body(j, _):
            off = base + j * CH
            pltpu.sync_copy(idx_hbm.at[pl.ds(off, CH)], idx_v)
            pltpu.async_copy(table_hbm.at[idx_v], rows_v, sem).wait()
            pltpu.sync_copy(rows_v, out_hbm.at[pl.ds(off, CH)])
            return 0

        lax.fori_loop(0, nch, body, 0, unroll=False)

    return k(table, gidx)


def _gather_nodes_sc(x, nbr):
    B, N, C = x.shape
    _, m, k = nbr.shape
    Cp = ((C + 127) // 128) * 128
    CH = 128 if Cp <= 384 else 64
    if Cp > C:
        x = jnp.concatenate(
            [x, jnp.zeros((B, N, Cp - C), jnp.float32)], axis=-1
        )
    table = x.reshape(B * N, Cp)
    gidx = (nbr + (jnp.arange(B, dtype=jnp.int32) * N)[:, None, None]).reshape(-1)
    M = gidx.shape[0]
    Mp = ((M + 32 * CH - 1) // (32 * CH)) * (32 * CH)
    if Mp > M:
        gidx = jnp.concatenate([gidx, jnp.zeros((Mp - M,), jnp.int32)])
    out = _sc_gather_rows(table, gidx)
    return out[:M].reshape(B, m, k, Cp)



def _maskmax_body(h_ref, m_ref, o_ref):
    h = h_ref[...]
    msk = m_ref[...]
    hm = jnp.where(msk[:, :, None] > 0, h, NEG)
    mx = jnp.max(hm, axis=1)
    anym = jnp.max(msk, axis=1)
    o_ref[...] = jnp.where(anym[:, None] > 0, mx, 0.0)


def _maskmax_pallas(h, maskf):
    Bm, k, C = h.shape
    blk = min(Bm, 128)
    return pl.pallas_call(
        _maskmax_body,
        grid=(Bm // blk,),
        in_specs=[
            pl.BlockSpec((blk, k, C), lambda i: (i, 0, 0)),
            pl.BlockSpec((blk, k), lambda i: (i, 0)),
        ],
        out_specs=pl.BlockSpec((blk, C), lambda i: (i, 0)),
        out_shape=jax.ShapeDtypeStruct((Bm, C), jnp.float32),
    )(h, maskf)


def _kmax_body(h_ref, o_ref):
    o_ref[...] = jnp.max(h_ref[...], axis=1)


def _kmax_pallas(h):
    Bm, k, C = h.shape
    blk = min(Bm, 128)
    return pl.pallas_call(
        _kmax_body,
        grid=(Bm // blk,),
        in_specs=[pl.BlockSpec((blk, k, C), lambda i: (i, 0, 0))],
        out_specs=pl.BlockSpec((blk, C), lambda i: (i, 0)),
        out_shape=jax.ShapeDtypeStruct((Bm, C), jnp.float32),
    )(h)


def _sa(x, pos, ratio, r, layers):
    B, N, _ = pos.shape
    m = int(N * ratio)
    idx = _fps_batched(pos, m)
    pos_dst = jnp.take_along_axis(pos, idx[..., None], axis=1)
    d2 = jnp.sum((pos_dst[:, :, None, :] - pos[:, None, :, :]) ** 2, axis=-1)
    k = min(64, N)
    neg, nbr = lax.top_k(-d2, k)
    mask = (-neg) <= r * r
    C = x.shape[-1]
    g = _gather_nodes_sc(jnp.concatenate([x, pos], axis=-1), nbr)
    x_j = g[..., :C]
    pos_j = g[..., C : C + 3]
    msg = jnp.concatenate([x_j, pos_j - pos_dst[:, :, None, :]], axis=-1)
    h = _mlp(layers, msg)
    Cout = h.shape[-1]
    out = _maskmax_pallas(
        h.reshape(B * m, k, Cout), mask.reshape(B * m, k).astype(jnp.float32)
    ).reshape(B, m, Cout)
    return out, pos_dst


def _td(x, pos, ratio, kk, layers):
    B, N, _ = x.shape
    m = int(N * ratio)
    idx = _fps_batched(pos, m)
    pos_dst = jnp.take_along_axis(pos, idx[..., None], axis=1)
    d2 = jnp.sum((pos_dst[:, :, None, :] - pos[:, None, :, :]) ** 2, axis=-1)
    _, nbr = lax.top_k(-d2, kk)
    xf = _mlp(layers, x, plain_last=False)
    Cf = xf.shape[-1]
    xg = _gather_nodes_sc(xf, nbr)[..., :Cf]
    out = _kmax_pallas(xg.reshape(B * m, kk, Cf)).reshape(B, m, Cf)
    return out, pos_dst


def _identity_pallas(y):
    def body(x_ref, o_ref):
        o_ref[...] = x_ref[...]

    return pl.pallas_call(
        body, out_shape=jax.ShapeDtypeStruct(y.shape, y.dtype)
    )(y)


def kernel(data, params):
    betas = jnp.linspace(1e-4, 0.02, 1000)
    t = jax.random.randint(jax.random.key(1), (), 0, 1000)
    noise = jax.random.normal(jax.random.key(2), data.shape, jnp.float32)
    bt = betas[t]
    noisy = jnp.sqrt(1.0 - bt) * data + jnp.sqrt(bt) * noise
    x1, p1 = _sa(noisy, noisy, 0.5, 0.2, params["sa1"])
    x1d, p1d = _td(x1, p1, 0.25, 16, params["td1"])
    x2, p2 = _sa(x1d, p1d, 0.25, 0.4, params["sa2"])
    x2d, p2d = _td(x2, p2, 0.25, 16, params["td2"])
    h = _mlp(params["sa3"], jnp.concatenate([x2d, p2d], axis=-1))
    g = jnp.mean(h, axis=1)
    den = _mlp(params["rev"], g)
    y = _mlp(params["cls"], den)
    return _identity_pallas(y)

# --- scband reference (transcript-rebuilt; emitter-appended) ---
"""Pipeline reference for scband-point-net-with-ddm-61546881352068 (READ-ONLY COPY).

The authoritative reference and input builder live on the scoring server;
editing this copy changes nothing except your own understanding.
"""

import jax, jax.numpy as jnp
import numpy as np
from jax import lax

NEG = -1e30

def make_mlp(key, dims, plain_last=True, norm=True):
    layers = []
    ks = jax.random.split(key, len(dims) - 1)
    for i in range(len(dims) - 1):
        bound = 1.0 / np.sqrt(dims[i])
        W = jax.random.uniform(ks[i], (dims[i], dims[i + 1]), minval=-bound, maxval=bound, dtype=jnp.float32)
        b = jnp.zeros((dims[i + 1],), jnp.float32)
        last = i == len(dims) - 2
        has_bn = norm and ((not last) or (not plain_last))
        layers.append({
            "W": W, "b": b,
            "g": jnp.ones((dims[i + 1],), jnp.float32) if has_bn else None,
            "bb": jnp.zeros((dims[i + 1],), jnp.float32) if has_bn else None,
        })
    return layers

def mlp_apply(layers, x, plain_last=True):
    shp = x.shape
    x = x.reshape(-1, shp[-1])
    n = len(layers)
    for i, lyr in enumerate(layers):
        x = x @ lyr["W"] + lyr["b"]
        last = i == n - 1
        if (not last) or (not plain_last):
            if lyr["g"] is not None:
                mu = jnp.mean(x, axis=0, keepdims=True)
                var = jnp.var(x, axis=0, keepdims=True)
                x = (x - mu) / jnp.sqrt(var + 1e-5) * lyr["g"] + lyr["bb"]
            x = jax.nn.relu(x)
    return x.reshape(shp[:-1] + (x.shape[-1],))

def fps_single(pos, m):
    d2 = jnp.sum((pos - pos[0]) ** 2, axis=1)
    def step(carry, _):
        nxt = jnp.argmax(carry).astype(jnp.int32)
        carry = jnp.minimum(carry, jnp.sum((pos - pos[nxt]) ** 2, axis=1))
        return carry, nxt
    _, idxs = lax.scan(step, d2, None, length=m - 1)
    return jnp.concatenate([jnp.zeros((1,), jnp.int32), idxs])

def gather_nodes(x, nbr):
    B, m, k = nbr.shape
    flat = jnp.take_along_axis(x, nbr.reshape(B, m * k, 1), axis=1)
    return flat.reshape(B, m, k, x.shape[-1])

def sa_module(x, pos, ratio, r, layers):
    B, N, _ = pos.shape
    m = int(N * ratio)
    idx = jax.vmap(fps_single, in_axes=(0, None))(lax.stop_gradient(pos), m)
    pos_dst = jnp.take_along_axis(pos, idx[..., None], axis=1)
    d2 = jnp.sum((pos_dst[:, :, None, :] - pos[:, None, :, :]) ** 2, axis=-1)
    k = min(64, N)
    neg, nbr = lax.top_k(-d2, k)
    mask = (-neg) <= r * r
    x_j = gather_nodes(x, nbr)
    pos_j = gather_nodes(pos, nbr)
    msg = jnp.concatenate([x_j, pos_j - pos_dst[:, :, None, :]], axis=-1)
    h = mlp_apply(layers, msg)
    h = jnp.where(mask[..., None], h, NEG)
    out = jnp.max(h, axis=2)
    out = jnp.where(jnp.any(mask, axis=2)[..., None], out, 0.0)
    return out, pos_dst

def transition_down(x, pos, ratio, kk, layers):
    B, N, _ = x.shape
    m = int(N * ratio)
    idx = jax.vmap(fps_single, in_axes=(0, None))(lax.stop_gradient(pos), m)
    pos_dst = jnp.take_along_axis(pos, idx[..., None], axis=1)
    d2 = jnp.sum((pos_dst[:, :, None, :] - pos[:, None, :, :]) ** 2, axis=-1)
    _, nbr = lax.top_k(-d2, kk)
    xf = mlp_apply(layers, x, plain_last=False)
    xg = gather_nodes(xf, nbr)
    return jnp.max(xg, axis=2), pos_dst

def _forward(data, params):
    betas = jnp.linspace(1e-4, 0.02, 1000)
    t = jax.random.randint(jax.random.key(1), (), 0, 1000)
    noise = jax.random.normal(jax.random.key(2), data.shape, jnp.float32)
    bt = betas[t]
    noisy = jnp.sqrt(1.0 - bt) * data + jnp.sqrt(bt) * noise
    x1, p1 = sa_module(noisy, noisy, 0.5, 0.2, params["sa1"])
    x1d, p1d = transition_down(x1, p1, 0.25, 16, params["td1"])
    x2, p2 = sa_module(x1d, p1d, 0.25, 0.4, params["sa2"])
    x2d, p2d = transition_down(x2, p2, 0.25, 16, params["td2"])
    h = mlp_apply(params["sa3"], jnp.concatenate([x2d, p2d], axis=-1))
    g = jnp.mean(h, axis=1)
    den = mlp_apply(params["rev"], g)
    y = mlp_apply(params["cls"], den)
    return y

def setup_inputs(seed: int = 0):
    key = jax.random.key(seed)
    kd, kp = jax.random.split(key)
    data = jax.random.normal(kd, (16, 1024, 3), jnp.float32)
    ks = jax.random.split(kp, 7)
    params = {
        "sa1": make_mlp(ks[0], [6, 64, 64, 128]),
        "td1": make_mlp(ks[1], [128, 256], plain_last=False),
        "sa2": make_mlp(ks[2], [259, 128, 128, 256]),
        "td2": make_mlp(ks[3], [256, 512], plain_last=False),
        "sa3": make_mlp(ks[4], [515, 256, 512, 1024]),
        "rev": make_mlp(ks[5], [1024, 256, 256, 1024]),
        "cls": make_mlp(ks[6], [1024, 512, 256, 40], norm=False),
    }
    return {"data": data, "params": params}

def reference(data, params):
    return _forward(data, params)

if __name__ == "__main__":
    import jax
    _d = setup_inputs()
    print(jax.jit(kernel)(*tuple(_d.values())))

</pallas_src>

<mosaic_0001>
#map = affine_map<(d0, d1) -> (0, 0)>
#map1 = affine_map<(d0, d1) -> (0)>
module attributes {stable_mosaic.version = 14 : i64} {
  func.func @k(%arg0: i32, %arg1: i32, %arg2: memref<16384x128xf32, #tpu.memory_space<hbm>>, %arg3: memref<524288xi32, #tpu.memory_space<hbm>>, %arg4: memref<524288x128xf32, #tpu.memory_space<hbm>>, %arg5: memref<128xi32, #tpu.memory_space<vmem>>, %arg6: memref<128x128xf32, #tpu.memory_space<vmem>>, %arg7: memref<!tpu.dma_semaphore, #tpu.memory_space<semaphore_mem>>) attributes {dimension_semantics = [#tpu.dimension_semantics<core_parallel>, #tpu.dimension_semantics<subcore_parallel>], iteration_bounds = array<i64: 2, 16>, scalar_prefetch = 0 : i64, scratch_operands = 3 : i64, tpu.core_type = #tpu.core_type<sc_vector_subcore>, window_params = [{transform_indices = #map}, {transform_indices = #map1}, {transform_indices = #map}]} {
    %mul3A = arith.constant 2 : i32
    %mul3A_0 = arith.muli %arg1, %mul3A : i32
    %add3A = arith.addi %mul3A_0, %arg0 : i32
    %mul3A_1 = arith.constant 16384 : i32
    %mul3A_2 = arith.muli %add3A, %mul3A_1 : i32
    %scan3A = arith.constant 0 : i32
    %scan3A_3 = arith.constant 0 : i32
    %scan3A_4 = arith.constant 128 : i32
    %scan3A_5 = arith.addi %scan3A_3, %scan3A_4 : i32
    %scan3A_6 = arith.constant 1 : i32
    %scan3A_7 = scf.for %scan3A_9 = %scan3A_3 to %scan3A_5 step %scan3A_6 iter_args(%scan3A_10 = %scan3A) -> (i32)  : i32 {
      %mul3A_11 = arith.constant 128 : i32
      %mul3A_12 = arith.muli %scan3A_9, %mul3A_11 : i32
      %add3A_13 = arith.addi %mul3A_2, %mul3A_12 : i32
      "tpu.region"() ({
        %run_scoped3A = tpu.sem_alloc : memref<!tpu.dma_semaphore, #tpu.memory_space<semaphore_mem>>
        %dma_start3A_19 = tpu.memref_slice %arg3[%add3A_13] : memref<524288xi32, #tpu.memory_space<hbm>> -> memref<128xi32, #tpu.memory_space<hbm>>
        %dma_start3A_20 = tpu.memref_slice %arg3[%add3A_13] : memref<524288xi32, #tpu.memory_space<hbm>> -> memref<128xi32, #tpu.memory_space<hbm>>
        tpu.enqueue_dma source(%dma_start3A_20 : memref<128xi32, #tpu.memory_space<hbm>>) target(%arg5 : memref<128xi32, #tpu.memory_space<vmem>>) target_semaphore(%run_scoped3A : memref<!tpu.dma_semaphore, #tpu.memory_space<semaphore_mem>>)
        %dma_wait3A_21 = tpu.memref_slice %arg3[%add3A_13] : memref<524288xi32, #tpu.memory_space<hbm>> -> memref<128xi32, #tpu.memory_space<hbm>>
        %dma_wait3A_22 = tpu.memref_slice %arg3[%add3A_13] : memref<524288xi32, #tpu.memory_space<hbm>> -> memref<128xi32, #tpu.memory_space<hbm>>
        tpu.wait_dma2 semaphore(%run_scoped3A : memref<!tpu.dma_semaphore, #tpu.memory_space<semaphore_mem>>) src(%dma_wait3A_22 : memref<128xi32, #tpu.memory_space<hbm>>) dst(%arg5 : memref<128xi32, #tpu.memory_space<vmem>>)
        tpu.yield
      }) : () -> ()
      %dma_start3A = arith.constant 0 : i32
      %dma_start3A_14 = arith.constant 0 : i32
      %dma_start3A_15 = tpu.memref_slice %arg2[%dma_start3A, %dma_start3A_14] : memref<16384x128xf32, #tpu.memory_space<hbm>> -> memref<16384x128xf32, #tpu.memory_space<hbm>>
      tpu.enqueue_indirect_dma source(%dma_start3A_15 : memref<16384x128xf32, #tpu.memory_space<hbm>>) target(%arg6 : memref<128x128xf32, #tpu.memory_space<vmem>>) offsets(%arg5 : memref<128xi32, #tpu.memory_space<vmem>>) semaphore(%arg7 : memref<!tpu.dma_semaphore, #tpu.memory_space<semaphore_mem>>)
      %dma_wait3A = arith.constant 0 : i32
      %dma_wait3A_16 = arith.constant 0 : i32
      %dma_wait3A_17 = tpu.memref_slice %arg2[%dma_wait3A, %dma_wait3A_16] : memref<16384x128xf32, #tpu.memory_space<hbm>> -> memref<16384x128xf32, #tpu.memory_space<hbm>>
      tpu.wait_indirect_dma semaphore(%arg7 : memref<!tpu.dma_semaphore, #tpu.memory_space<semaphore_mem>>) src(%dma_wait3A_17 : memref<16384x128xf32, #tpu.memory_space<hbm>>) dst(%arg6 : memref<128x128xf32, #tpu.memory_space<vmem>>)
      "tpu.region"() ({
        %run_scoped3A = tpu.sem_alloc : memref<!tpu.dma_semaphore, #tpu.memory_space<semaphore_mem>>
        %dma_start3A_19 = arith.constant 0 : i32
        %dma_start3A_20 = tpu.memref_slice %arg4[%add3A_13, %dma_start3A_19] : memref<524288x128xf32, #tpu.memory_space<hbm>> -> memref<128x128xf32, #tpu.memory_space<hbm>>
        %dma_start3A_21 = arith.constant 0 : i32
        %dma_start3A_22 = tpu.memref_slice %arg4[%add3A_13, %dma_start3A_21] : memref<524288x128xf32, #tpu.memory_space<hbm>> -> memref<128x128xf32, #tpu.memory_space<hbm>>
        tpu.enqueue_dma source(%arg6 : memref<128x128xf32, #tpu.memory_space<vmem>>) target(%dma_start3A_22 : memref<128x128xf32, #tpu.memory_space<hbm>>) target_semaphore(%run_scoped3A : memref<!tpu.dma_semaphore, #tpu.memory_space<semaphore_mem>>)
        %dma_wait3A_23 = arith.constant 0 : i32
        %dma_wait3A_24 = tpu.memref_slice %arg4[%add3A_13, %dma_wait3A_23] : memref<524288x128xf32, #tpu.memory_space<hbm>> -> memref<128x128xf32, #tpu.memory_space<hbm>>
        %dma_wait3A_25 = arith.constant 0 : i32
        %dma_wait3A_26 = tpu.memref_slice %arg4[%add3A_13, %dma_wait3A_25] : memref<524288x128xf32, #tpu.memory_space<hbm>> -> memref<128x128xf32, #tpu.memory_space<hbm>>
        tpu.wait_dma2 semaphore(%run_scoped3A : memref<!tpu.dma_semaphore, #tpu.memory_space<semaphore_mem>>) src(%arg6 : memref<128x128xf32, #tpu.memory_space<vmem>>) dst(%dma_wait3A_26 : memref<128x128xf32, #tpu.memory_space<hbm>>)
        tpu.yield
      }) : () -> ()
      %scan3A_18 = arith.constant 0 : i32
      scf.yield %scan3A_18 : i32
    }
    %scan3A_8 = arith.constant 128 : i32
    return
  }
}

#map = affine_map<(d0, d1) -> (0, 0)>
#map1 = affine_map<(d0, d1) -> (0)>
module attributes {stable_mosaic.version = 14 : i64} {
  func.func @k(%arg0: i32, %arg1: i32, %arg2: memref<8192x256xf32, #tpu.memory_space<hbm>>, %arg3: memref<32768xi32, #tpu.memory_space<hbm>>, %arg4: memref<32768x256xf32, #tpu.memory_space<hbm>>, %arg5: memref<128xi32, #tpu.memory_space<vmem>>, %arg6: memref<128x256xf32, #tpu.memory_space<vmem>>, %arg7: memref<!tpu.dma_semaphore, #tpu.memory_space<semaphore_mem>>) attributes {dimension_semantics = [#tpu.dimension_semantics<core_parallel>, #tpu.dimension_semantics<subcore_parallel>], iteration_bounds = array<i64: 2, 16>, scalar_prefetch = 0 : i64, scratch_operands = 3 : i64, tpu.core_type = #tpu.core_type<sc_vector_subcore>, window_params = [{transform_indices = #map}, {transform_indices = #map1}, {transform_indices = #map}]} {
    %mul3A = arith.constant 2 : i32
    %mul3A_0 = arith.muli %arg1, %mul3A : i32
    %add3A = arith.addi %mul3A_0, %arg0 : i32
    %mul3A_1 = arith.constant 1024 : i32
    %mul3A_2 = arith.muli %add3A, %mul3A_1 : i32
    %scan3A = arith.constant 0 : i32
    %scan3A_3 = arith.constant 0 : i32
    %scan3A_4 = arith.constant 8 : i32
    %scan3A_5 = arith.addi %scan3A_3, %scan3A_4 : i32
    %scan3A_6 = arith.constant 1 : i32
    %scan3A_7 = scf.for %scan3A_9 = %scan3A_3 to %scan3A_5 step %scan3A_6 iter_args(%scan3A_10 = %scan3A) -> (i32)  : i32 {
      %mul3A_11 = arith.constant 128 : i32
      %mul3A_12 = arith.muli %scan3A_9, %mul3A_11 : i32
      %add3A_13 = arith.addi %mul3A_2, %mul3A_12 : i32
      "tpu.region"() ({
        %run_scoped3A = tpu.sem_alloc : memref<!tpu.dma_semaphore, #tpu.memory_space<semaphore_mem>>
        %dma_start3A_19 = tpu.memref_slice %arg3[%add3A_13] : memref<32768xi32, #tpu.memory_space<hbm>> -> memref<128xi32, #tpu.memory_space<hbm>>
        %dma_start3A_20 = tpu.memref_slice %arg3[%add3A_13] : memref<32768xi32, #tpu.memory_space<hbm>> -> memref<128xi32, #tpu.memory_space<hbm>>
        tpu.enqueue_dma source(%dma_start3A_20 : memref<128xi32, #tpu.memory_space<hbm>>) target(%arg5 : memref<128xi32, #tpu.memory_space<vmem>>) target_semaphore(%run_scoped3A : memref<!tpu.dma_semaphore, #tpu.memory_space<semaphore_mem>>)
        %dma_wait3A_21 = tpu.memref_slice %arg3[%add3A_13] : memref<32768xi32, #tpu.memory_space<hbm>> -> memref<128xi32, #tpu.memory_space<hbm>>
        %dma_wait3A_22 = tpu.memref_slice %arg3[%add3A_13] : memref<32768xi32, #tpu.memory_space<hbm>> -> memref<128xi32, #tpu.memory_space<hbm>>
        tpu.wait_dma2 semaphore(%run_scoped3A : memref<!tpu.dma_semaphore, #tpu.memory_space<semaphore_mem>>) src(%dma_wait3A_22 : memref<128xi32, #tpu.memory_space<hbm>>) dst(%arg5 : memref<128xi32, #tpu.memory_space<vmem>>)
        tpu.yield
      }) : () -> ()
      %dma_start3A = arith.constant 0 : i32
      %dma_start3A_14 = arith.constant 0 : i32
      %dma_start3A_15 = tpu.memref_slice %arg2[%dma_start3A, %dma_start3A_14] : memref<8192x256xf32, #tpu.memory_space<hbm>> -> memref<8192x256xf32, #tpu.memory_space<hbm>>
      tpu.enqueue_indirect_dma source(%dma_start3A_15 : memref<8192x256xf32, #tpu.memory_space<hbm>>) target(%arg6 : memref<128x256xf32, #tpu.memory_space<vmem>>) offsets(%arg5 : memref<128xi32, #tpu.memory_space<vmem>>) semaphore(%arg7 : memref<!tpu.dma_semaphore, #tpu.memory_space<semaphore_mem>>)
      %dma_wait3A = arith.constant 0 : i32
      %dma_wait3A_16 = arith.constant 0 : i32
      %dma_wait3A_17 = tpu.memref_slice %arg2[%dma_wait3A, %dma_wait3A_16] : memref<8192x256xf32, #tpu.memory_space<hbm>> -> memref<8192x256xf32, #tpu.memory_space<hbm>>
      tpu.wait_indirect_dma semaphore(%arg7 : memref<!tpu.dma_semaphore, #tpu.memory_space<semaphore_mem>>) src(%dma_wait3A_17 : memref<8192x256xf32, #tpu.memory_space<hbm>>) dst(%arg6 : memref<128x256xf32, #tpu.memory_space<vmem>>)
      "tpu.region"() ({
        %run_scoped3A = tpu.sem_alloc : memref<!tpu.dma_semaphore, #tpu.memory_space<semaphore_mem>>
        %dma_start3A_19 = arith.constant 0 : i32
        %dma_start3A_20 = tpu.memref_slice %arg4[%add3A_13, %dma_start3A_19] : memref<32768x256xf32, #tpu.memory_space<hbm>> -> memref<128x256xf32, #tpu.memory_space<hbm>>
        %dma_start3A_21 = arith.constant 0 : i32
        %dma_start3A_22 = tpu.memref_slice %arg4[%add3A_13, %dma_start3A_21] : memref<32768x256xf32, #tpu.memory_space<hbm>> -> memref<128x256xf32, #tpu.memory_space<hbm>>
        tpu.enqueue_dma source(%arg6 : memref<128x256xf32, #tpu.memory_space<vmem>>) target(%dma_start3A_22 : memref<128x256xf32, #tpu.memory_space<hbm>>) target_semaphore(%run_scoped3A : memref<!tpu.dma_semaphore, #tpu.memory_space<semaphore_mem>>)
        %dma_wait3A_23 = arith.constant 0 : i32
        %dma_wait3A_24 = tpu.memref_slice %arg4[%add3A_13, %dma_wait3A_23] : memref<32768x256xf32, #tpu.memory_space<hbm>> -> memref<128x256xf32, #tpu.memory_space<hbm>>
        %dma_wait3A_25 = arith.constant 0 : i32
        %dma_wait3A_26 = tpu.memref_slice %arg4[%add3A_13, %dma_wait3A_25] : memref<32768x256xf32, #tpu.memory_space<hbm>> -> memref<128x256xf32, #tpu.memory_space<hbm>>
        tpu.wait_dma2 semaphore(%run_scoped3A : memref<!tpu.dma_semaphore, #tpu.memory_space<semaphore_mem>>) src(%arg6 : memref<128x256xf32, #tpu.memory_space<vmem>>) dst(%dma_wait3A_26 : memref<128x256xf32, #tpu.memory_space<hbm>>)
        tpu.yield
      }) : () -> ()
      %scan3A_18 = arith.constant 0 : i32
      scf.yield %scan3A_18 : i32
    }
    %scan3A_8 = arith.constant 8 : i32
    return
  }
}

#map = affine_map<(d0, d1) -> (0, 0)>
#map1 = affine_map<(d0, d1) -> (0)>
module attributes {stable_mosaic.version = 14 : i64} {
  func.func @k(%arg0: i32, %arg1: i32, %arg2: memref<2048x384xf32, #tpu.memory_space<hbm>>, %arg3: memref<32768xi32, #tpu.memory_space<hbm>>, %arg4: memref<32768x384xf32, #tpu.memory_space<hbm>>, %arg5: memref<128xi32, #tpu.memory_space<vmem>>, %arg6: memref<128x384xf32, #tpu.memory_space<vmem>>, %arg7: memref<!tpu.dma_semaphore, #tpu.memory_space<semaphore_mem>>) attributes {dimension_semantics = [#tpu.dimension_semantics<core_parallel>, #tpu.dimension_semantics<subcore_parallel>], iteration_bounds = array<i64: 2, 16>, scalar_prefetch = 0 : i64, scratch_operands = 3 : i64, tpu.core_type = #tpu.core_type<sc_vector_subcore>, window_params = [{transform_indices = #map}, {transform_indices = #map1}, {transform_indices = #map}]} {
    %mul3A = arith.constant 2 : i32
    %mul3A_0 = arith.muli %arg1, %mul3A : i32
    %add3A = arith.addi %mul3A_0, %arg0 : i32
    %mul3A_1 = arith.constant 1024 : i32
    %mul3A_2 = arith.muli %add3A, %mul3A_1 : i32
    %scan3A = arith.constant 0 : i32
    %scan3A_3 = arith.constant 0 : i32
    %scan3A_4 = arith.constant 8 : i32
    %scan3A_5 = arith.addi %scan3A_3, %scan3A_4 : i32
    %scan3A_6 = arith.constant 1 : i32
    %scan3A_7 = scf.for %scan3A_9 = %scan3A_3 to %scan3A_5 step %scan3A_6 iter_args(%scan3A_10 = %scan3A) -> (i32)  : i32 {
      %mul3A_11 = arith.constant 128 : i32
      %mul3A_12 = arith.muli %scan3A_9, %mul3A_11 : i32
      %add3A_13 = arith.addi %mul3A_2, %mul3A_12 : i32
      "tpu.region"() ({
        %run_scoped3A = tpu.sem_alloc : memref<!tpu.dma_semaphore, #tpu.memory_space<semaphore_mem>>
        %dma_start3A_19 = tpu.memref_slice %arg3[%add3A_13] : memref<32768xi32, #tpu.memory_space<hbm>> -> memref<128xi32, #tpu.memory_space<hbm>>
        %dma_start3A_20 = tpu.memref_slice %arg3[%add3A_13] : memref<32768xi32, #tpu.memory_space<hbm>> -> memref<128xi32, #tpu.memory_space<hbm>>
        tpu.enqueue_dma source(%dma_start3A_20 : memref<128xi32, #tpu.memory_space<hbm>>) target(%arg5 : memref<128xi32, #tpu.memory_space<vmem>>) target_semaphore(%run_scoped3A : memref<!tpu.dma_semaphore, #tpu.memory_space<semaphore_mem>>)
        %dma_wait3A_21 = tpu.memref_slice %arg3[%add3A_13] : memref<32768xi32, #tpu.memory_space<hbm>> -> memref<128xi32, #tpu.memory_space<hbm>>
        %dma_wait3A_22 = tpu.memref_slice %arg3[%add3A_13] : memref<32768xi32, #tpu.memory_space<hbm>> -> memref<128xi32, #tpu.memory_space<hbm>>
        tpu.wait_dma2 semaphore(%run_scoped3A : memref<!tpu.dma_semaphore, #tpu.memory_space<semaphore_mem>>) src(%dma_wait3A_22 : memref<128xi32, #tpu.memory_space<hbm>>) dst(%arg5 : memref<128xi32, #tpu.memory_space<vmem>>)
        tpu.yield
      }) : () -> ()
      %dma_start3A = arith.constant 0 : i32
      %dma_start3A_14 = arith.constant 0 : i32
      %dma_start3A_15 = tpu.memref_slice %arg2[%dma_start3A, %dma_start3A_14] : memref<2048x384xf32, #tpu.memory_space<hbm>> -> memref<2048x384xf32, #tpu.memory_space<hbm>>
      tpu.enqueue_indirect_dma source(%dma_start3A_15 : memref<2048x384xf32, #tpu.memory_space<hbm>>) target(%arg6 : memref<128x384xf32, #tpu.memory_space<vmem>>) offsets(%arg5 : memref<128xi32, #tpu.memory_space<vmem>>) semaphore(%arg7 : memref<!tpu.dma_semaphore, #tpu.memory_space<semaphore_mem>>)
      %dma_wait3A = arith.constant 0 : i32
      %dma_wait3A_16 = arith.constant 0 : i32
      %dma_wait3A_17 = tpu.memref_slice %arg2[%dma_wait3A, %dma_wait3A_16] : memref<2048x384xf32, #tpu.memory_space<hbm>> -> memref<2048x384xf32, #tpu.memory_space<hbm>>
      tpu.wait_indirect_dma semaphore(%arg7 : memref<!tpu.dma_semaphore, #tpu.memory_space<semaphore_mem>>) src(%dma_wait3A_17 : memref<2048x384xf32, #tpu.memory_space<hbm>>) dst(%arg6 : memref<128x384xf32, #tpu.memory_space<vmem>>)
      "tpu.region"() ({
        %run_scoped3A = tpu.sem_alloc : memref<!tpu.dma_semaphore, #tpu.memory_space<semaphore_mem>>
        %dma_start3A_19 = arith.constant 0 : i32
        %dma_start3A_20 = tpu.memref_slice %arg4[%add3A_13, %dma_start3A_19] : memref<32768x384xf32, #tpu.memory_space<hbm>> -> memref<128x384xf32, #tpu.memory_space<hbm>>
        %dma_start3A_21 = arith.constant 0 : i32
        %dma_start3A_22 = tpu.memref_slice %arg4[%add3A_13, %dma_start3A_21] : memref<32768x384xf32, #tpu.memory_space<hbm>> -> memref<128x384xf32, #tpu.memory_space<hbm>>
        tpu.enqueue_dma source(%arg6 : memref<128x384xf32, #tpu.memory_space<vmem>>) target(%dma_start3A_22 : memref<128x384xf32, #tpu.memory_space<hbm>>) target_semaphore(%run_scoped3A : memref<!tpu.dma_semaphore, #tpu.memory_space<semaphore_mem>>)
        %dma_wait3A_23 = arith.constant 0 : i32
        %dma_wait3A_24 = tpu.memref_slice %arg4[%add3A_13, %dma_wait3A_23] : memref<32768x384xf32, #tpu.memory_space<hbm>> -> memref<128x384xf32, #tpu.memory_space<hbm>>
        %dma_wait3A_25 = arith.constant 0 : i32
        %dma_wait3A_26 = tpu.memref_slice %arg4[%add3A_13, %dma_wait3A_25] : memref<32768x384xf32, #tpu.memory_space<hbm>> -> memref<128x384xf32, #tpu.memory_space<hbm>>
        tpu.wait_dma2 semaphore(%run_scoped3A : memref<!tpu.dma_semaphore, #tpu.memory_space<semaphore_mem>>) src(%arg6 : memref<128x384xf32, #tpu.memory_space<vmem>>) dst(%dma_wait3A_26 : memref<128x384xf32, #tpu.memory_space<hbm>>)
        tpu.yield
      }) : () -> ()
      %scan3A_18 = arith.constant 0 : i32
      scf.yield %scan3A_18 : i32
    }
    %scan3A_8 = arith.constant 8 : i32
    return
  }
}

#map = affine_map<(d0, d1) -> (0, 0)>
#map1 = affine_map<(d0, d1) -> (0)>
module attributes {stable_mosaic.version = 14 : i64} {
  func.func @k(%arg0: i32, %arg1: i32, %arg2: memref<512x512xf32, #tpu.memory_space<hbm>>, %arg3: memref<2048xi32, #tpu.memory_space<hbm>>, %arg4: memref<2048x512xf32, #tpu.memory_space<hbm>>, %arg5: memref<64xi32, #tpu.memory_space<vmem>>, %arg6: memref<64x512xf32, #tpu.memory_space<vmem>>, %arg7: memref<!tpu.dma_semaphore, #tpu.memory_space<semaphore_mem>>) attributes {dimension_semantics = [#tpu.dimension_semantics<core_parallel>, #tpu.dimension_semantics<subcore_parallel>], iteration_bounds = array<i64: 2, 16>, scalar_prefetch = 0 : i64, scratch_operands = 3 : i64, tpu.core_type = #tpu.core_type<sc_vector_subcore>, window_params = [{transform_indices = #map}, {transform_indices = #map1}, {transform_indices = #map}]} {
    %mul3A = arith.constant 2 : i32
    %mul3A_0 = arith.muli %arg1, %mul3A : i32
    %add3A = arith.addi %mul3A_0, %arg0 : i32
    %mul3A_1 = arith.constant 64 : i32
    %mul3A_2 = arith.muli %add3A, %mul3A_1 : i32
    %scan3A = arith.constant 0 : i32
    %scan3A_3 = arith.constant 0 : i32
    %mul3A_4 = arith.constant 64 : i32
    %mul3A_5 = arith.muli %scan3A_3, %mul3A_4 : i32
    %add3A_6 = arith.addi %mul3A_2, %mul3A_5 : i32
    "tpu.region"() ({
      %run_scoped3A = tpu.sem_alloc : memref<!tpu.dma_semaphore, #tpu.memory_space<semaphore_mem>>
      %dma_start3A_13 = tpu.memref_slice %arg3[%add3A_6] : memref<2048xi32, #tpu.memory_space<hbm>> -> memref<64xi32, #tpu.memory_space<hbm>>
      %dma_start3A_14 = tpu.memref_slice %arg3[%add3A_6] : memref<2048xi32, #tpu.memory_space<hbm>> -> memref<64xi32, #tpu.memory_space<hbm>>
      tpu.enqueue_dma source(%dma_start3A_14 : memref<64xi32, #tpu.memory_space<hbm>>) target(%arg5 : memref<64xi32, #tpu.memory_space<vmem>>) target_semaphore(%run_scoped3A : memref<!tpu.dma_semaphore, #tpu.memory_space<semaphore_mem>>)
      %dma_wait3A_15 = tpu.memref_slice %arg3[%add3A_6] : memref<2048xi32, #tpu.memory_space<hbm>> -> memref<64xi32, #tpu.memory_space<hbm>>
      %dma_wait3A_16 = tpu.memref_slice %arg3[%add3A_6] : memref<2048xi32, #tpu.memory_space<hbm>> -> memref<64xi32, #tpu.memory_space<hbm>>
      tpu.wait_dma2 semaphore(%run_scoped3A : memref<!tpu.dma_semaphore, #tpu.memory_space<semaphore_mem>>) src(%dma_wait3A_16 : memref<64xi32, #tpu.memory_space<hbm>>) dst(%arg5 : memref<64xi32, #tpu.memory_space<vmem>>)
      tpu.yield
    }) : () -> ()
    %dma_start3A = arith.constant 0 : i32
    %dma_start3A_7 = arith.constant 0 : i32
    %dma_start3A_8 = tpu.memref_slice %arg2[%dma_start3A, %dma_start3A_7] : memref<512x512xf32, #tpu.memory_space<hbm>> -> memref<512x512xf32, #tpu.memory_space<hbm>>
    tpu.enqueue_indirect_dma source(%dma_start3A_8 : memref<512x512xf32, #tpu.memory_space<hbm>>) target(%arg6 : memref<64x512xf32, #tpu.memory_space<vmem>>) offsets(%arg5 : memref<64xi32, #tpu.memory_space<vmem>>) semaphore(%arg7 : memref<!tpu.dma_semaphore, #tpu.memory_space<semaphore_mem>>)
    %dma_wait3A = arith.constant 0 : i32
    %dma_wait3A_9 = arith.constant 0 : i32
    %dma_wait3A_10 = tpu.memref_slice %arg2[%dma_wait3A, %dma_wait3A_9] : memref<512x512xf32, #tpu.memory_space<hbm>> -> memref<512x512xf32, #tpu.memory_space<hbm>>
    tpu.wait_indirect_dma semaphore(%arg7 : memref<!tpu.dma_semaphore, #tpu.memory_space<semaphore_mem>>) src(%dma_wait3A_10 : memref<512x512xf32, #tpu.memory_space<hbm>>) dst(%arg6 : memref<64x512xf32, #tpu.memory_space<vmem>>)
    "tpu.region"() ({
      %run_scoped3A = tpu.sem_alloc : memref<!tpu.dma_semaphore, #tpu.memory_space<semaphore_mem>>
      %dma_start3A_13 = arith.constant 0 : i32
      %dma_start3A_14 = tpu.memref_slice %arg4[%add3A_6, %dma_start3A_13] : memref<2048x512xf32, #tpu.memory_space<hbm>> -> memref<64x512xf32, #tpu.memory_space<hbm>>
      %dma_start3A_15 = arith.constant 0 : i32
      %dma_start3A_16 = tpu.memref_slice %arg4[%add3A_6, %dma_start3A_15] : memref<2048x512xf32, #tpu.memory_space<hbm>> -> memref<64x512xf32, #tpu.memory_space<hbm>>
      tpu.enqueue_dma source(%arg6 : memref<64x512xf32, #tpu.memory_space<vmem>>) target(%dma_start3A_16 : memref<64x512xf32, #tpu.memory_space<hbm>>) target_semaphore(%run_scoped3A : memref<!tpu.dma_semaphore, #tpu.memory_space<semaphore_mem>>)
      %dma_wait3A_17 = arith.constant 0 : i32
      %dma_wait3A_18 = tpu.memref_slice %arg4[%add3A_6, %dma_wait3A_17] : memref<2048x512xf32, #tpu.memory_space<hbm>> -> memref<64x512xf32, #tpu.memory_space<hbm>>
      %dma_wait3A_19 = arith.constant 0 : i32
      %dma_wait3A_20 = tpu.memref_slice %arg4[%add3A_6, %dma_wait3A_19] : memref<2048x512xf32, #tpu.memory_space<hbm>> -> memref<64x512xf32, #tpu.memory_space<hbm>>
      tpu.wait_dma2 semaphore(%run_scoped3A : memref<!tpu.dma_semaphore, #tpu.memory_space<semaphore_mem>>) src(%arg6 : memref<64x512xf32, #tpu.memory_space<vmem>>) dst(%dma_wait3A_20 : memref<64x512xf32, #tpu.memory_space<hbm>>)
      tpu.yield
    }) : () -> ()
    %scan3A_11 = arith.constant 0 : i32
    %scan3A_12 = arith.constant 1 : i32
    return
  }
}

module attributes {stable_mosaic.version = 14 : i64} {
  func.func @_fps_body(%arg0: memref<1024x16xf32, #tpu.memory_space<vmem>>, %arg1: memref<1024x16xf32, #tpu.memory_space<vmem>>, %arg2: memref<1024x16xf32, #tpu.memory_space<vmem>>, %arg3: memref<512x16xi32, #tpu.memory_space<vmem>>, %arg4: memref<1024x16xf32, #tpu.memory_space<vmem>>) attributes {dimension_semantics = [], scalar_prefetch = 0 : i64, scratch_operands = 1 : i64, tpu.core_type = #tpu.core_type<tc>} {
    %get3A = arith.constant 0 : index
    %get3A_0 = arith.constant 0 : index
    %get3A_1 = vector.load %arg0[%get3A, %get3A_0] : memref<1024x16xf32, #tpu.memory_space<vmem>>, vector<1024x16xf32>
    %get3A_2 = arith.constant 0 : index
    %get3A_3 = arith.constant 0 : index
    %get3A_4 = vector.load %arg1[%get3A_2, %get3A_3] : memref<1024x16xf32, #tpu.memory_space<vmem>>, vector<1024x16xf32>
    %get3A_5 = arith.constant 0 : index
    %get3A_6 = arith.constant 0 : index
    %get3A_7 = vector.load %arg2[%get3A_5, %get3A_6] : memref<1024x16xf32, #tpu.memory_space<vmem>>, vector<1024x16xf32>
    %slice3A = vector.extract_strided_slice %get3A_1 {offsets = [0, 0], sizes = [1, 16], strides = [1, 1]} : vector<1024x16xf32> to vector<1x16xf32>
    %sub3A = vector.broadcast %slice3A : vector<1x16xf32> to vector<1024x16xf32>
    %sub3A_8 = arith.subf %get3A_1, %sub3A : vector<1024x16xf32>
    %integer_pow3A = arith.mulf %sub3A_8, %sub3A_8 : vector<1024x16xf32>
    %slice3A_9 = vector.extract_strided_slice %get3A_4 {offsets = [0, 0], sizes = [1, 16], strides = [1, 1]} : vector<1024x16xf32> to vector<1x16xf32>
    %sub3A_10 = vector.broadcast %slice3A_9 : vector<1x16xf32> to vector<1024x16xf32>
    %sub3A_11 = arith.subf %get3A_4, %sub3A_10 : vector<1024x16xf32>
    %integer_pow3A_12 = arith.mulf %sub3A_11, %sub3A_11 : vector<1024x16xf32>
    %add3A = arith.addf %integer_pow3A, %integer_pow3A_12 : vector<1024x16xf32>
    %slice3A_13 = vector.extract_strided_slice %get3A_7 {offsets = [0, 0], sizes = [1, 16], strides = [1, 1]} : vector<1024x16xf32> to vector<1x16xf32>
    %sub3A_14 = vector.broadcast %slice3A_13 : vector<1x16xf32> to vector<1024x16xf32>
    %sub3A_15 = arith.subf %get3A_7, %sub3A_14 : vector<1024x16xf32>
    %integer_pow3A_16 = arith.mulf %sub3A_15, %sub3A_15 : vector<1024x16xf32>
    %add3A_17 = arith.addf %add3A, %integer_pow3A_16 : vector<1024x16xf32>
    %swap3A = arith.constant 0 : index
    %swap3A_18 = arith.constant 0 : index
    %swap3A_19 = vector.load %arg4[%swap3A, %swap3A_18] : memref<1024x16xf32, #tpu.memory_space<vmem>>, vector<1024x16xf32>
    tpu.vector_store %arg4[%swap3A, %swap3A_18], %add3A_17 {strides = array<i32>} : memref<1024x16xf32, #tpu.memory_space<vmem>>, vector<1024x16xf32>,
    %broadcast_in_dim3A = arith.constant 0 : i32
    %broadcast_in_dim3A_20 = vector.broadcast %broadcast_in_dim3A : i32 to vector<1x16xi32>
    %swap3A_21 = arith.constant 0 : index
    %swap3A_22 = arith.constant 0 : index
    %swap3A_23 = vector.load %arg3[%swap3A_21, %swap3A_22] : memref<512x16xi32, #tpu.memory_space<vmem>>, vector<1x16xi32>
    tpu.vector_store %arg3[%swap3A_21, %swap3A_22], %broadcast_in_dim3A_20 {strides = array<i32>} : memref<512x16xi32, #tpu.memory_space<vmem>>, vector<1x16xi32>,
    %iota3A = tpu.iota {dimensions = array<i32: 0>} : vector<1024x16xi32>
    %scan3A = arith.constant 1 : i32
    %scan3A_24 = arith.constant 511 : i32
    %scan3A_25 = arith.addi %scan3A, %scan3A_24 : i32
    %scan3A_26 = arith.constant 1 : i32
    scf.for %scan3A_28 = %scan3A to %scan3A_25 step %scan3A_26  : i32 {
      %get3A_29 = arith.constant 0 : index
      %get3A_30 = arith.constant 0 : index
      %get3A_31 = vector.load %arg4[%get3A_29, %get3A_30] : memref<1024x16xf32, #tpu.memory_space<vmem>>, vector<1024x16xf32>
      %reduce_max3A = arith.constant dense<0xFF800000> : vector<16xf32>
      %reduce_max3A_32 = vector.multi_reduction <maximumf>, %get3A_31, %reduce_max3A [0] : vector<1024x16xf32> to vector<16xf32>
      %broadcast_in_dim3A_33 = vector.shape_cast %reduce_max3A_32 : vector<16xf32> to vector<1x16xf32>
      %eq3A = vector.broadcast %broadcast_in_dim3A_33 : vector<1x16xf32> to vector<1024x16xf32>
      %eq3A_34 = arith.cmpf oeq, %get3A_31, %eq3A : vector<1024x16xf32>
      %jit3A = arith.constant 1024 : i32
      %broadcast_in_dim3A_35 = vector.broadcast %jit3A : i32 to vector<1024x16xi32>
      %select_n3A = arith.select %eq3A_34, %iota3A, %broadcast_in_dim3A_35 : vector<1024x16xi1>, vector<1024x16xi32>
      %reduce_min3A = arith.constant dense<2147483647> : vector<16xi32>
      %reduce_min3A_36 = vector.multi_reduction <minsi>, %select_n3A, %reduce_min3A [0] : vector<1024x16xi32> to vector<16xi32>
      %broadcast_in_dim3A_37 = vector.shape_cast %reduce_min3A_36 : vector<16xi32> to vector<1x16xi32>
      %eq3A_38 = vector.broadcast %broadcast_in_dim3A_37 : vector<1x16xi32> to vector<1024x16xi32>
      %eq3A_39 = arith.cmpi eq, %iota3A, %eq3A_38 : vector<1024x16xi32>
      %jit3A_40 = arith.constant 0.000000e+00 : f32
      %broadcast_in_dim3A_41 = vector.broadcast %jit3A_40 : f32 to vector<1024x16xf32>
      %select_n3A_42 = arith.select %eq3A_39, %get3A_1, %broadcast_in_dim3A_41 : vector<1024x16xi1>, vector<1024x16xf32>
      %reduce_sum3A = arith.constant dense<0.000000e+00> : vector<16xf32>
      %reduce_sum3A_43 = vector.multi_reduction <add>, %select_n3A_42, %reduce_sum3A [0] : vector<1024x16xf32> to vector<16xf32>
      %broadcast_in_dim3A_44 = vector.shape_cast %reduce_sum3A_43 : vector<16xf32> to vector<1x16xf32>
      %jit3A_45 = arith.constant 0.000000e+00 : f32
      %broadcast_in_dim3A_46 = vector.broadcast %jit3A_45 : f32 to vector<1024x16xf32>
      %select_n3A_47 = arith.select %eq3A_39, %get3A_4, %broadcast_in_dim3A_46 : vector<1024x16xi1>, vector<1024x16xf32>
      %reduce_sum3A_48 = arith.constant dense<0.000000e+00> : vector<16xf32>
      %reduce_sum3A_49 = vector.multi_reduction <add>, %select_n3A_47, %reduce_sum3A_48 [0] : vector<1024x16xf32> to vector<16xf32>
      %broadcast_in_dim3A_50 = vector.shape_cast %reduce_sum3A_49 : vector<16xf32> to vector<1x16xf32>
      %jit3A_51 = arith.constant 0.000000e+00 : f32
      %broadcast_in_dim3A_52 = vector.broadcast %jit3A_51 : f32 to vector<1024x16xf32>
      %select_n3A_53 = arith.select %eq3A_39, %get3A_7, %broadcast_in_dim3A_52 : vector<1024x16xi1>, vector<1024x16xf32>
      %reduce_sum3A_54 = arith.constant dense<0.000000e+00> : vector<16xf32>
      %reduce_sum3A_55 = vector.multi_reduction <add>, %select_n3A_53, %reduce_sum3A_54 [0] : vector<1024x16xf32> to vector<16xf32>
      %broadcast_in_dim3A_56 = vector.shape_cast %reduce_sum3A_55 : vector<16xf32> to vector<1x16xf32>
      %sub3A_57 = vector.broadcast %broadcast_in_dim3A_44 : vector<1x16xf32> to vector<1024x16xf32>
      %sub3A_58 = arith.subf %get3A_1, %sub3A_57 : vector<1024x16xf32>
      %integer_pow3A_59 = arith.mulf %sub3A_58, %sub3A_58 : vector<1024x16xf32>
      %sub3A_60 = vector.broadcast %broadcast_in_dim3A_50 : vector<1x16xf32> to vector<1024x16xf32>
      %sub3A_61 = arith.subf %get3A_4, %sub3A_60 : vector<1024x16xf32>
      %integer_pow3A_62 = arith.mulf %sub3A_61, %sub3A_61 : vector<1024x16xf32>
      %add3A_63 = arith.addf %integer_pow3A_59, %integer_pow3A_62 : vector<1024x16xf32>
      %sub3A_64 = vector.broadcast %broadcast_in_dim3A_56 : vector<1x16xf32> to vector<1024x16xf32>
      %sub3A_65 = arith.subf %get3A_7, %sub3A_64 : vector<1024x16xf32>
      %integer_pow3A_66 = arith.mulf %sub3A_65, %sub3A_65 : vector<1024x16xf32>
      %add3A_67 = arith.addf %add3A_63, %integer_pow3A_66 : vector<1024x16xf32>
      %min3A = arith.minimumf %get3A_31, %add3A_67 : vector<1024x16xf32>
      %swap3A_68 = arith.constant 0 : index
      %swap3A_69 = arith.constant 0 : index
      %swap3A_70 = vector.load %arg4[%swap3A_68, %swap3A_69] : memref<1024x16xf32, #tpu.memory_space<vmem>>, vector<1024x16xf32>
      tpu.vector_store %arg4[%swap3A_68, %swap3A_69], %min3A {strides = array<i32>} : memref<1024x16xf32, #tpu.memory_space<vmem>>, vector<1024x16xf32>,
      %swap3A_71 = arith.index_cast %scan3A_28 : i32 to index
      %swap3A_72 = arith.constant 0 : index
      %swap3A_73 = vector.load %arg3[%swap3A_71, %swap3A_72] : memref<512x16xi32, #tpu.memory_space<vmem>>, vector<1x16xi32>
      tpu.vector_store %arg3[%swap3A_71, %swap3A_72], %broadcast_in_dim3A_37 {strides = array<i32>} : memref<512x16xi32, #tpu.memory_space<vmem>>, vector<1x16xi32>,
    }
    %scan3A_27 = arith.constant 511 : i32
    return
  }
}

module attributes {stable_mosaic.version = 14 : i64} {
  func.func @_fps_body(%arg0: memref<512x16xf32, #tpu.memory_space<vmem>>, %arg1: memref<512x16xf32, #tpu.memory_space<vmem>>, %arg2: memref<512x16xf32, #tpu.memory_space<vmem>>, %arg3: memref<128x16xi32, #tpu.memory_space<vmem>>, %arg4: memref<512x16xf32, #tpu.memory_space<vmem>>) attributes {dimension_semantics = [], scalar_prefetch = 0 : i64, scratch_operands = 1 : i64, tpu.core_type = #tpu.core_type<tc>} {
    %get3A = arith.constant 0 : index
    %get3A_0 = arith.constant 0 : index
    %get3A_1 = vector.load %arg0[%get3A, %get3A_0] : memref<512x16xf32, #tpu.memory_space<vmem>>, vector<512x16xf32>
    %get3A_2 = arith.constant 0 : index
    %get3A_3 = arith.constant 0 : index
    %get3A_4 = vector.load %arg1[%get3A_2, %get3A_3] : memref<512x16xf32, #tpu.memory_space<vmem>>, vector<512x16xf32>
    %get3A_5 = arith.constant 0 : index
    %get3A_6 = arith.constant 0 : index
    %get3A_7 = vector.load %arg2[%get3A_5, %get3A_6] : memref<512x16xf32, #tpu.memory_space<vmem>>, vector<512x16xf32>
    %slice3A = vector.extract_strided_slice %get3A_1 {offsets = [0, 0], sizes = [1, 16], strides = [1, 1]} : vector<512x16xf32> to vector<1x16xf32>
    %sub3A = vector.broadcast %slice3A : vector<1x16xf32> to vector<512x16xf32>
    %sub3A_8 = arith.subf %get3A_1, %sub3A : vector<512x16xf32>
    %integer_pow3A = arith.mulf %sub3A_8, %sub3A_8 : vector<512x16xf32>
    %slice3A_9 = vector.extract_strided_slice %get3A_4 {offsets = [0, 0], sizes = [1, 16], strides = [1, 1]} : vector<512x16xf32> to vector<1x16xf32>
    %sub3A_10 = vector.broadcast %slice3A_9 : vector<1x16xf32> to vector<512x16xf32>
    %sub3A_11 = arith.subf %get3A_4, %sub3A_10 : vector<512x16xf32>
    %integer_pow3A_12 = arith.mulf %sub3A_11, %sub3A_11 : vector<512x16xf32>
    %add3A = arith.addf %integer_pow3A, %integer_pow3A_12 : vector<512x16xf32>
    %slice3A_13 = vector.extract_strided_slice %get3A_7 {offsets = [0, 0], sizes = [1, 16], strides = [1, 1]} : vector<512x16xf32> to vector<1x16xf32>
    %sub3A_14 = vector.broadcast %slice3A_13 : vector<1x16xf32> to vector<512x16xf32>
    %sub3A_15 = arith.subf %get3A_7, %sub3A_14 : vector<512x16xf32>
    %integer_pow3A_16 = arith.mulf %sub3A_15, %sub3A_15 : vector<512x16xf32>
    %add3A_17 = arith.addf %add3A, %integer_pow3A_16 : vector<512x16xf32>
    %swap3A = arith.constant 0 : index
    %swap3A_18 = arith.constant 0 : index
    %swap3A_19 = vector.load %arg4[%swap3A, %swap3A_18] : memref<512x16xf32, #tpu.memory_space<vmem>>, vector<512x16xf32>
    tpu.vector_store %arg4[%swap3A, %swap3A_18], %add3A_17 {strides = array<i32>} : memref<512x16xf32, #tpu.memory_space<vmem>>, vector<512x16xf32>,
    %broadcast_in_dim3A = arith.constant 0 : i32
    %broadcast_in_dim3A_20 = vector.broadcast %broadcast_in_dim3A : i32 to vector<1x16xi32>
    %swap3A_21 = arith.constant 0 : index
    %swap3A_22 = arith.constant 0 : index
    %swap3A_23 = vector.load %arg3[%swap3A_21, %swap3A_22] : memref<128x16xi32, #tpu.memory_space<vmem>>, vector<1x16xi32>
    tpu.vector_store %arg3[%swap3A_21, %swap3A_22], %broadcast_in_dim3A_20 {strides = array<i32>} : memref<128x16xi32, #tpu.memory_space<vmem>>, vector<1x16xi32>,
    %iota3A = tpu.iota {dimensions = array<i32: 0>} : vector<512x16xi32>
    %scan3A = arith.constant 1 : i32
    %scan3A_24 = arith.constant 127 : i32
    %scan3A_25 = arith.addi %scan3A, %scan3A_24 : i32
    %scan3A_26 = arith.constant 1 : i32
    scf.for %scan3A_28 = %scan3A to %scan3A_25 step %scan3A_26  : i32 {
      %get3A_29 = arith.constant 0 : index
      %get3A_30 = arith.constant 0 : index
      %get3A_31 = vector.load %arg4[%get3A_29, %get3A_30] : memref<512x16xf32, #tpu.memory_space<vmem>>, vector<512x16xf32>
      %reduce_max3A = arith.constant dense<0xFF800000> : vector<16xf32>
      %reduce_max3A_32 = vector.multi_reduction <maximumf>, %get3A_31, %reduce_max3A [0] : vector<512x16xf32> to vector<16xf32>
      %broadcast_in_dim3A_33 = vector.shape_cast %reduce_max3A_32 : vector<16xf32> to vector<1x16xf32>
      %eq3A = vector.broadcast %broadcast_in_dim3A_33 : vector<1x16xf32> to vector<512x16xf32>
      %eq3A_34 = arith.cmpf oeq, %get3A_31, %eq3A : vector<512x16xf32>
      %jit3A = arith.constant 512 : i32
      %broadcast_in_dim3A_35 = vector.broadcast %jit3A : i32 to vector<512x16xi32>
      %select_n3A = arith.select %eq3A_34, %iota3A, %broadcast_in_dim3A_35 : vector<512x16xi1>, vector<512x16xi32>
      %reduce_min3A = arith.constant dense<2147483647> : vector<16xi32>
      %reduce_min3A_36 = vector.multi_reduction <minsi>, %select_n3A, %reduce_min3A [0] : vector<512x16xi32> to vector<16xi32>
      %broadcast_in_dim3A_37 = vector.shape_cast %reduce_min3A_36 : vector<16xi32> to vector<1x16xi32>
      %eq3A_38 = vector.broadcast %broadcast_in_dim3A_37 : vector<1x16xi32> to vector<512x16xi32>
      %eq3A_39 = arith.cmpi eq, %iota3A, %eq3A_38 : vector<512x16xi32>
      %jit3A_40 = arith.constant 0.000000e+00 : f32
      %broadcast_in_dim3A_41 = vector.broadcast %jit3A_40 : f32 to vector<512x16xf32>
      %select_n3A_42 = arith.select %eq3A_39, %get3A_1, %broadcast_in_dim3A_41 : vector<512x16xi1>, vector<512x16xf32>
      %reduce_sum3A = arith.constant dense<0.000000e+00> : vector<16xf32>
      %reduce_sum3A_43 = vector.multi_reduction <add>, %select_n3A_42, %reduce_sum3A [0] : vector<512x16xf32> to vector<16xf32>
      %broadcast_in_dim3A_44 = vector.shape_cast %reduce_sum3A_43 : vector<16xf32> to vector<1x16xf32>
      %jit3A_45 = arith.constant 0.000000e+00 : f32
      %broadcast_in_dim3A_46 = vector.broadcast %jit3A_45 : f32 to vector<512x16xf32>
      %select_n3A_47 = arith.select %eq3A_39, %get3A_4, %broadcast_in_dim3A_46 : vector<512x16xi1>, vector<512x16xf32>
      %reduce_sum3A_48 = arith.constant dense<0.000000e+00> : vector<16xf32>
      %reduce_sum3A_49 = vector.multi_reduction <add>, %select_n3A_47, %reduce_sum3A_48 [0] : vector<512x16xf32> to vector<16xf32>
      %broadcast_in_dim3A_50 = vector.shape_cast %reduce_sum3A_49 : vector<16xf32> to vector<1x16xf32>
      %jit3A_51 = arith.constant 0.000000e+00 : f32
      %broadcast_in_dim3A_52 = vector.broadcast %jit3A_51 : f32 to vector<512x16xf32>
      %select_n3A_53 = arith.select %eq3A_39, %get3A_7, %broadcast_in_dim3A_52 : vector<512x16xi1>, vector<512x16xf32>
      %reduce_sum3A_54 = arith.constant dense<0.000000e+00> : vector<16xf32>
      %reduce_sum3A_55 = vector.multi_reduction <add>, %select_n3A_53, %reduce_sum3A_54 [0] : vector<512x16xf32> to vector<16xf32>
      %broadcast_in_dim3A_56 = vector.shape_cast %reduce_sum3A_55 : vector<16xf32> to vector<1x16xf32>
      %sub3A_57 = vector.broadcast %broadcast_in_dim3A_44 : vector<1x16xf32> to vector<512x16xf32>
      %sub3A_58 = arith.subf %get3A_1, %sub3A_57 : vector<512x16xf32>
      %integer_pow3A_59 = arith.mulf %sub3A_58, %sub3A_58 : vector<512x16xf32>
      %sub3A_60 = vector.broadcast %broadcast_in_dim3A_50 : vector<1x16xf32> to vector<512x16xf32>
      %sub3A_61 = arith.subf %get3A_4, %sub3A_60 : vector<512x16xf32>
      %integer_pow3A_62 = arith.mulf %sub3A_61, %sub3A_61 : vector<512x16xf32>
      %add3A_63 = arith.addf %integer_pow3A_59, %integer_pow3A_62 : vector<512x16xf32>
      %sub3A_64 = vector.broadcast %broadcast_in_dim3A_56 : vector<1x16xf32> to vector<512x16xf32>
      %sub3A_65 = arith.subf %get3A_7, %sub3A_64 : vector<512x16xf32>
      %integer_pow3A_66 = arith.mulf %sub3A_65, %sub3A_65 : vector<512x16xf32>
      %add3A_67 = arith.addf %add3A_63, %integer_pow3A_66 : vector<512x16xf32>
      %min3A = arith.minimumf %get3A_31, %add3A_67 : vector<512x16xf32>
      %swap3A_68 = arith.constant 0 : index
      %swap3A_69 = arith.constant 0 : index
      %swap3A_70 = vector.load %arg4[%swap3A_68, %swap3A_69] : memref<512x16xf32, #tpu.memory_space<vmem>>, vector<512x16xf32>
      tpu.vector_store %arg4[%swap3A_68, %swap3A_69], %min3A {strides = array<i32>} : memref<512x16xf32, #tpu.memory_space<vmem>>, vector<512x16xf32>,
      %swap3A_71 = arith.index_cast %scan3A_28 : i32 to index
      %swap3A_72 = arith.constant 0 : index
      %swap3A_73 = vector.load %arg3[%swap3A_71, %swap3A_72] : memref<128x16xi32, #tpu.memory_space<vmem>>, vector<1x16xi32>
      tpu.vector_store %arg3[%swap3A_71, %swap3A_72], %broadcast_in_dim3A_37 {strides = array<i32>} : memref<128x16xi32, #tpu.memory_space<vmem>>, vector<1x16xi32>,
    }
    %scan3A_27 = arith.constant 127 : i32
    return
  }
}

module attributes {stable_mosaic.version = 14 : i64} {
  func.func @_maskmax_body(%arg0: i32, %arg1: memref<128x64x128xf32, #tpu.memory_space<vmem>>, %arg2: memref<128x64xf32, #tpu.memory_space<vmem>>, %arg3: memref<128x128xf32, #tpu.memory_space<vmem>>) attributes {dimension_semantics = [#tpu.dimension_semantics<arbitrary>], iteration_bounds = array<i64: 64>, scalar_prefetch = 0 : i64, scratch_operands = 0 : i64, tpu.core_type = #tpu.core_type<tc>, window_params = [{transform_indices = @transform_0, window_bounds = array<i64: 128, 64, 128>}, {transform_indices = @transform_1, window_bounds = array<i64: 128, 64>}, {transform_indices = @transform_2, window_bounds = array<i64: 128, 128>}]} {
    %get3A = arith.constant 0 : index
    %get3A_0 = arith.constant 0 : index
    %get3A_1 = arith.constant 0 : index
    %get3A_2 = vector.load %arg1[%get3A, %get3A_0, %get3A_1] : memref<128x64x128xf32, #tpu.memory_space<vmem>>, vector<128x64x128xf32>
    %get3A_3 = arith.constant 0 : index
    %get3A_4 = arith.constant 0 : index
    %get3A_5 = vector.load %arg2[%get3A_3, %get3A_4] : memref<128x64xf32, #tpu.memory_space<vmem>>, vector<128x64xf32>
    %broadcast_in_dim3A = vector.shape_cast %get3A_5 : vector<128x64xf32> to vector<128x64x1xf32>
    %gt3A = arith.constant 0.000000e+00 : f32
    %gt3A_6 = vector.broadcast %gt3A : f32 to vector<128x64x1xf32>
    %gt3A_7 = arith.cmpf ogt, %broadcast_in_dim3A, %gt3A_6 : vector<128x64x1xf32>
    %jit3A = arith.constant -1.000000e+30 : f32
    %broadcast_in_dim3A_8 = vector.shape_cast %gt3A_7 : vector<128x64x1xi1> to vector<128x64x1xi1>
    %broadcast_in_dim3A_9 = vector.broadcast %broadcast_in_dim3A_8 : vector<128x64x1xi1> to vector<128x64x128xi1>
    %broadcast_in_dim3A_10 = vector.broadcast %jit3A : f32 to vector<128x64x128xf32>
    %select_n3A = arith.select %broadcast_in_dim3A_9, %get3A_2, %broadcast_in_dim3A_10 : vector<128x64x128xi1>, vector<128x64x128xf32>
    %reduce_max3A = arith.constant dense<0xFF800000> : vector<128x128xf32>
    %reduce_max3A_11 = vector.multi_reduction <maximumf>, %select_n3A, %reduce_max3A [1] : vector<128x64x128xf32> to vector<128x128xf32>
    %reduce_max3A_12 = arith.constant dense<0xFF800000> : vector<128xf32>
    %reduce_max3A_13 = vector.multi_reduction <maximumf>, %get3A_5, %reduce_max3A_12 [1] : vector<128x64xf32> to vector<128xf32>
    %broadcast_in_dim3A_14 = vector.shape_cast %reduce_max3A_13 : vector<128xf32> to vector<128x1xf32>
    %gt3A_15 = arith.constant 0.000000e+00 : f32
    %gt3A_16 = vector.broadcast %gt3A_15 : f32 to vector<128x1xf32>
    %gt3A_17 = arith.cmpf ogt, %broadcast_in_dim3A_14, %gt3A_16 : vector<128x1xf32>
    %jit3A_18 = arith.constant 0.000000e+00 : f32
    %broadcast_in_dim3A_19 = vector.shape_cast %gt3A_17 : vector<128x1xi1> to vector<128x1xi1>
    %broadcast_in_dim3A_20 = vector.broadcast %broadcast_in_dim3A_19 : vector<128x1xi1> to vector<128x128xi1>
    %broadcast_in_dim3A_21 = vector.broadcast %jit3A_18 : f32 to vector<128x128xf32>
    %select_n3A_22 = arith.select %broadcast_in_dim3A_20, %reduce_max3A_11, %broadcast_in_dim3A_21 : vector<128x128xi1>, vector<128x128xf32>
    %swap3A = arith.constant 0 : index
    %swap3A_23 = arith.constant 0 : index
    %swap3A_24 = vector.load %arg3[%swap3A, %swap3A_23] : memref<128x128xf32, #tpu.memory_space<vmem>>, vector<128x128xf32>
    tpu.vector_store %arg3[%swap3A, %swap3A_23], %select_n3A_22 {strides = array<i32>} : memref<128x128xf32, #tpu.memory_space<vmem>>, vector<128x128xf32>,
    return
  }
  func.func @transform_0(%arg0: i32) -> (i32, i32, i32) {
    %c0_i32 = arith.constant 0 : i32
    %c0_i32_0 = arith.constant 0 : i32
    %c0_i32_1 = arith.constant 0 : i32
    return %arg0, %c0_i32, %c0_i32_0 : i32, i32, i32
  }
  func.func @transform_1(%arg0: i32) -> (i32, i32) {
    %c0_i32 = arith.constant 0 : i32
    %c0_i32_0 = arith.constant 0 : i32
    return %arg0, %c0_i32 : i32, i32
  }
  func.func @transform_2(%arg0: i32) -> (i32, i32) {
    %c0_i32 = arith.constant 0 : i32
    %c0_i32_0 = arith.constant 0 : i32
    return %arg0, %c0_i32 : i32, i32
  }
}

module attributes {stable_mosaic.version = 14 : i64} {
  func.func @_fps_body(%arg0: memref<128x16xf32, #tpu.memory_space<vmem>>, %arg1: memref<128x16xf32, #tpu.memory_space<vmem>>, %arg2: memref<128x16xf32, #tpu.memory_space<vmem>>, %arg3: memref<32x16xi32, #tpu.memory_space<vmem>>, %arg4: memref<128x16xf32, #tpu.memory_space<vmem>>) attributes {dimension_semantics = [], scalar_prefetch = 0 : i64, scratch_operands = 1 : i64, tpu.core_type = #tpu.core_type<tc>} {
    %get3A = arith.constant 0 : index
    %get3A_0 = arith.constant 0 : index
    %get3A_1 = vector.load %arg0[%get3A, %get3A_0] : memref<128x16xf32, #tpu.memory_space<vmem>>, vector<128x16xf32>
    %get3A_2 = arith.constant 0 : index
    %get3A_3 = arith.constant 0 : index
    %get3A_4 = vector.load %arg1[%get3A_2, %get3A_3] : memref<128x16xf32, #tpu.memory_space<vmem>>, vector<128x16xf32>
    %get3A_5 = arith.constant 0 : index
    %get3A_6 = arith.constant 0 : index
    %get3A_7 = vector.load %arg2[%get3A_5, %get3A_6] : memref<128x16xf32, #tpu.memory_space<vmem>>, vector<128x16xf32>
    %slice3A = vector.extract_strided_slice %get3A_1 {offsets = [0, 0], sizes = [1, 16], strides = [1, 1]} : vector<128x16xf32> to vector<1x16xf32>
    %sub3A = vector.broadcast %slice3A : vector<1x16xf32> to vector<128x16xf32>
    %sub3A_8 = arith.subf %get3A_1, %sub3A : vector<128x16xf32>
    %integer_pow3A = arith.mulf %sub3A_8, %sub3A_8 : vector<128x16xf32>
    %slice3A_9 = vector.extract_strided_slice %get3A_4 {offsets = [0, 0], sizes = [1, 16], strides = [1, 1]} : vector<128x16xf32> to vector<1x16xf32>
    %sub3A_10 = vector.broadcast %slice3A_9 : vector<1x16xf32> to vector<128x16xf32>
    %sub3A_11 = arith.subf %get3A_4, %sub3A_10 : vector<128x16xf32>
    %integer_pow3A_12 = arith.mulf %sub3A_11, %sub3A_11 : vector<128x16xf32>
    %add3A = arith.addf %integer_pow3A, %integer_pow3A_12 : vector<128x16xf32>
    %slice3A_13 = vector.extract_strided_slice %get3A_7 {offsets = [0, 0], sizes = [1, 16], strides = [1, 1]} : vector<128x16xf32> to vector<1x16xf32>
    %sub3A_14 = vector.broadcast %slice3A_13 : vector<1x16xf32> to vector<128x16xf32>
    %sub3A_15 = arith.subf %get3A_7, %sub3A_14 : vector<128x16xf32>
    %integer_pow3A_16 = arith.mulf %sub3A_15, %sub3A_15 : vector<128x16xf32>
    %add3A_17 = arith.addf %add3A, %integer_pow3A_16 : vector<128x16xf32>
    %swap3A = arith.constant 0 : index
    %swap3A_18 = arith.constant 0 : index
    %swap3A_19 = vector.load %arg4[%swap3A, %swap3A_18] : memref<128x16xf32, #tpu.memory_space<vmem>>, vector<128x16xf32>
    tpu.vector_store %arg4[%swap3A, %swap3A_18], %add3A_17 {strides = array<i32>} : memref<128x16xf32, #tpu.memory_space<vmem>>, vector<128x16xf32>,
    %broadcast_in_dim3A = arith.constant 0 : i32
    %broadcast_in_dim3A_20 = vector.broadcast %broadcast_in_dim3A : i32 to vector<1x16xi32>
    %swap3A_21 = arith.constant 0 : index
    %swap3A_22 = arith.constant 0 : index
    %swap3A_23 = vector.load %arg3[%swap3A_21, %swap3A_22] : memref<32x16xi32, #tpu.memory_space<vmem>>, vector<1x16xi32>
    tpu.vector_store %arg3[%swap3A_21, %swap3A_22], %broadcast_in_dim3A_20 {strides = array<i32>} : memref<32x16xi32, #tpu.memory_space<vmem>>, vector<1x16xi32>,
    %iota3A = tpu.iota {dimensions = array<i32: 0>} : vector<128x16xi32>
    %scan3A = arith.constant 1 : i32
    %scan3A_24 = arith.constant 31 : i32
    %scan3A_25 = arith.addi %scan3A, %scan3A_24 : i32
    %scan3A_26 = arith.constant 1 : i32
    scf.for %scan3A_28 = %scan3A to %scan3A_25 step %scan3A_26  : i32 {
      %get3A_29 = arith.constant 0 : index
      %get3A_30 = arith.constant 0 : index
      %get3A_31 = vector.load %arg4[%get3A_29, %get3A_30] : memref<128x16xf32, #tpu.memory_space<vmem>>, vector<128x16xf32>
      %reduce_max3A = arith.constant dense<0xFF800000> : vector<16xf32>
      %reduce_max3A_32 = vector.multi_reduction <maximumf>, %get3A_31, %reduce_max3A [0] : vector<128x16xf32> to vector<16xf32>
      %broadcast_in_dim3A_33 = vector.shape_cast %reduce_max3A_32 : vector<16xf32> to vector<1x16xf32>
      %eq3A = vector.broadcast %broadcast_in_dim3A_33 : vector<1x16xf32> to vector<128x16xf32>
      %eq3A_34 = arith.cmpf oeq, %get3A_31, %eq3A : vector<128x16xf32>
      %jit3A = arith.constant 128 : i32
      %broadcast_in_dim3A_35 = vector.broadcast %jit3A : i32 to vector<128x16xi32>
      %select_n3A = arith.select %eq3A_34, %iota3A, %broadcast_in_dim3A_35 : vector<128x16xi1>, vector<128x16xi32>
      %reduce_min3A = arith.constant dense<2147483647> : vector<16xi32>
      %reduce_min3A_36 = vector.multi_reduction <minsi>, %select_n3A, %reduce_min3A [0] : vector<128x16xi32> to vector<16xi32>
      %broadcast_in_dim3A_37 = vector.shape_cast %reduce_min3A_36 : vector<16xi32> to vector<1x16xi32>
      %eq3A_38 = vector.broadcast %broadcast_in_dim3A_37 : vector<1x16xi32> to vector<128x16xi32>
      %eq3A_39 = arith.cmpi eq, %iota3A, %eq3A_38 : vector<128x16xi32>
      %jit3A_40 = arith.constant 0.000000e+00 : f32
      %broadcast_in_dim3A_41 = vector.broadcast %jit3A_40 : f32 to vector<128x16xf32>
      %select_n3A_42 = arith.select %eq3A_39, %get3A_1, %broadcast_in_dim3A_41 : vector<128x16xi1>, vector<128x16xf32>
      %reduce_sum3A = arith.constant dense<0.000000e+00> : vector<16xf32>
      %reduce_sum3A_43 = vector.multi_reduction <add>, %select_n3A_42, %reduce_sum3A [0] : vector<128x16xf32> to vector<16xf32>
      %broadcast_in_dim3A_44 = vector.shape_cast %reduce_sum3A_43 : vector<16xf32> to vector<1x16xf32>
      %jit3A_45 = arith.constant 0.000000e+00 : f32
      %broadcast_in_dim3A_46 = vector.broadcast %jit3A_45 : f32 to vector<128x16xf32>
      %select_n3A_47 = arith.select %eq3A_39, %get3A_4, %broadcast_in_dim3A_46 : vector<128x16xi1>, vector<128x16xf32>
      %reduce_sum3A_48 = arith.constant dense<0.000000e+00> : vector<16xf32>
      %reduce_sum3A_49 = vector.multi_reduction <add>, %select_n3A_47, %reduce_sum3A_48 [0] : vector<128x16xf32> to vector<16xf32>
      %broadcast_in_dim3A_50 = vector.shape_cast %reduce_sum3A_49 : vector<16xf32> to vector<1x16xf32>
      %jit3A_51 = arith.constant 0.000000e+00 : f32
      %broadcast_in_dim3A_52 = vector.broadcast %jit3A_51 : f32 to vector<128x16xf32>
      %select_n3A_53 = arith.select %eq3A_39, %get3A_7, %broadcast_in_dim3A_52 : vector<128x16xi1>, vector<128x16xf32>
      %reduce_sum3A_54 = arith.constant dense<0.000000e+00> : vector<16xf32>
      %reduce_sum3A_55 = vector.multi_reduction <add>, %select_n3A_53, %reduce_sum3A_54 [0] : vector<128x16xf32> to vector<16xf32>
      %broadcast_in_dim3A_56 = vector.shape_cast %reduce_sum3A_55 : vector<16xf32> to vector<1x16xf32>
      %sub3A_57 = vector.broadcast %broadcast_in_dim3A_44 : vector<1x16xf32> to vector<128x16xf32>
      %sub3A_58 = arith.subf %get3A_1, %sub3A_57 : vector<128x16xf32>
      %integer_pow3A_59 = arith.mulf %sub3A_58, %sub3A_58 : vector<128x16xf32>
      %sub3A_60 = vector.broadcast %broadcast_in_dim3A_50 : vector<1x16xf32> to vector<128x16xf32>
      %sub3A_61 = arith.subf %get3A_4, %sub3A_60 : vector<128x16xf32>
      %integer_pow3A_62 = arith.mulf %sub3A_61, %sub3A_61 : vector<128x16xf32>
      %add3A_63 = arith.addf %integer_pow3A_59, %integer_pow3A_62 : vector<128x16xf32>
      %sub3A_64 = vector.broadcast %broadcast_in_dim3A_56 : vector<1x16xf32> to vector<128x16xf32>
      %sub3A_65 = arith.subf %get3A_7, %sub3A_64 : vector<128x16xf32>
      %integer_pow3A_66 = arith.mulf %sub3A_65, %sub3A_65 : vector<128x16xf32>
      %add3A_67 = arith.addf %add3A_63, %integer_pow3A_66 : vector<128x16xf32>
      %min3A = arith.minimumf %get3A_31, %add3A_67 : vector<128x16xf32>
      %swap3A_68 = arith.constant 0 : index
      %swap3A_69 = arith.constant 0 : index
      %swap3A_70 = vector.load %arg4[%swap3A_68, %swap3A_69] : memref<128x16xf32, #tpu.memory_space<vmem>>, vector<128x16xf32>
      tpu.vector_store %arg4[%swap3A_68, %swap3A_69], %min3A {strides = array<i32>} : memref<128x16xf32, #tpu.memory_space<vmem>>, vector<128x16xf32>,
      %swap3A_71 = arith.index_cast %scan3A_28 : i32 to index
      %swap3A_72 = arith.constant 0 : index
      %swap3A_73 = vector.load %arg3[%swap3A_71, %swap3A_72] : memref<32x16xi32, #tpu.memory_space<vmem>>, vector<1x16xi32>
      tpu.vector_store %arg3[%swap3A_71, %swap3A_72], %broadcast_in_dim3A_37 {strides = array<i32>} : memref<32x16xi32, #tpu.memory_space<vmem>>, vector<1x16xi32>,
    }
    %scan3A_27 = arith.constant 31 : i32
    return
  }
}

module attributes {stable_mosaic.version = 14 : i64} {
  func.func @_kmax_body(%arg0: i32, %arg1: memref<128x16x256xf32, #tpu.memory_space<vmem>>, %arg2: memref<128x256xf32, #tpu.memory_space<vmem>>) attributes {dimension_semantics = [#tpu.dimension_semantics<arbitrary>], iteration_bounds = array<i64: 16>, scalar_prefetch = 0 : i64, scratch_operands = 0 : i64, tpu.core_type = #tpu.core_type<tc>, window_params = [{transform_indices = @transform_0, window_bounds = array<i64: 128, 16, 256>}, {transform_indices = @transform_1, window_bounds = array<i64: 128, 256>}]} {
    %get3A = arith.constant 0 : index
    %get3A_0 = arith.constant 0 : index
    %get3A_1 = arith.constant 0 : index
    %get3A_2 = vector.load %arg1[%get3A, %get3A_0, %get3A_1] : memref<128x16x256xf32, #tpu.memory_space<vmem>>, vector<128x16x256xf32>
    %reduce_max3A = arith.constant dense<0xFF800000> : vector<128x256xf32>
    %reduce_max3A_3 = vector.multi_reduction <maximumf>, %get3A_2, %reduce_max3A [1] : vector<128x16x256xf32> to vector<128x256xf32>
    %swap3A = arith.constant 0 : index
    %swap3A_4 = arith.constant 0 : index
    %swap3A_5 = vector.load %arg2[%swap3A, %swap3A_4] : memref<128x256xf32, #tpu.memory_space<vmem>>, vector<128x256xf32>
    tpu.vector_store %arg2[%swap3A, %swap3A_4], %reduce_max3A_3 {strides = array<i32>} : memref<128x256xf32, #tpu.memory_space<vmem>>, vector<128x256xf32>,
    return
  }
  func.func @transform_0(%arg0: i32) -> (i32, i32, i32) {
    %c0_i32 = arith.constant 0 : i32
    %c0_i32_0 = arith.constant 0 : i32
    %c0_i32_1 = arith.constant 0 : i32
    return %arg0, %c0_i32, %c0_i32_0 : i32, i32, i32
  }
  func.func @transform_1(%arg0: i32) -> (i32, i32) {
    %c0_i32 = arith.constant 0 : i32
    %c0_i32_0 = arith.constant 0 : i32
    return %arg0, %c0_i32 : i32, i32
  }
}

module attributes {stable_mosaic.version = 14 : i64} {
  func.func @_fps_body(%arg0: memref<32x16xf32, #tpu.memory_space<vmem>>, %arg1: memref<32x16xf32, #tpu.memory_space<vmem>>, %arg2: memref<32x16xf32, #tpu.memory_space<vmem>>, %arg3: memref<8x16xi32, #tpu.memory_space<vmem>>, %arg4: memref<32x16xf32, #tpu.memory_space<vmem>>) attributes {dimension_semantics = [], scalar_prefetch = 0 : i64, scratch_operands = 1 : i64, tpu.core_type = #tpu.core_type<tc>} {
    %get3A = arith.constant 0 : index
    %get3A_0 = arith.constant 0 : index
    %get3A_1 = vector.load %arg0[%get3A, %get3A_0] : memref<32x16xf32, #tpu.memory_space<vmem>>, vector<32x16xf32>
    %get3A_2 = arith.constant 0 : index
    %get3A_3 = arith.constant 0 : index
    %get3A_4 = vector.load %arg1[%get3A_2, %get3A_3] : memref<32x16xf32, #tpu.memory_space<vmem>>, vector<32x16xf32>
    %get3A_5 = arith.constant 0 : index
    %get3A_6 = arith.constant 0 : index
    %get3A_7 = vector.load %arg2[%get3A_5, %get3A_6] : memref<32x16xf32, #tpu.memory_space<vmem>>, vector<32x16xf32>
    %slice3A = vector.extract_strided_slice %get3A_1 {offsets = [0, 0], sizes = [1, 16], strides = [1, 1]} : vector<32x16xf32> to vector<1x16xf32>
    %sub3A = vector.broadcast %slice3A : vector<1x16xf32> to vector<32x16xf32>
    %sub3A_8 = arith.subf %get3A_1, %sub3A : vector<32x16xf32>
    %integer_pow3A = arith.mulf %sub3A_8, %sub3A_8 : vector<32x16xf32>
    %slice3A_9 = vector.extract_strided_slice %get3A_4 {offsets = [0, 0], sizes = [1, 16], strides = [1, 1]} : vector<32x16xf32> to vector<1x16xf32>
    %sub3A_10 = vector.broadcast %slice3A_9 : vector<1x16xf32> to vector<32x16xf32>
    %sub3A_11 = arith.subf %get3A_4, %sub3A_10 : vector<32x16xf32>
    %integer_pow3A_12 = arith.mulf %sub3A_11, %sub3A_11 : vector<32x16xf32>
    %add3A = arith.addf %integer_pow3A, %integer_pow3A_12 : vector<32x16xf32>
    %slice3A_13 = vector.extract_strided_slice %get3A_7 {offsets = [0, 0], sizes = [1, 16], strides = [1, 1]} : vector<32x16xf32> to vector<1x16xf32>
    %sub3A_14 = vector.broadcast %slice3A_13 : vector<1x16xf32> to vector<32x16xf32>
    %sub3A_15 = arith.subf %get3A_7, %sub3A_14 : vector<32x16xf32>
    %integer_pow3A_16 = arith.mulf %sub3A_15, %sub3A_15 : vector<32x16xf32>
    %add3A_17 = arith.addf %add3A, %integer_pow3A_16 : vector<32x16xf32>
    %swap3A = arith.constant 0 : index
    %swap3A_18 = arith.constant 0 : index
    %swap3A_19 = vector.load %arg4[%swap3A, %swap3A_18] : memref<32x16xf32, #tpu.memory_space<vmem>>, vector<32x16xf32>
    tpu.vector_store %arg4[%swap3A, %swap3A_18], %add3A_17 {strides = array<i32>} : memref<32x16xf32, #tpu.memory_space<vmem>>, vector<32x16xf32>,
    %broadcast_in_dim3A = arith.constant 0 : i32
    %broadcast_in_dim3A_20 = vector.broadcast %broadcast_in_dim3A : i32 to vector<1x16xi32>
    %swap3A_21 = arith.constant 0 : index
    %swap3A_22 = arith.constant 0 : index
    %swap3A_23 = vector.load %arg3[%swap3A_21, %swap3A_22] : memref<8x16xi32, #tpu.memory_space<vmem>>, vector<1x16xi32>
    tpu.vector_store %arg3[%swap3A_21, %swap3A_22], %broadcast_in_dim3A_20 {strides = array<i32>} : memref<8x16xi32, #tpu.memory_space<vmem>>, vector<1x16xi32>,
    %iota3A = tpu.iota {dimensions = array<i32: 0>} : vector<32x16xi32>
    %scan3A = arith.constant 1 : i32
    %scan3A_24 = arith.constant 7 : i32
    %scan3A_25 = arith.addi %scan3A, %scan3A_24 : i32
    %scan3A_26 = arith.constant 1 : i32
    scf.for %scan3A_28 = %scan3A to %scan3A_25 step %scan3A_26  : i32 {
      %get3A_29 = arith.constant 0 : index
      %get3A_30 = arith.constant 0 : index
      %get3A_31 = vector.load %arg4[%get3A_29, %get3A_30] : memref<32x16xf32, #tpu.memory_space<vmem>>, vector<32x16xf32>
      %reduce_max3A = arith.constant dense<0xFF800000> : vector<16xf32>
      %reduce_max3A_32 = vector.multi_reduction <maximumf>, %get3A_31, %reduce_max3A [0] : vector<32x16xf32> to vector<16xf32>
      %broadcast_in_dim3A_33 = vector.shape_cast %reduce_max3A_32 : vector<16xf32> to vector<1x16xf32>
      %eq3A = vector.broadcast %broadcast_in_dim3A_33 : vector<1x16xf32> to vector<32x16xf32>
      %eq3A_34 = arith.cmpf oeq, %get3A_31, %eq3A : vector<32x16xf32>
      %jit3A = arith.constant 32 : i32
      %broadcast_in_dim3A_35 = vector.broadcast %jit3A : i32 to vector<32x16xi32>
      %select_n3A = arith.select %eq3A_34, %iota3A, %broadcast_in_dim3A_35 : vector<32x16xi1>, vector<32x16xi32>
      %reduce_min3A = arith.constant dense<2147483647> : vector<16xi32>
      %reduce_min3A_36 = vector.multi_reduction <minsi>, %select_n3A, %reduce_min3A [0] : vector<32x16xi32> to vector<16xi32>
      %broadcast_in_dim3A_37 = vector.shape_cast %reduce_min3A_36 : vector<16xi32> to vector<1x16xi32>
      %eq3A_38 = vector.broadcast %broadcast_in_dim3A_37 : vector<1x16xi32> to vector<32x16xi32>
      %eq3A_39 = arith.cmpi eq, %iota3A, %eq3A_38 : vector<32x16xi32>
      %jit3A_40 = arith.constant 0.000000e+00 : f32
      %broadcast_in_dim3A_41 = vector.broadcast %jit3A_40 : f32 to vector<32x16xf32>
      %select_n3A_42 = arith.select %eq3A_39, %get3A_1, %broadcast_in_dim3A_41 : vector<32x16xi1>, vector<32x16xf32>
      %reduce_sum3A = arith.constant dense<0.000000e+00> : vector<16xf32>
      %reduce_sum3A_43 = vector.multi_reduction <add>, %select_n3A_42, %reduce_sum3A [0] : vector<32x16xf32> to vector<16xf32>
      %broadcast_in_dim3A_44 = vector.shape_cast %reduce_sum3A_43 : vector<16xf32> to vector<1x16xf32>
      %jit3A_45 = arith.constant 0.000000e+00 : f32
      %broadcast_in_dim3A_46 = vector.broadcast %jit3A_45 : f32 to vector<32x16xf32>
      %select_n3A_47 = arith.select %eq3A_39, %get3A_4, %broadcast_in_dim3A_46 : vector<32x16xi1>, vector<32x16xf32>
      %reduce_sum3A_48 = arith.constant dense<0.000000e+00> : vector<16xf32>
      %reduce_sum3A_49 = vector.multi_reduction <add>, %select_n3A_47, %reduce_sum3A_48 [0] : vector<32x16xf32> to vector<16xf32>
      %broadcast_in_dim3A_50 = vector.shape_cast %reduce_sum3A_49 : vector<16xf32> to vector<1x16xf32>
      %jit3A_51 = arith.constant 0.000000e+00 : f32
      %broadcast_in_dim3A_52 = vector.broadcast %jit3A_51 : f32 to vector<32x16xf32>
      %select_n3A_53 = arith.select %eq3A_39, %get3A_7, %broadcast_in_dim3A_52 : vector<32x16xi1>, vector<32x16xf32>
      %reduce_sum3A_54 = arith.constant dense<0.000000e+00> : vector<16xf32>
      %reduce_sum3A_55 = vector.multi_reduction <add>, %select_n3A_53, %reduce_sum3A_54 [0] : vector<32x16xf32> to vector<16xf32>
      %broadcast_in_dim3A_56 = vector.shape_cast %reduce_sum3A_55 : vector<16xf32> to vector<1x16xf32>
      %sub3A_57 = vector.broadcast %broadcast_in_dim3A_44 : vector<1x16xf32> to vector<32x16xf32>
      %sub3A_58 = arith.subf %get3A_1, %sub3A_57 : vector<32x16xf32>
      %integer_pow3A_59 = arith.mulf %sub3A_58, %sub3A_58 : vector<32x16xf32>
      %sub3A_60 = vector.broadcast %broadcast_in_dim3A_50 : vector<1x16xf32> to vector<32x16xf32>
      %sub3A_61 = arith.subf %get3A_4, %sub3A_60 : vector<32x16xf32>
      %integer_pow3A_62 = arith.mulf %sub3A_61, %sub3A_61 : vector<32x16xf32>
      %add3A_63 = arith.addf %integer_pow3A_59, %integer_pow3A_62 : vector<32x16xf32>
      %sub3A_64 = vector.broadcast %broadcast_in_dim3A_56 : vector<1x16xf32> to vector<32x16xf32>
      %sub3A_65 = arith.subf %get3A_7, %sub3A_64 : vector<32x16xf32>
      %integer_pow3A_66 = arith.mulf %sub3A_65, %sub3A_65 : vector<32x16xf32>
      %add3A_67 = arith.addf %add3A_63, %integer_pow3A_66 : vector<32x16xf32>
      %min3A = arith.minimumf %get3A_31, %add3A_67 : vector<32x16xf32>
      %swap3A_68 = arith.constant 0 : index
      %swap3A_69 = arith.constant 0 : index
      %swap3A_70 = vector.load %arg4[%swap3A_68, %swap3A_69] : memref<32x16xf32, #tpu.memory_space<vmem>>, vector<32x16xf32>
      tpu.vector_store %arg4[%swap3A_68, %swap3A_69], %min3A {strides = array<i32>} : memref<32x16xf32, #tpu.memory_space<vmem>>, vector<32x16xf32>,
      %swap3A_71 = arith.index_cast %scan3A_28 : i32 to index
      %swap3A_72 = arith.constant 0 : index
      %swap3A_73 = vector.load %arg3[%swap3A_71, %swap3A_72] : memref<8x16xi32, #tpu.memory_space<vmem>>, vector<1x16xi32>
      tpu.vector_store %arg3[%swap3A_71, %swap3A_72], %broadcast_in_dim3A_37 {strides = array<i32>} : memref<8x16xi32, #tpu.memory_space<vmem>>, vector<1x16xi32>,
    }
    %scan3A_27 = arith.constant 7 : i32
    return
  }
}

module attributes {stable_mosaic.version = 14 : i64} {
  func.func @_maskmax_body(%arg0: i32, %arg1: memref<128x64x256xf32, #tpu.memory_space<vmem>>, %arg2: memref<128x64xf32, #tpu.memory_space<vmem>>, %arg3: memref<128x256xf32, #tpu.memory_space<vmem>>) attributes {dimension_semantics = [#tpu.dimension_semantics<arbitrary>], iteration_bounds = array<i64: 4>, scalar_prefetch = 0 : i64, scratch_operands = 0 : i64, tpu.core_type = #tpu.core_type<tc>, window_params = [{transform_indices = @transform_0, window_bounds = array<i64: 128, 64, 256>}, {transform_indices = @transform_1, window_bounds = array<i64: 128, 64>}, {transform_indices = @transform_2, window_bounds = array<i64: 128, 256>}]} {
    %get3A = arith.constant 0 : index
    %get3A_0 = arith.constant 0 : index
    %get3A_1 = arith.constant 0 : index
    %get3A_2 = vector.load %arg1[%get3A, %get3A_0, %get3A_1] : memref<128x64x256xf32, #tpu.memory_space<vmem>>, vector<128x64x256xf32>
    %get3A_3 = arith.constant 0 : index
    %get3A_4 = arith.constant 0 : index
    %get3A_5 = vector.load %arg2[%get3A_3, %get3A_4] : memref<128x64xf32, #tpu.memory_space<vmem>>, vector<128x64xf32>
    %broadcast_in_dim3A = vector.shape_cast %get3A_5 : vector<128x64xf32> to vector<128x64x1xf32>
    %gt3A = arith.constant 0.000000e+00 : f32
    %gt3A_6 = vector.broadcast %gt3A : f32 to vector<128x64x1xf32>
    %gt3A_7 = arith.cmpf ogt, %broadcast_in_dim3A, %gt3A_6 : vector<128x64x1xf32>
    %jit3A = arith.constant -1.000000e+30 : f32
    %broadcast_in_dim3A_8 = vector.shape_cast %gt3A_7 : vector<128x64x1xi1> to vector<128x64x1xi1>
    %broadcast_in_dim3A_9 = vector.broadcast %broadcast_in_dim3A_8 : vector<128x64x1xi1> to vector<128x64x256xi1>
    %broadcast_in_dim3A_10 = vector.broadcast %jit3A : f32 to vector<128x64x256xf32>
    %select_n3A = arith.select %broadcast_in_dim3A_9, %get3A_2, %broadcast_in_dim3A_10 : vector<128x64x256xi1>, vector<128x64x256xf32>
    %reduce_max3A = arith.constant dense<0xFF800000> : vector<128x256xf32>
    %reduce_max3A_11 = vector.multi_reduction <maximumf>, %select_n3A, %reduce_max3A [1] : vector<128x64x256xf32> to vector<128x256xf32>
    %reduce_max3A_12 = arith.constant dense<0xFF800000> : vector<128xf32>
    %reduce_max3A_13 = vector.multi_reduction <maximumf>, %get3A_5, %reduce_max3A_12 [1] : vector<128x64xf32> to vector<128xf32>
    %broadcast_in_dim3A_14 = vector.shape_cast %reduce_max3A_13 : vector<128xf32> to vector<128x1xf32>
    %gt3A_15 = arith.constant 0.000000e+00 : f32
    %gt3A_16 = vector.broadcast %gt3A_15 : f32 to vector<128x1xf32>
    %gt3A_17 = arith.cmpf ogt, %broadcast_in_dim3A_14, %gt3A_16 : vector<128x1xf32>
    %jit3A_18 = arith.constant 0.000000e+00 : f32
    %broadcast_in_dim3A_19 = vector.shape_cast %gt3A_17 : vector<128x1xi1> to vector<128x1xi1>
    %broadcast_in_dim3A_20 = vector.broadcast %broadcast_in_dim3A_19 : vector<128x1xi1> to vector<128x256xi1>
    %broadcast_in_dim3A_21 = vector.broadcast %jit3A_18 : f32 to vector<128x256xf32>
    %select_n3A_22 = arith.select %broadcast_in_dim3A_20, %reduce_max3A_11, %broadcast_in_dim3A_21 : vector<128x256xi1>, vector<128x256xf32>
    %swap3A = arith.constant 0 : index
    %swap3A_23 = arith.constant 0 : index
    %swap3A_24 = vector.load %arg3[%swap3A, %swap3A_23] : memref<128x256xf32, #tpu.memory_space<vmem>>, vector<128x256xf32>
    tpu.vector_store %arg3[%swap3A, %swap3A_23], %select_n3A_22 {strides = array<i32>} : memref<128x256xf32, #tpu.memory_space<vmem>>, vector<128x256xf32>,
    return
  }
  func.func @transform_0(%arg0: i32) -> (i32, i32, i32) {
    %c0_i32 = arith.constant 0 : i32
    %c0_i32_0 = arith.constant 0 : i32
    %c0_i32_1 = arith.constant 0 : i32
    return %arg0, %c0_i32, %c0_i32_0 : i32, i32, i32
  }
  func.func @transform_1(%arg0: i32) -> (i32, i32) {
    %c0_i32 = arith.constant 0 : i32
    %c0_i32_0 = arith.constant 0 : i32
    return %arg0, %c0_i32 : i32, i32
  }
  func.func @transform_2(%arg0: i32) -> (i32, i32) {
    %c0_i32 = arith.constant 0 : i32
    %c0_i32_0 = arith.constant 0 : i32
    return %arg0, %c0_i32 : i32, i32
  }
}

module attributes {stable_mosaic.version = 14 : i64} {
  func.func @_kmax_body(%arg0: i32, %arg1: memref<128x16x512xf32, #tpu.memory_space<vmem>>, %arg2: memref<128x512xf32, #tpu.memory_space<vmem>>) attributes {dimension_semantics = [#tpu.dimension_semantics<arbitrary>], iteration_bounds = array<i64: 1>, scalar_prefetch = 0 : i64, scratch_operands = 0 : i64, tpu.core_type = #tpu.core_type<tc>, window_params = [{transform_indices = @transform_0, window_bounds = array<i64: 128, 16, 512>}, {transform_indices = @transform_1, window_bounds = array<i64: 128, 512>}]} {
    %get3A = arith.constant 0 : index
    %get3A_0 = arith.constant 0 : index
    %get3A_1 = arith.constant 0 : index
    %get3A_2 = vector.load %arg1[%get3A, %get3A_0, %get3A_1] : memref<128x16x512xf32, #tpu.memory_space<vmem>>, vector<128x16x512xf32>
    %reduce_max3A = arith.constant dense<0xFF800000> : vector<128x512xf32>
    %reduce_max3A_3 = vector.multi_reduction <maximumf>, %get3A_2, %reduce_max3A [1] : vector<128x16x512xf32> to vector<128x512xf32>
    %swap3A = arith.constant 0 : index
    %swap3A_4 = arith.constant 0 : index
    %swap3A_5 = vector.load %arg2[%swap3A, %swap3A_4] : memref<128x512xf32, #tpu.memory_space<vmem>>, vector<128x512xf32>
    tpu.vector_store %arg2[%swap3A, %swap3A_4], %reduce_max3A_3 {strides = array<i32>} : memref<128x512xf32, #tpu.memory_space<vmem>>, vector<128x512xf32>,
    return
  }
  func.func @transform_0(%arg0: i32) -> (i32, i32, i32) {
    %c0_i32 = arith.constant 0 : i32
    %c0_i32_0 = arith.constant 0 : i32
    %c0_i32_1 = arith.constant 0 : i32
    return %arg0, %c0_i32, %c0_i32_0 : i32, i32, i32
  }
  func.func @transform_1(%arg0: i32) -> (i32, i32) {
    %c0_i32 = arith.constant 0 : i32
    %c0_i32_0 = arith.constant 0 : i32
    return %arg0, %c0_i32 : i32, i32
  }
}

module attributes {stable_mosaic.version = 14 : i64} {
  func.func @body(%arg0: memref<16x40xf32, #tpu.memory_space<vmem>>, %arg1: memref<16x40xf32, #tpu.memory_space<vmem>>) attributes {dimension_semantics = [], scalar_prefetch = 0 : i64, scratch_operands = 0 : i64, tpu.core_type = #tpu.core_type<tc>} {
    %get3A = arith.constant 0 : index
    %get3A_0 = arith.constant 0 : index
    %get3A_1 = vector.load %arg0[%get3A, %get3A_0] : memref<16x40xf32, #tpu.memory_space<vmem>>, vector<16x40xf32>
    %swap3A = arith.constant 0 : index
    %swap3A_2 = arith.constant 0 : index
    %swap3A_3 = vector.load %arg1[%swap3A, %swap3A_2] : memref<16x40xf32, #tpu.memory_space<vmem>>, vector<16x40xf32>
    tpu.vector_store %arg1[%swap3A, %swap3A_2], %get3A_1 {strides = array<i32>} : memref<16x40xf32, #tpu.memory_space<vmem>>, vector<16x40xf32>,
    return
  }
}

</mosaic_0001>

<sc_bundles>
// kernel: gather_offload_async_start.1
scs
__scs_entry_jumppad:
0x0: {  	(pc) =	sbr.rel $0x88, $3  }
0x1: {  	(tag) =	ssettag $0x0;
	lr =	simm.s32 $0x1  }
0x2: {  	[smem:$0x3F6A] =	sst lr;
	_ =	strace $0xD0000000  }
0x3: {  	_ = 	snop  }
0x4: {  	_ = 	snop  }
0x5: {  	_ = 	snop  }
0x6: {  	_ = 	snop  }
0x7: {  	_ = 	snop  }
__scs_overlays_trampoline_lowered:
0x8: {  	[smem:$0x3F79] =	sst s0  }
0x9: {  	[smem:$0x3F7A] =	sst s1  }
0xa: {  	[smem:$0x3F7B] =	sst s2  }
0xb: {  	[smem:$0x3F7C] =	sst s3  }
0xc: {  	[smem:$0x3F7D] =	sst s4  }
0xd: {  	[smem:$0x3F7E] =	sst s5  }
0xe: {  	[smem:$0x3F7F] =	sst s6  }
0xf: {  	[smem:$0x3F80] =	sst s7  }
0x10: {  	[smem:$0x3F81] =	sst s8  }
0x11: {  	[smem:$0x3F82] =	sst s9;
	s0 =	simm.s32 @!p0 $0x0  }
0x12: {  	s1 =	sld [smem:$0x3F68];
	s0 =	simm.s32 @p0 $0x1  }
0x13: {  	[smem:$0x3F83] =	sst s0;
	s0 =	simm.s32 @!p1 $0x0  }
0x14: {  	s2 =	sld [smem:$0x3F67];
	s0 =	simm.s32 @p1 $0x1  }
0x15: {  	[smem:$0x3F84] =	sst s0;
	s0 =	simm.s32 @!p2 $0x0  }
0x16: {  	s3 =	sld [smem:$0x3FDB];
	s0 =	simm.s32 @p2 $0x1  }
0x17: {  	s4 =	simm.s32 $0x1BF5;
	[smem:$0x3F86] =	sst s0  }
0x18: {  	s0 =	sld [smem:$0x3F69];
	_ =	swait.ge [sflag:s4], $0x0  }
0x19: {  	s7 =	sld [smem:$0x3F6A]  }
0x1a: {  	s8 =	sadd.s32 $0xFFFFE003, lr  }
0x1b: {  	s9 =	sadd.s32 $0xFFFFFEF7, lr;
	s5 =	simm.s32 $0xFFFFFFFF;
	p2 =	slt.u32 s8, $0xFFFFF086  }
0x1c: {  	p1 =	slt.u32 s9, $0xF7A;
	s5 =	simm.s32 @!p2 $0x0  }
0x1d: {  	s5 =	simm.s32 @p1 $0x1;
	p0 =	seq.s32 s7, s2  }
0x1e: {  	s7 =	smul.u32 @!p0 $0xF7A, s2;
	p2 =	seq.s32 @!p0 s5, $0x0  }
0x1f: {  	s9 =	smul.u32 $0xF7A, s1;
	s8 =	simm.s32 @!p0 $0x1BF5;
	p2 =	por !p2, p0  }
0x20: {  	[sflag:s8] =	ssyncset.s32 @!p0 $0xFFFFF086;
	s6 =	sadd.s32 @!p0 s3, s7;
	s7 =	simm.s32 @!p0 $0x108  }
0x21: {  	s3 =	sadd.s32 s3, s9;
	s6 =	sadd.s32 @!p0 $0x88, s6;
	s7 =	simm.s32 @p2 $0x1082  }
0x22: {  	[simem:s7], [sflag:s8] =	dma.local @!p0 [hbm:s6], $0xF7A  }
0x23: {  	s9 =	sor.u32 $0xD0000000, s2;
	s6 =	simm.s32 $0x108;
	_ =	swait.ge @!p0 [sflag:s8], $0x0  }
0x24: {  	s3 =	sadd.s32 $0x88, s3;
	s6 =	simm.s32 @!p1 $0x1082;
	[sflag:s4] =	ssyncset.s32 $0xFFFFF086  }
0x25: {  	[simem:s6], [sflag:s4] =	dma.local [hbm:s3], $0xF7A  }
0x26: {  	[smem:$0x3F6A] =	sst s1;
	(tag) =	ssettag s2;
	_ =	strace s9  }
0x27: {  	s1 =	sld [smem:$0x3F7A]  }
0x28: {  	s2 =	sld [smem:$0x3F7B]  }
0x29: {  	s4 =	sld [smem:$0x3F7D]  }
0x2a: {  	p0 =	seq.s32 s5, $0x0;
	s5 =	sld [smem:$0x3F7E]  }
0x2b: {  	s6 =	sld [smem:$0x3F7F]  }
0x2c: {  	s7 =	sld [smem:$0x3F80]  }
0x2d: {  	s3 =	simm.s32 $0x108;
	s8 =	sld [smem:$0x3F81]  }
0x2e: {  	s3 =	simm.s32 @!p0 $0x1082;
	s9 =	sld [smem:$0x3F82]  }
0x2f: {  	lr =	sadd.s32 s0, s3;
	s0 =	sld [smem:$0x3F79]  }
0x30: {  	s3 =	sld [smem:$0x3F7C]  }
0x31: {  	[smem:$0x3F85] =	sst s10  }
0x32: {  	s10 =	sld [smem:$0x3F83];
	_ =	sdelay $0x3  }
0x33: {  	p0 =	seq.s32 s10, $0x1;
	s10 =	sld [smem:$0x3F85];
	_ =	sdelay $0x3  }
0x34: {  	[smem:$0x3F85] =	sst s10  }
0x35: {  	s10 =	sld [smem:$0x3F84];
	_ =	sdelay $0x3  }
0x36: {  	p1 =	seq.s32 s10, $0x1;
	s10 =	sld [smem:$0x3F85];
	_ =	sdelay $0x3  }
0x37: {  	[smem:$0x3F85] =	sst s10  }
0x38: {  	s10 =	sld [smem:$0x3F86]  }
0x39: {  	_ = 	snop;
	(pc) =	sbr.ind lr, $3  }
0x3a: {  	_ = 	snop  }
0x3b: {  	_ = 	snop  }
0x3c: {  	p2 =	seq.s32 s10, $0x1;
	s10 =	sld [smem:$0x3F85]  }
0x3d: {  	_ =	shalt  }
0x3e: {  	_ =	shalt  }
0x3f: {  	_ =	shalt  }
0x40: {  	_ =	shalt  }
0x41: {  	_ =	shalt  }
0x42: {  	_ =	shalt  }
0x43: {  	_ =	shalt  }
0x44: {  	_ =	shalt  }
0x45: {  	_ =	shalt  }
0x46: {  	_ =	shalt  }
0x47: {  	_ =	shalt  }
0x48: {  	_ =	shalt  }
0x49: {  	_ =	shalt  }
0x4a: {  	_ =	shalt  }
0x4b: {  	_ =	shalt  }
0x4c: {  	_ =	shalt  }
0x4d: {  	_ =	shalt  }
0x4e: {  	_ =	shalt  }
0x4f: {  	_ =	shalt  }
0x50: {  	_ =	shalt  }
0x51: {  	_ =	shalt  }
0x52: {  	_ =	shalt  }
0x53: {  	_ =	shalt  }
0x54: {  	_ =	shalt  }
0x55: {  	_ =	shalt  }
0x56: {  	_ =	shalt  }
0x57: {  	_ =	shalt  }
0x58: {  	_ =	shalt  }
0x59: {  	_ =	shalt  }
0x5a: {  	_ =	shalt  }
0x5b: {  	_ =	shalt  }
0x5c: {  	_ =	shalt  }
0x5d: {  	_ =	shalt  }
0x5e: {  	_ =	shalt  }
0x5f: {  	_ =	shalt  }
0x60: {  	_ =	shalt  }
0x61: {  	_ =	shalt  }
0x62: {  	_ =	shalt  }
0x63: {  	_ =	shalt  }
0x64: {  	_ =	shalt  }
0x65: {  	_ =	shalt  }
0x66: {  	_ =	shalt  }
0x67: {  	_ =	shalt  }
0x68: {  	_ =	shalt  }
0x69: {  	_ =	shalt  }
0x6a: {  	_ =	shalt  }
0x6b: {  	_ =	shalt  }
0x6c: {  	_ =	shalt  }
0x6d: {  	_ =	shalt  }
0x6e: {  	_ =	shalt  }
0x6f: {  	_ =	shalt  }
0x70: {  	_ =	shalt  }
0x71: {  	_ =	shalt  }
0x72: {  	_ =	shalt  }
0x73: {  	_ =	shalt  }
0x74: {  	_ =	shalt  }
0x75: {  	_ =	shalt  }
0x76: {  	_ =	shalt  }
0x77: {  	_ =	shalt  }
0x78: {  	_ =	shalt  }
0x79: {  	_ =	shalt  }
0x7a: {  	_ =	shalt  }
0x7b: {  	_ =	shalt  }
0x7c: {  	_ =	shalt  }
0x7d: {  	_ =	shalt  }
0x7e: {  	_ =	shalt  }
0x7f: {  	_ =	shalt  }
0x80: {  	_ =	shalt  }
0x81: {  	_ =	shalt  }
0x82: {  	_ =	shalt  }
0x83: {  	_ =	shalt  }
0x84: {  	_ =	shalt  }
0x85: {  	_ =	shalt  }
0x86: {  	_ =	shalt  }
0x87: {  	_ =	shalt  }
.Lfunc_end0:
.L_simem_size_0:
called_computation.2_lowered:
.L_overlay_start_0:
0x88: {  	s2 =	sld [smem:$0x3FD9]  }
0x89: {  	s3 =	sld [smem:$0x3FFE];
	_ =	sdelay $0x1  }
0x8a: {  	s1 =	srdreg.scid  }
0x8b: {  	s0 =	sand.u32 $0x1, s1  }
0x8c: {  	s17 =	sshll.u32 s0, $0xA;
	s2 =	sadd.s32 s3, s2  }
0x8d: {  	s2 =	sadd.s32 s2, s17  }
0x8e: {  	[smem:$0x3F91] =	sst s2  }
0x8f: {  	_ = 	snop  }
0x90: {  	s2 =	sld [smem:$0x3FD0];
	(tm) =	ssettm $0x1  }
0x91: {  	s18 =	sld [smem:$0x3FFB];
	_ =	sdelay $0x3  }
0x92: {  	_ =	strace s18  }
0x93: {  	s3 =	sld [smem:$0x3FFC];
	_ =	sdelay $0x3  }
0x94: {  	_ =	strace s3  }
0x95: {  	s3 =	sld [smem:$0x3FFD];
	_ =	sdelay $0x3  }
0x96: {  	_ =	strace s3  }
0x97: {  	_ =	strace $0x8FFFFFFF  }
0x98: {  	s19 =	sld [smem:$0x3FDB];
	_ =	sdelay $0x1  }
0x99: {  	s4 =	simm.s32 $_scs_section_size  }
0x9a: {  	s5 =	simm.s32 $_size__tile_overlayer_lowered;
	s6 =	simm.s32 $_tile_overlayer_lowered  }
0x9b: {  	s22 =	simm.s32 $0x1BFF;
	s21 =	sshll.u32 s6, $0x1;
	s3 =	sadd.s32 s4, s19  }
0x9c: {  	s7 =	simm.s32 $0x0;
	s20 =	sshll.u32 s5, $0x1;
	s5 =	sadd.s32 s21, s3  }
0x9d: {  	[timem:s7], [sflag:s22] =	dma.local [hbm:s5], s20  }
0x9e: {  	_ =	swait.ge [sflag:s22], s20  }
0x9f: {  	s4 =	ssub.s32 $0x0, s20;
	[sflag:s22] =	ssyncset.done $0x0  }
0xa0: {  	[sflag:s22] =	ssyncadd.s32 s4;
	_ =	sdelay $0x1  }
0xa1: {  	s23 =	simm.s32 $0x1B8B  }
0xa2: {  	_ =	swait.ge [sflag:s23], $0x1  }
0xa3: {  	[sflag:s23] =	ssyncset.done $0x0  }
0xa4: {  	s25 =	simm.s32 $0x1B8E;
	s24 =	sld [smem:$0x3FFE];
	[sflag:s23] =	ssyncadd.s32 $0xFFFFFFFF  }
0xa5: {  	s26 =	simm.s32 $execute0_lowered;
	[smem:$0x3FD2] =	sst s25  }
0xa6: {  	s5 =	sshll.u32 s26, $0x1;
	_ =	strace $0x8000004C;
	[dreg:$0x1] =	wrdreg $0xFFFFFFFF  }
0xa7: {  	s28 =	simm.s32 $_size_execute0_lowered;
	s3 =	sadd.s32 s3, s5;
	[dreg:$0x0] =	wrdreg $0x0  }
0xa8: {  	s5 =	sshll.u32 s28, $0x1;
	[dreg:$0x2] =	wrdreg s3  }
0xa9: {  	[dreg:$0x3] =	wrdreg s5  }
0xaa: {  	[dreg:$0x4] =	wrdreg $0xC0  }
0xab: {  	_ =	task [dreg:s7], $0x5FFFF  }
0xac: {  	[dreg:$0x1] =	wrdreg $0xFFFFFFFF  }
0xad: {  	[dreg:$0x0] =	wrdreg $0x60  }
0xae: {  	[dreg:$0x2] =	wrdreg s24  }
0xaf: {  	[dreg:$0x3] =	wrdreg s2  }
0xb0: {  	[dreg:$0x4] =	wrdreg $0x9  }
0xb1: {  	_ =	task.clear_ibuf [dreg:s7], $0x5FFFF;
	_ =	strace $0x9000004C  }
0xb2: {  	s29 =	simm.s32 $0x9;
	_ =	strace $0x8000004E  }
0xb3: {  	_ =	swait.ge [sflag:s29], $0x1  }
0xb4: {  	[sflag:s29] =	ssyncadd.s32 $0xFFFFFFFF  }
0xb5: {  	_ =	strace $0x9000004E  }
0xb6: {  	_ =	sfence  }
0xb7: {  	s30 =	sld [smem:$0x0];
	_ =	sdelay $0x2  }
0xb8: {  	s31 =	sshll.u32 s1, $0xD;
	s1 =	sshrl.u32 s1, $0x2  }
0xb9: {  	s3 =	sand.u32 $0x4000, s31;
	s1 =	sadd.s32 s1, s30  }
0xba: {  	s0 =	sor.u32 s3, s0;
	s1 =	sshll.u32 s1, $0x11  }
0xbb: {  	s0 =	sor.u32 s1, s0  }
0xbc: {  	s0 =	sadd.s32 $0x8F2B, s0  }
0xbd: {  	[sflag:s0] =	ssyncadd.remote.s32 $0x1  }
0xbe: {  	_ =	sfence.sel $0xFFFF  }
0xbf: {  	[dreg:$0x0] =	wrdreg $0xFFFFFFFF;
	(pc) =	sbr.abs _section_cstart, $3  }
0xc0: {  	[dreg:$0x1] =	wrdreg $0xFFFFFFFF  }
0xc1: {  	_ =	task.clear_ibuf [dreg:s7], $0x2FFFF;
	_ =	strace $0x9FFFFFFF  }
0xc2: {  	(tm) =	ssettm $0x7FFFFFFF  }
0xc3: {  	_ =	shalt  }
tec
execute0_lowered:
.L_overlay_start_1:
0x0: {  	(tag) =	ssettag $0x1  }
0x1: {  	s7 =	rddreg [dreg:$0x0]  }
0x2: {  	s2 =	rddreg [dreg:$0x1]  }
0x3: {  	s0 =	rddreg [dreg:$0x2]  }
0x4: {  	s1 =	srdreg.scid;
	_ =	strace $0x8000004D;
	s4 =	simm.s32 $0x1  }
0x5: {  	s9 =	simm.s32 $0x3;
	s12 =	simm.s32 $0x0;
	s5 =	sshll.u32 s1, $0x4  }
.Ltmp0:
0x6: {  	s1 =	stileid.u32;
	s5 =	sand.u32 $0x10, s5;
	(pc) =	sbr.rel .LBB2_1-.Ltmp0, $4  }
0x7: {  	s10 =	simm.s32 $0x0;
	s3 =	sadd.s32 $0x241000, s7;
	s6 =	sor.u32 s1, s5  }
0x8: {  	[sflag:s4] =	ssyncpa.u1 $0x0;
	s5 =	simm.s32 $0x2;
	s6 =	sshll.u32 s6, $0x6  }
0x9: {  	s7 =	sadd.s32 $0x41000, s7;
	[sflag:s5] =	ssyncpa.u1 $0x0;
	s8 =	sadd.s32 $0x40, s6  }
0xa: {  	vm0 =	vmmov $0xff;
	vm1 =	vcmask $0x3F20;
	[sflag:s9] =	ssyncpa.u1 $0x0;
	s9 =	simm.s32 $0x40;
	s11 =	smov.u32 s6  }
.LBB2_9:
0xb: {  	p0 =	seq.s32 s10, $0x2  }
.Ltmp1:
0xc: {  	_ = 	snop;
	(pc) =	sbr.rel @p0 .LBB2_11-.Ltmp1, $1  }
0xd: {  	_ =	sdelay $0x3  }
.LBB2_10:
0xe: {  	s12 =	sadd.s32 $0x40, s11  }
0xf: {  	s13 =	smov.u32 s6;
	p0 =	slt.s32 s12, s8  }
0x10: {  	s13 =	smov.u32 @p0 s12  }
0x11: {  	s10 =	sadd.s32 $0x1, s10;
	s12 =	smov.u32 s11;
	s11 =	smov.u32 s13  }
.LBB2_1:
0x12: {  	p0 =	sne.s32 s10, $0x0  }
.Ltmp2:
0x13: {  	_ = 	snop;
	(pc) =	sbr.rel @!p0 .LBB2_2-.Ltmp2, $1  }
0x14: {  	_ =	sdelay $0x3  }
0x15: {  	s13 =	sand.u32 $0x1, s10  }
0x16: {  	p0 =	seq.s32 s13, $0x0  }
.Ltmp3:
0x17: {  	_ = 	snop;
	(pc) =	sbr.rel @p0 .LBB2_9-.Ltmp3, $1  }
0x18: {  	_ =	sdelay $0x3  }
0x19: {  	_ =	swait.ge [sflag:s5], $0x40  }
0x1a: {  	[sflag:s5] =	ssyncset.done $0x0  }
0x1b: {  	s13 =	simm.s32 $0x0;
	[sflag:s5] =	ssyncadd.s32 $0xFFFFFFC0  }
0x1c: {  	v0 =	vld.msk [tilespmem:s13+$0x40 ss:$0x1], $0xffff;
	_ =	sdelay $0x4  }
0x1d: {  	v1 =	vshll.u32 v0, $0x3  }
0x1e: {  	vm2 =	veq.s32 v0, $0x80000000;
	v0 =	vshll.u32 v0, $0x10;
	v1 =	vand.u32 $0xFF80, v1  }
0x1f: {  	v0 =	vand.u32 $0xF0000, v0;
	v1 =	vsel vm2, $0xFFFFFF80, v1  }
0x20: {  	v0 =	vsel vm2, $0xFFFF0000, v0;
	v2 =	vand.u32 $0xFFFFFC00, v1  }
0x21: {  	v1 =	vand.u32 $0x380, v1;
	v0 =	vadd.s32 v0, v2  }
0x22: {  	v0 =	vor.u32 v1, v0  }
0x23: {  	v0 =	vshrl.u32 v0, $0x3;
	_ =	sdelay $0x3  }
0x24: {  	s13 =	simm.s32 $0x2080  }
0x25: {  	[tilespmem:s13], [sflag:$0x1] =	stream.indirect_vreg.gather [hbm:s3], $0x80, v0, vm0, $0x38;
	[tilespmem:$0x4080] =	vst v63  }
0x26: {  	s14 =	simm.s32 $0x2480;
	s31 =	simm.s32 $0x10  }
0x27: {  	[tilespmem:s14], [sflag:$0x1] =	stream.indirect_vreg.gather [hbm:s3], $0x80, v0, vm1, $0x38;
	[tilespmem:$0x4080] =	vst v63  }
0x28: {  	s14 =	simm.s32 $0x80;
	v0 =	vld.msk [tilespmem:s31+$0x40 ss:$0x1], $0xffff  }
.LBB2_5:
0x29: {  	p0 =	sne.s32 s14, $0xC0;
	_ =	sdelay $0x4  }
0x2a: {  	v1 =	vshll.u32 v0, $0x3  }
0x2b: {  	vm2 =	veq.s32 v0, $0x80000000;
	v0 =	vshll.u32 v0, $0x10;
	v1 =	vand.u32 $0xFF80, v1  }
0x2c: {  	v0 =	vand.u32 $0xF0000, v0;
	v1 =	vsel vm2, $0xFFFFFF80, v1  }
0x2d: {  	v0 =	vsel vm2, $0xFFFF0000, v0;
	v2 =	vand.u32 $0xFFFFFC00, v1  }
0x2e: {  	v1 =	vand.u32 $0x380, v1;
	v0 =	vadd.s32 v0, v2  }
0x2f: {  	v0 =	vor.u32 v1, v0  }
0x30: {  	v0 =	vshrl.u32 v0, $0x3;
	_ =	sdelay $0x3  }
.Ltmp4:
0x31: {  	s13 =	sadd.s32 $0x800, s13;
	(pc) =	sbr.rel @p0 .LBB2_5-.Ltmp4, $4  }
0x32: {  	[tilespmem:s13], [sflag:$0x1] =	stream.indirect_vreg.gather [hbm:s3], $0x80, v0, vm0, $0x38;
	[tilespmem:$0x4080] =	vst v63  }
0x33: {  	s15 =	sshra.s32 s14, $0x2;
	s16 =	sadd.s32 $0x400, s13  }
0x34: {  	[tilespmem:s16], [sflag:$0x1] =	stream.indirect_vreg.gather [hbm:s3], $0x80, v0, vm1, $0x38;
	[tilespmem:$0x4080] =	vst v63  }
0x35: {  	s14 =	sadd.s32 $0x40, s14;
	v0 =	vld.msk [tilespmem:s15+$0x40 ss:$0x1], $0xffff  }
0x36: {  	_ =	sdelay $0x3  }
0x37: {  	v1 =	vshll.u32 v0, $0x3  }
0x38: {  	vm2 =	veq.s32 v0, $0x80000000;
	v63 =	vshll.u32 v0, $0x10;
	v1 =	vand.u32 $0xFF80, v1  }
0x39: {  	v0 =	vand.u32 $0xF0000, v63;
	v1 =	vsel vm2, $0xFFFFFF80, v1  }
0x3a: {  	v0 =	vsel vm2, $0xFFFF0000, v0;
	v2 =	vand.u32 $0xFFFFFC00, v1  }
0x3b: {  	v1 =	vand.u32 $0x380, v1;
	v0 =	vadd.s32 v0, v2  }
0x3c: {  	v0 =	vor.u32 v1, v0  }
0x3d: {  	v0 =	vshrl.u32 v0, $0x3;
	_ =	sdelay $0x3  }
0x3e: {  	s13 =	sadd.s32 $0x800, s13  }
0x3f: {  	[tilespmem:s13], [sflag:$0x1] =	stream.indirect_vreg.gather [hbm:s3], $0x80, v0, vm0, $0x38;
	[tilespmem:$0x4080] =	vst v63  }
0x40: {  	s13 =	sadd.s32 $0x400, s13  }
0x41: {  	[tilespmem:s13], [sflag:$0x1] =	stream.indirect_vreg.gather [hbm:s3], $0x80, v0, vm1, $0x38;
	[tilespmem:$0x4080] =	vst v63  }
0x42: {  	s12 =	sshll.u32 s12, $0x4;
	s14 =	simm.s32 $0x80;
	_ =	swait.ge [sflag:s4], $0x2000  }
0x43: {  	s15 =	simm.s32 $0x2480;
	s12 =	sadd.s32 s12, s7;
	[sflag:s4] =	ssyncset.done $0x0  }
0x44: {  	s16 =	sadd.s32 $0x0, s12;
	s13 =	simm.s32 $0x2080;
	[sflag:s4] =	ssyncadd.s32 $0xFFFFE000  }
.LBB2_7:
0x45: {  	[hbm:s16] =	stream.linear.scatter [tilespmem:s13], [sflag:$0x3], $0x400, $0x38;
	[tilespmem:$0x4080] =	vst v63  }
0x46: {  	s16 =	smov.u32 s14;
	s13 =	smov.u32 s15;
	p0 =	sne.s32 s14, $0x380  }
.Ltmp5:
0x47: {  	s14 =	sadd.s32 $0x80, s14;
	(pc) =	sbr.rel @p0 .LBB2_7-.Ltmp5, $2  }
0x48: {  	_ =	sdelay $0x2  }
0x49: {  	s15 =	sadd.s32 $0x400, s15;
	s16 =	sadd.s32 s16, s12  }
.Ltmp6:
0x4a: {  	(pc) =	sbr.rel .LBB2_9-.Ltmp6, $2  }
0x4b: {  	_ =	sdelay $0x2  }
0x4c: {  	[hbm:s16] =	stream.linear.scatter [tilespmem:s13], [sflag:$0x3], $0x400, $0x38;
	[tilespmem:$0x4080] =	vst v63  }
.LBB2_2:
.Ltmp7:
0x4d: {  	(pc) =	sbr.rel .LBB2_10-.Ltmp7, $4  }
0x4e: {  	_ = 	snop  }
0x4f: {  	s12 =	sshrl.u32 s11, $0x3  }
0x50: {  	s13 =	sand.u32 $0x7, s11;
	s12 =	sadd.s32 s2, s12  }
0x51: {  	[tilespmem:s9], [sflag:$0x2] =	stream.linear.gather [hbm4b:s12+s13], $0x40, $0x38;
	[tilespmem:$0x4080] =	vst v63  }
.LBB2_11:
0x52: {  	s2 =	simm.s32 $0x3  }
0x53: {  	_ =	swait.ge [sflag:s2], $0x2000  }
0x54: {  	[sflag:s2] =	ssyncset.done $0x0  }
0x55: {  	[sflag:s2] =	ssyncadd.s32 $0xFFFFE000  }
0x56: {  	_ =	sfence.sel $0x180000  }
0x57: {  	s3 =	simm.s32 $0x2;
	[bflag:$0x0] =	sbarrier.arrive $0xFFFF  }
0x58: {  	[sflag:s3] =	ssyncpa.u1 $0x1  }
0x59: {  	s31 =	simm.s32 $0x1;
	[sflag:s2] =	ssyncpa.u1 $0x1  }
0x5a: {  	[sflag:s31] =	ssyncpa.u1 $0x1  }
0x5b: {  	p0 =	sne.s32 s1, $0x0;
	_ =	strace $0x9000004D  }
0x5c: {  	s0 =	sadd.s32 @!p0 $0x100000, s0;
	[bflag:$0x2] =	sbarrier.arrive $0xFFFF  }
0x5d: {  	[sflag:s0] =	ssyncadd.tile.s32 @!p0 $0x1;
	_ =	shalt  }
.Lfunc_end2:
_tile_overlayer_lowered:
.L_overlay_start_2:
0x5e: {  	(tag) =	ssettag $0x2  }
0x5f: {  	s0 =	rddreg [dreg:$0x0];
	s2 =	stileid.u32  }
0x60: {  	s1 =	rddreg [dreg:$0x1];
	p0 =	sne.s32 s2, $0x0  }
0x61: {  	s3 =	rddreg [dreg:$0x2];
	[bflag:$0x3] =	sbarrier.arrive $0xFFFF;
	s2 =	simm.s32 @!p0 $0x1C01  }
0x62: {  	[timem:s3], [sflag:s2] =	dma.local @!p0 [hbm:s0], s1  }
0x63: {  	s0 =	simm.s32 @!p0 $0x1  }
0x64: {  	_ =	swait.ge @!p0 [sflag:s0], s1  }
0x65: {  	s1 =	ssub.s32 @!p0 $0x0, s1;
	[sflag:s0] =	ssyncset.done @!p0 $0x0  }
0x66: {  	[sflag:s0] =	ssyncadd.s32 @!p0 s1  }
0x67: {  	[bflag:$0x3] =	sbarrier.arrive $0xFFFF  }
0x68: {  	_ =	shalt  }

// kernel: gather_offload_async_start
scs
__scs_entry_jumppad:
0x0: {  	(pc) =	sbr.rel $0x88, $3  }
0x1: {  	(tag) =	ssettag $0x0;
	lr =	simm.s32 $0x1  }
0x2: {  	[smem:$0x3F6A] =	sst lr;
	_ =	strace $0xD0000000  }
0x3: {  	_ = 	snop  }
0x4: {  	_ = 	snop  }
0x5: {  	_ = 	snop  }
0x6: {  	_ = 	snop  }
0x7: {  	_ = 	snop  }
__scs_overlays_trampoline_lowered:
0x8: {  	[smem:$0x3F79] =	sst s0  }
0x9: {  	[smem:$0x3F7A] =	sst s1  }
0xa: {  	[smem:$0x3F7B] =	sst s2  }
0xb: {  	[smem:$0x3F7C] =	sst s3  }
0xc: {  	[smem:$0x3F7D] =	sst s4  }
0xd: {  	[smem:$0x3F7E] =	sst s5  }
0xe: {  	[smem:$0x3F7F] =	sst s6  }
0xf: {  	[smem:$0x3F80] =	sst s7  }
0x10: {  	[smem:$0x3F81] =	sst s8  }
0x11: {  	[smem:$0x3F82] =	sst s9;
	s0 =	simm.s32 @!p0 $0x0  }
0x12: {  	s1 =	sld [smem:$0x3F68];
	s0 =	simm.s32 @p0 $0x1  }
0x13: {  	[smem:$0x3F83] =	sst s0;
	s0 =	simm.s32 @!p1 $0x0  }
0x14: {  	s2 =	sld [smem:$0x3F67];
	s0 =	simm.s32 @p1 $0x1  }
0x15: {  	[smem:$0x3F84] =	sst s0;
	s0 =	simm.s32 @!p2 $0x0  }
0x16: {  	s3 =	sld [smem:$0x3FDB];
	s0 =	simm.s32 @p2 $0x1  }
0x17: {  	s4 =	simm.s32 $0x1BF5;
	[smem:$0x3F86] =	sst s0  }
0x18: {  	s0 =	sld [smem:$0x3F69];
	_ =	swait.ge [sflag:s4], $0x0  }
0x19: {  	s7 =	sld [smem:$0x3F6A]  }
0x1a: {  	s8 =	sadd.s32 $0xFFFFE003, lr  }
0x1b: {  	s9 =	sadd.s32 $0xFFFFFEF7, lr;
	s5 =	simm.s32 $0xFFFFFFFF;
	p2 =	slt.u32 s8, $0xFFFFF086  }
0x1c: {  	p1 =	slt.u32 s9, $0xF7A;
	s5 =	simm.s32 @!p2 $0x0  }
0x1d: {  	s5 =	simm.s32 @p1 $0x1;
	p0 =	seq.s32 s7, s2  }
0x1e: {  	s7 =	smul.u32 @!p0 $0xF7A, s2;
	p2 =	seq.s32 @!p0 s5, $0x0  }
0x1f: {  	s9 =	smul.u32 $0xF7A, s1;
	s8 =	simm.s32 @!p0 $0x1BF5;
	p2 =	por !p2, p0  }
0x20: {  	[sflag:s8] =	ssyncset.s32 @!p0 $0xFFFFF086;
	s6 =	sadd.s32 @!p0 s3, s7;
	s7 =	simm.s32 @!p0 $0x108  }
0x21: {  	s3 =	sadd.s32 s3, s9;
	s6 =	sadd.s32 @!p0 $0x88, s6;
	s7 =	simm.s32 @p2 $0x1082  }
0x22: {  	[simem:s7], [sflag:s8] =	dma.local @!p0 [hbm:s6], $0xF7A  }
0x23: {  	s9 =	sor.u32 $0xD0000000, s2;
	s6 =	simm.s32 $0x108;
	_ =	swait.ge @!p0 [sflag:s8], $0x0  }
0x24: {  	s3 =	sadd.s32 $0x88, s3;
	s6 =	simm.s32 @!p1 $0x1082;
	[sflag:s4] =	ssyncset.s32 $0xFFFFF086  }
0x25: {  	[simem:s6], [sflag:s4] =	dma.local [hbm:s3], $0xF7A  }
0x26: {  	[smem:$0x3F6A] =	sst s1;
	(tag) =	ssettag s2;
	_ =	strace s9  }
0x27: {  	s1 =	sld [smem:$0x3F7A]  }
0x28: {  	s2 =	sld [smem:$0x3F7B]  }
0x29: {  	s4 =	sld [smem:$0x3F7D]  }
0x2a: {  	p0 =	seq.s32 s5, $0x0;
	s5 =	sld [smem:$0x3F7E]  }
0x2b: {  	s6 =	sld [smem:$0x3F7F]  }
0x2c: {  	s7 =	sld [smem:$0x3F80]  }
0x2d: {  	s3 =	simm.s32 $0x108;
	s8 =	sld [smem:$0x3F81]  }
0x2e: {  	s3 =	simm.s32 @!p0 $0x1082;
	s9 =	sld [smem:$0x3F82]  }
0x2f: {  	lr =	sadd.s32 s0, s3;
	s0 =	sld [smem:$0x3F79]  }
0x30: {  	s3 =	sld [smem:$0x3F7C]  }
0x31: {  	[smem:$0x3F85] =	sst s10  }
0x32: {  	s10 =	sld [smem:$0x3F83];
	_ =	sdelay $0x3  }
0x33: {  	p0 =	seq.s32 s10, $0x1;
	s10 =	sld [smem:$0x3F85];
	_ =	sdelay $0x3  }
0x34: {  	[smem:$0x3F85] =	sst s10  }
0x35: {  	s10 =	sld [smem:$0x3F84];
	_ =	sdelay $0x3  }
0x36: {  	p1 =	seq.s32 s10, $0x1;
	s10 =	sld [smem:$0x3F85];
	_ =	sdelay $0x3  }
0x37: {  	[smem:$0x3F85] =	sst s10  }
0x38: {  	s10 =	sld [smem:$0x3F86]  }
0x39: {  	_ = 	snop;
	(pc) =	sbr.ind lr, $3  }
0x3a: {  	_ = 	snop  }
0x3b: {  	_ = 	snop  }
0x3c: {  	p2 =	seq.s32 s10, $0x1;
	s10 =	sld [smem:$0x3F85]  }
0x3d: {  	_ =	shalt  }
0x3e: {  	_ =	shalt  }
0x3f: {  	_ =	shalt  }
0x40: {  	_ =	shalt  }
0x41: {  	_ =	shalt  }
0x42: {  	_ =	shalt  }
0x43: {  	_ =	shalt  }
0x44: {  	_ =	shalt  }
0x45: {  	_ =	shalt  }
0x46: {  	_ =	shalt  }
0x47: {  	_ =	shalt  }
0x48: {  	_ =	shalt  }
0x49: {  	_ =	shalt  }
0x4a: {  	_ =	shalt  }
0x4b: {  	_ =	shalt  }
0x4c: {  	_ =	shalt  }
0x4d: {  	_ =	shalt  }
0x4e: {  	_ =	shalt  }
0x4f: {  	_ =	shalt  }
0x50: {  	_ =	shalt  }
0x51: {  	_ =	shalt  }
0x52: {  	_ =	shalt  }
0x53: {  	_ =	shalt  }
0x54: {  	_ =	shalt  }
0x55: {  	_ =	shalt  }
0x56: {  	_ =	shalt  }
0x57: {  	_ =	shalt  }
0x58: {  	_ =	shalt  }
0x59: {  	_ =	shalt  }
0x5a: {  	_ =	shalt  }
0x5b: {  	_ =	shalt  }
0x5c: {  	_ =	shalt  }
0x5d: {  	_ =	shalt  }
0x5e: {  	_ =	shalt  }
0x5f: {  	_ =	shalt  }
0x60: {  	_ =	shalt  }
0x61: {  	_ =	shalt  }
0x62: {  	_ =	shalt  }
0x63: {  	_ =	shalt  }
0x64: {  	_ =	shalt  }
0x65: {  	_ =	shalt  }
0x66: {  	_ =	shalt  }
0x67: {  	_ =	shalt  }
0x68: {  	_ =	shalt  }
0x69: {  	_ =	shalt  }
0x6a: {  	_ =	shalt  }
0x6b: {  	_ =	shalt  }
0x6c: {  	_ =	shalt  }
0x6d: {  	_ =	shalt  }
0x6e: {  	_ =	shalt  }
0x6f: {  	_ =	shalt  }
0x70: {  	_ =	shalt  }
0x71: {  	_ =	shalt  }
0x72: {  	_ =	shalt  }
0x73: {  	_ =	shalt  }
0x74: {  	_ =	shalt  }
0x75: {  	_ =	shalt  }
0x76: {  	_ =	shalt  }
0x77: {  	_ =	shalt  }
0x78: {  	_ =	shalt  }
0x79: {  	_ =	shalt  }
0x7a: {  	_ =	shalt  }
0x7b: {  	_ =	shalt  }
0x7c: {  	_ =	shalt  }
0x7d: {  	_ =	shalt  }
0x7e: {  	_ =	shalt  }
0x7f: {  	_ =	shalt  }
0x80: {  	_ =	shalt  }
0x81: {  	_ =	shalt  }
0x82: {  	_ =	shalt  }
0x83: {  	_ =	shalt  }
0x84: {  	_ =	shalt  }
0x85: {  	_ =	shalt  }
0x86: {  	_ =	shalt  }
0x87: {  	_ =	shalt  }
.Lfunc_end0:
.L_simem_size_0:
called_computation.1_lowered:
.L_overlay_start_0:
0x88: {  	s2 =	sld [smem:$0x3FD9]  }
0x89: {  	s3 =	sld [smem:$0x3FFE];
	_ =	sdelay $0x1  }
0x8a: {  	s1 =	srdreg.scid  }
0x8b: {  	s0 =	sand.u32 $0x1, s1  }
0x8c: {  	s16 =	sshll.u32 s0, $0xA;
	s2 =	sadd.s32 s3, s2  }
0x8d: {  	s2 =	sadd.s32 s2, s16  }
0x8e: {  	[smem:$0x3F91] =	sst s2  }
0x8f: {  	_ = 	snop  }
0x90: {  	(tm) =	ssettm $0x1  }
0x91: {  	s17 =	sld [smem:$0x3FFB];
	_ =	sdelay $0x3  }
0x92: {  	_ =	strace s17  }
0x93: {  	s2 =	sld [smem:$0x3FFC];
	_ =	sdelay $0x3  }
0x94: {  	_ =	strace s2  }
0x95: {  	s2 =	sld [smem:$0x3FFD];
	_ =	sdelay $0x3  }
0x96: {  	_ =	strace s2  }
0x97: {  	_ =	strace $0x8FFFFFFF  }
0x98: {  	s18 =	sld [smem:$0x3FDB];
	_ =	sdelay $0x1  }
0x99: {  	s19 =	simm.s32 $_scs_section_size  }
0x9a: {  	s4 =	simm.s32 $_size__tile_overlayer_lowered;
	s5 =	simm.s32 $_tile_overlayer_lowered  }
0x9b: {  	s22 =	simm.s32 $0x1BFF;
	s21 =	sshll.u32 s5, $0x1;
	s2 =	sadd.s32 s19, s18  }
0x9c: {  	s6 =	simm.s32 $0x0;
	s20 =	sshll.u32 s4, $0x1;
	s4 =	sadd.s32 s21, s2  }
0x9d: {  	[timem:s6], [sflag:s22] =	dma.local [hbm:s4], s20  }
0x9e: {  	_ =	swait.ge [sflag:s22], s20  }
0x9f: {  	s3 =	ssub.s32 $0x0, s20;
	[sflag:s22] =	ssyncset.done $0x0  }
0xa0: {  	[sflag:s22] =	ssyncadd.s32 s3;
	_ =	sdelay $0x1  }
0xa1: {  	s23 =	simm.s32 $0x1B8B  }
0xa2: {  	_ =	swait.ge [sflag:s23], $0x1  }
0xa3: {  	[sflag:s23] =	ssyncset.done $0x0  }
0xa4: {  	s25 =	simm.s32 $0x1B8E;
	s24 =	sld [smem:$0x3FFE];
	[sflag:s23] =	ssyncadd.s32 $0xFFFFFFFF  }
0xa5: {  	s26 =	simm.s32 $execute0_lowered;
	[smem:$0x3FD2] =	sst s25  }
0xa6: {  	s4 =	sshll.u32 s26, $0x1;
	_ =	strace $0x80000046;
	[dreg:$0x1] =	wrdreg $0xFFFFFFFF  }
0xa7: {  	s28 =	simm.s32 $_size_execute0_lowered;
	s2 =	sadd.s32 s2, s4;
	[dreg:$0x0] =	wrdreg $0x0  }
0xa8: {  	s4 =	sshll.u32 s28, $0x1;
	[dreg:$0x2] =	wrdreg s2  }
0xa9: {  	[dreg:$0x3] =	wrdreg s4  }
0xaa: {  	[dreg:$0x4] =	wrdreg $0xC0  }
0xab: {  	_ =	task [dreg:s6], $0x5FFFF  }
0xac: {  	[dreg:$0x1] =	wrdreg $0xFFFFFFFF  }
0xad: {  	[dreg:$0x0] =	wrdreg $0x60  }
0xae: {  	[dreg:$0x2] =	wrdreg s24  }
0xaf: {  	[dreg:$0x3] =	wrdreg $0x9  }
0xb0: {  	_ =	task.clear_ibuf [dreg:s6], $0x4FFFF;
	_ =	strace $0x90000046  }
0xb1: {  	s29 =	simm.s32 $0x9;
	_ =	strace $0x80000048  }
0xb2: {  	_ =	swait.ge [sflag:s29], $0x1  }
0xb3: {  	[sflag:s29] =	ssyncadd.s32 $0xFFFFFFFF  }
0xb4: {  	_ =	strace $0x90000048  }
0xb5: {  	_ =	sfence  }
0xb6: {  	s30 =	sld [smem:$0x0];
	_ =	sdelay $0x2  }
0xb7: {  	s31 =	sshll.u32 s1, $0xD;
	s1 =	sshrl.u32 s1, $0x2  }
0xb8: {  	s3 =	sand.u32 $0x4000, s31;
	s1 =	sadd.s32 s1, s30  }
0xb9: {  	s0 =	sor.u32 s3, s0;
	s1 =	sshll.u32 s1, $0x11  }
0xba: {  	s0 =	sor.u32 s1, s0  }
0xbb: {  	s0 =	sadd.s32 $0x8F2B, s0  }
0xbc: {  	[sflag:s0] =	ssyncadd.remote.s32 $0x1  }
0xbd: {  	_ =	sfence.sel $0xFFFF  }
0xbe: {  	[dreg:$0x0] =	wrdreg $0xFFFFFFFF;
	(pc) =	sbr.abs _section_cstart, $3  }
0xbf: {  	[dreg:$0x1] =	wrdreg $0xFFFFFFFF  }
0xc0: {  	_ =	task.clear_ibuf [dreg:s6], $0x2FFFF;
	_ =	strace $0x9FFFFFFF  }
0xc1: {  	(tm) =	ssettm $0x7FFFFFFF  }
tec
execute0_lowered:
.L_overlay_start_1:
0x0: {  	(tag) =	ssettag $0x1  }
0x1: {  	s2 =	rddreg [dreg:$0x0]  }
0x2: {  	s0 =	rddreg [dreg:$0x1]  }
0x3: {  	s1 =	srdreg.scid;
	_ =	strace $0x80000047;
	s4 =	simm.s32 $0x1  }
0x4: {  	s9 =	simm.s32 $0x3;
	s12 =	simm.s32 $0x0;
	s5 =	sshll.u32 s1, $0x4  }
.Ltmp0:
0x5: {  	s1 =	stileid.u32;
	s5 =	sand.u32 $0x10, s5;
	(pc) =	sbr.rel .LBB2_1-.Ltmp0, $4  }
0x6: {  	s10 =	simm.s32 $0x0;
	s3 =	sadd.s32 $0x40000, s2;
	s6 =	sor.u32 s1, s5  }
0x7: {  	[sflag:s4] =	ssyncpa.u1 $0x0;
	s5 =	simm.s32 $0x2;
	s6 =	sshll.u32 s6, $0x8  }
0x8: {  	s7 =	sadd.s32 $0x40400, s2;
	[sflag:s5] =	ssyncpa.u1 $0x0;
	s8 =	sadd.s32 $0x100, s6  }
0x9: {  	vm0 =	vmmov $0xff;
	vm1 =	vcmask $0x3F20;
	[sflag:s9] =	ssyncpa.u1 $0x0;
	s9 =	simm.s32 $0x100;
	s11 =	smov.u32 s6  }
.LBB2_9:
0xa: {  	p0 =	seq.s32 s10, $0x2  }
.Ltmp1:
0xb: {  	_ = 	snop;
	(pc) =	sbr.rel @p0 .LBB2_11-.Ltmp1, $1  }
0xc: {  	_ =	sdelay $0x3  }
.LBB2_10:
0xd: {  	s12 =	sadd.s32 $0x100, s11  }
0xe: {  	s13 =	smov.u32 s6;
	p0 =	slt.s32 s12, s8  }
0xf: {  	s13 =	smov.u32 @p0 s12  }
0x10: {  	s10 =	sadd.s32 $0x1, s10;
	s12 =	smov.u32 s11;
	s11 =	smov.u32 s13  }
.LBB2_1:
0x11: {  	p0 =	sne.s32 s10, $0x0  }
.Ltmp2:
0x12: {  	_ = 	snop;
	(pc) =	sbr.rel @!p0 .LBB2_2-.Ltmp2, $1  }
0x13: {  	_ =	sdelay $0x3  }
0x14: {  	s13 =	sand.u32 $0x1, s10  }
0x15: {  	p0 =	seq.s32 s13, $0x0  }
.Ltmp3:
0x16: {  	_ = 	snop;
	(pc) =	sbr.rel @p0 .LBB2_9-.Ltmp3, $1  }
0x17: {  	_ =	sdelay $0x3  }
0x18: {  	_ =	swait.ge [sflag:s5], $0x100  }
0x19: {  	[sflag:s5] =	ssyncset.done $0x0  }
0x1a: {  	s13 =	simm.s32 $0x0;
	[sflag:s5] =	ssyncadd.s32 $0xFFFFFF00  }
0x1b: {  	v0 =	vld.msk [tilespmem:s13+$0x100 ss:$0x1], $0xffff;
	_ =	sdelay $0x4  }
0x1c: {  	v1 =	vshll.u32 v0, $0x3  }
0x1d: {  	vm2 =	veq.s32 v0, $0x80000000;
	v0 =	vshll.u32 v0, $0x11;
	v1 =	vand.u32 $0x1FF80, v1  }
0x1e: {  	v0 =	vand.u32 $0x1E0000, v0;
	v1 =	vsel vm2, $0xFFFFFF80, v1  }
0x1f: {  	v0 =	vsel vm2, $0xFFFE0000, v0;
	v2 =	vand.u32 $0xFFFFFC00, v1  }
0x20: {  	v1 =	vand.u32 $0x380, v1;
	v0 =	vadd.s32 v0, v2  }
0x21: {  	v0 =	vor.u32 v1, v0  }
0x22: {  	v0 =	vshrl.u32 v0, $0x3;
	_ =	sdelay $0x3  }
0x23: {  	s13 =	simm.s32 $0x8200  }
0x24: {  	[tilespmem:s13], [sflag:$0x1] =	stream.indirect_vreg.gather [hbm:s2], $0x80, v0, vm0, $0x38;
	[tilespmem:$0x10200] =	vst v63  }
0x25: {  	s14 =	simm.s32 $0x8600;
	s31 =	simm.s32 $0x10  }
0x26: {  	[tilespmem:s14], [sflag:$0x1] =	stream.indirect_vreg.gather [hbm:s2], $0x80, v0, vm1, $0x38;
	[tilespmem:$0x10200] =	vst v63  }
0x27: {  	s14 =	simm.s32 $0x80;
	v0 =	vld.msk [tilespmem:s31+$0x100 ss:$0x1], $0xffff  }
.LBB2_5:
0x28: {  	p0 =	sne.s32 s14, $0x3C0;
	_ =	sdelay $0x4  }
0x29: {  	v1 =	vshll.u32 v0, $0x3  }
0x2a: {  	vm2 =	veq.s32 v0, $0x80000000;
	v0 =	vshll.u32 v0, $0x11;
	v1 =	vand.u32 $0x1FF80, v1  }
0x2b: {  	v0 =	vand.u32 $0x1E0000, v0;
	v1 =	vsel vm2, $0xFFFFFF80, v1  }
0x2c: {  	v0 =	vsel vm2, $0xFFFE0000, v0;
	v2 =	vand.u32 $0xFFFFFC00, v1  }
0x2d: {  	v1 =	vand.u32 $0x380, v1;
	v0 =	vadd.s32 v0, v2  }
0x2e: {  	v0 =	vor.u32 v1, v0  }
0x2f: {  	v0 =	vshrl.u32 v0, $0x3;
	_ =	sdelay $0x3  }
.Ltmp4:
0x30: {  	s13 =	sadd.s32 $0x800, s13;
	(pc) =	sbr.rel @p0 .LBB2_5-.Ltmp4, $4  }
0x31: {  	[tilespmem:s13], [sflag:$0x1] =	stream.indirect_vreg.gather [hbm:s2], $0x80, v0, vm0, $0x38;
	[tilespmem:$0x10200] =	vst v63  }
0x32: {  	s15 =	sshra.s32 s14, $0x2;
	s16 =	sadd.s32 $0x400, s13  }
0x33: {  	[tilespmem:s16], [sflag:$0x1] =	stream.indirect_vreg.gather [hbm:s2], $0x80, v0, vm1, $0x38;
	[tilespmem:$0x10200] =	vst v63  }
0x34: {  	s14 =	sadd.s32 $0x40, s14;
	v0 =	vld.msk [tilespmem:s15+$0x100 ss:$0x1], $0xffff  }
0x35: {  	_ =	sdelay $0x3  }
0x36: {  	v1 =	vshll.u32 v0, $0x3  }
0x37: {  	vm2 =	veq.s32 v0, $0x80000000;
	v63 =	vshll.u32 v0, $0x11;
	v1 =	vand.u32 $0x1FF80, v1  }
0x38: {  	v0 =	vand.u32 $0x1E0000, v63;
	v1 =	vsel vm2, $0xFFFFFF80, v1  }
0x39: {  	v0 =	vsel vm2, $0xFFFE0000, v0;
	v2 =	vand.u32 $0xFFFFFC00, v1  }
0x3a: {  	v1 =	vand.u32 $0x380, v1;
	v0 =	vadd.s32 v0, v2  }
0x3b: {  	v0 =	vor.u32 v1, v0  }
0x3c: {  	v0 =	vshrl.u32 v0, $0x3;
	_ =	sdelay $0x3  }
0x3d: {  	s13 =	sadd.s32 $0x800, s13  }
0x3e: {  	[tilespmem:s13], [sflag:$0x1] =	stream.indirect_vreg.gather [hbm:s2], $0x80, v0, vm0, $0x38;
	[tilespmem:$0x10200] =	vst v63  }
0x3f: {  	s13 =	sadd.s32 $0x400, s13  }
0x40: {  	[tilespmem:s13], [sflag:$0x1] =	stream.indirect_vreg.gather [hbm:s2], $0x80, v0, vm1, $0x38;
	[tilespmem:$0x10200] =	vst v63  }
0x41: {  	s12 =	sshll.u32 s12, $0x4;
	s14 =	simm.s32 $0x80;
	_ =	swait.ge [sflag:s4], $0x8000  }
0x42: {  	s15 =	simm.s32 $0x8600;
	s12 =	sadd.s32 s12, s7;
	[sflag:s4] =	ssyncset.done $0x0  }
0x43: {  	s16 =	sadd.s32 $0x0, s12;
	s13 =	simm.s32 $0x8200;
	[sflag:s4] =	ssyncadd.s32 $0xFFFF8000  }
.LBB2_7:
0x44: {  	[hbm:s16] =	stream.linear.scatter [tilespmem:s13], [sflag:$0x3], $0x400, $0x38;
	[tilespmem:$0x10200] =	vst v63  }
0x45: {  	s16 =	smov.u32 s14;
	s13 =	smov.u32 s15;
	p0 =	sne.s32 s14, $0xF80  }
.Ltmp5:
0x46: {  	s14 =	sadd.s32 $0x80, s14;
	(pc) =	sbr.rel @p0 .LBB2_7-.Ltmp5, $2  }
0x47: {  	_ =	sdelay $0x2  }
0x48: {  	s15 =	sadd.s32 $0x400, s15;
	s16 =	sadd.s32 s16, s12  }
.Ltmp6:
0x49: {  	(pc) =	sbr.rel .LBB2_9-.Ltmp6, $2  }
0x4a: {  	_ =	sdelay $0x2  }
0x4b: {  	[hbm:s16] =	stream.linear.scatter [tilespmem:s13], [sflag:$0x3], $0x400, $0x38;
	[tilespmem:$0x10200] =	vst v63  }
.LBB2_2:
.Ltmp7:
0x4c: {  	(pc) =	sbr.rel .LBB2_10-.Ltmp7, $4  }
0x4d: {  	_ = 	snop  }
0x4e: {  	s12 =	sshrl.u32 s11, $0x3  }
0x4f: {  	s13 =	sand.u32 $0x7, s11;
	s12 =	sadd.s32 s3, s12  }
0x50: {  	[tilespmem:s9], [sflag:$0x2] =	stream.linear.gather [hbm4b:s12+s13], $0x100, $0x38;
	[tilespmem:$0x10200] =	vst v63  }
.LBB2_11:
0x51: {  	s2 =	simm.s32 $0x3  }
0x52: {  	_ =	swait.ge [sflag:s2], $0x8000  }
0x53: {  	[sflag:s2] =	ssyncset.done $0x0  }
0x54: {  	[sflag:s2] =	ssyncadd.s32 $0xFFFF8000  }
0x55: {  	_ =	sfence.sel $0x180000  }
0x56: {  	s3 =	simm.s32 $0x2;
	[bflag:$0x0] =	sbarrier.arrive $0xFFFF  }
0x57: {  	[sflag:s3] =	ssyncpa.u1 $0x1  }
0x58: {  	s31 =	simm.s32 $0x1;
	[sflag:s2] =	ssyncpa.u1 $0x1  }
0x59: {  	[sflag:s31] =	ssyncpa.u1 $0x1  }
0x5a: {  	p0 =	sne.s32 s1, $0x0;
	_ =	strace $0x90000047  }
0x5b: {  	s0 =	sadd.s32 @!p0 $0x100000, s0;
	[bflag:$0x2] =	sbarrier.arrive $0xFFFF  }
0x5c: {  	[sflag:s0] =	ssyncadd.tile.s32 @!p0 $0x1;
	_ =	shalt  }
.Lfunc_end2:
_tile_overlayer_lowered:
.L_overlay_start_2:
0x5d: {  	(tag) =	ssettag $0x2  }
0x5e: {  	s0 =	rddreg [dreg:$0x0];
	s2 =	stileid.u32  }
0x5f: {  	s1 =	rddreg [dreg:$0x1];
	p0 =	sne.s32 s2, $0x0  }
0x60: {  	s3 =	rddreg [dreg:$0x2];
	[bflag:$0x3] =	sbarrier.arrive $0xFFFF;
	s2 =	simm.s32 @!p0 $0x1C01  }
0x61: {  	[timem:s3], [sflag:s2] =	dma.local @!p0 [hbm:s0], s1  }
0x62: {  	s0 =	simm.s32 @!p0 $0x1  }
0x63: {  	_ =	swait.ge @!p0 [sflag:s0], s1  }
0x64: {  	s1 =	ssub.s32 @!p0 $0x0, s1;
	[sflag:s0] =	ssyncset.done @!p0 $0x0  }
0x65: {  	[sflag:s0] =	ssyncadd.s32 @!p0 s1  }
0x66: {  	[bflag:$0x3] =	sbarrier.arrive $0xFFFF  }
0x67: {  	_ =	shalt  }

// kernel: kernel.15.cloned.1.call-start
scs
__scs_entry_jumppad:
0x0: {  	(pc) =	sbr.rel $0x88, $3  }
0x1: {  	(tag) =	ssettag $0x0;
	lr =	simm.s32 $0x1  }
0x2: {  	[smem:$0x3F6A] =	sst lr;
	_ =	strace $0xD0000000  }
0x3: {  	_ = 	snop  }
0x4: {  	_ = 	snop  }
0x5: {  	_ = 	snop  }
0x6: {  	_ = 	snop  }
0x7: {  	_ = 	snop  }
__scs_overlays_trampoline_lowered:
0x8: {  	[smem:$0x3F79] =	sst s0  }
0x9: {  	[smem:$0x3F7A] =	sst s1  }
0xa: {  	[smem:$0x3F7B] =	sst s2  }
0xb: {  	[smem:$0x3F7C] =	sst s3  }
0xc: {  	[smem:$0x3F7D] =	sst s4  }
0xd: {  	[smem:$0x3F7E] =	sst s5  }
0xe: {  	[smem:$0x3F7F] =	sst s6  }
0xf: {  	[smem:$0x3F80] =	sst s7  }
0x10: {  	[smem:$0x3F81] =	sst s8  }
0x11: {  	[smem:$0x3F82] =	sst s9;
	s0 =	simm.s32 @!p0 $0x0  }
0x12: {  	s1 =	sld [smem:$0x3F68];
	s0 =	simm.s32 @p0 $0x1  }
0x13: {  	[smem:$0x3F83] =	sst s0;
	s0 =	simm.s32 @!p1 $0x0  }
0x14: {  	s2 =	sld [smem:$0x3F67];
	s0 =	simm.s32 @p1 $0x1  }
0x15: {  	[smem:$0x3F84] =	sst s0;
	s0 =	simm.s32 @!p2 $0x0  }
0x16: {  	s3 =	sld [smem:$0x3FDB];
	s0 =	simm.s32 @p2 $0x1  }
0x17: {  	s4 =	simm.s32 $0x1BF5;
	[smem:$0x3F86] =	sst s0  }
0x18: {  	s0 =	sld [smem:$0x3F69];
	_ =	swait.ge [sflag:s4], $0x0  }
0x19: {  	s7 =	sld [smem:$0x3F6A]  }
0x1a: {  	s8 =	sadd.s32 $0xFFFFE003, lr  }
0x1b: {  	s9 =	sadd.s32 $0xFFFFFEF7, lr;
	s5 =	simm.s32 $0xFFFFFFFF;
	p2 =	slt.u32 s8, $0xFFFFF086  }
0x1c: {  	p1 =	slt.u32 s9, $0xF7A;
	s5 =	simm.s32 @!p2 $0x0  }
0x1d: {  	s5 =	simm.s32 @p1 $0x1;
	p0 =	seq.s32 s7, s2  }
0x1e: {  	s7 =	smul.u32 @!p0 $0xF7A, s2;
	p2 =	seq.s32 @!p0 s5, $0x0  }
0x1f: {  	s9 =	smul.u32 $0xF7A, s1;
	s8 =	simm.s32 @!p0 $0x1BF5;
	p2 =	por !p2, p0  }
0x20: {  	[sflag:s8] =	ssyncset.s32 @!p0 $0xFFFFF086;
	s6 =	sadd.s32 @!p0 s3, s7;
	s7 =	simm.s32 @!p0 $0x108  }
0x21: {  	s3 =	sadd.s32 s3, s9;
	s6 =	sadd.s32 @!p0 $0x88, s6;
	s7 =	simm.s32 @p2 $0x1082  }
0x22: {  	[simem:s7], [sflag:s8] =	dma.local @!p0 [hbm:s6], $0xF7A  }
0x23: {  	s9 =	sor.u32 $0xD0000000, s2;
	s6 =	simm.s32 $0x108;
	_ =	swait.ge @!p0 [sflag:s8], $0x0  }
0x24: {  	s3 =	sadd.s32 $0x88, s3;
	s6 =	simm.s32 @!p1 $0x1082;
	[sflag:s4] =	ssyncset.s32 $0xFFFFF086  }
0x25: {  	[simem:s6], [sflag:s4] =	dma.local [hbm:s3], $0xF7A  }
0x26: {  	[smem:$0x3F6A] =	sst s1;
	(tag) =	ssettag s2;
	_ =	strace s9  }
0x27: {  	s1 =	sld [smem:$0x3F7A]  }
0x28: {  	s2 =	sld [smem:$0x3F7B]  }
0x29: {  	s4 =	sld [smem:$0x3F7D]  }
0x2a: {  	p0 =	seq.s32 s5, $0x0;
	s5 =	sld [smem:$0x3F7E]  }
0x2b: {  	s6 =	sld [smem:$0x3F7F]  }
0x2c: {  	s7 =	sld [smem:$0x3F80]  }
0x2d: {  	s3 =	simm.s32 $0x108;
	s8 =	sld [smem:$0x3F81]  }
0x2e: {  	s3 =	simm.s32 @!p0 $0x1082;
	s9 =	sld [smem:$0x3F82]  }
0x2f: {  	lr =	sadd.s32 s0, s3;
	s0 =	sld [smem:$0x3F79]  }
0x30: {  	s3 =	sld [smem:$0x3F7C]  }
0x31: {  	[smem:$0x3F85] =	sst s10  }
0x32: {  	s10 =	sld [smem:$0x3F83];
	_ =	sdelay $0x3  }
0x33: {  	p0 =	seq.s32 s10, $0x1;
	s10 =	sld [smem:$0x3F85];
	_ =	sdelay $0x3  }
0x34: {  	[smem:$0x3F85] =	sst s10  }
0x35: {  	s10 =	sld [smem:$0x3F84];
	_ =	sdelay $0x3  }
0x36: {  	p1 =	seq.s32 s10, $0x1;
	s10 =	sld [smem:$0x3F85];
	_ =	sdelay $0x3  }
0x37: {  	[smem:$0x3F85] =	sst s10  }
0x38: {  	s10 =	sld [smem:$0x3F86]  }
0x39: {  	_ = 	snop;
	(pc) =	sbr.ind lr, $3  }
0x3a: {  	_ = 	snop  }
0x3b: {  	_ = 	snop  }
0x3c: {  	p2 =	seq.s32 s10, $0x1;
	s10 =	sld [smem:$0x3F85]  }
0x3d: {  	_ =	shalt  }
0x3e: {  	_ =	shalt  }
0x3f: {  	_ =	shalt  }
0x40: {  	_ =	shalt  }
0x41: {  	_ =	shalt  }
0x42: {  	_ =	shalt  }
0x43: {  	_ =	shalt  }
0x44: {  	_ =	shalt  }
0x45: {  	_ =	shalt  }
0x46: {  	_ =	shalt  }
0x47: {  	_ =	shalt  }
0x48: {  	_ =	shalt  }
0x49: {  	_ =	shalt  }
0x4a: {  	_ =	shalt  }
0x4b: {  	_ =	shalt  }
0x4c: {  	_ =	shalt  }
0x4d: {  	_ =	shalt  }
0x4e: {  	_ =	shalt  }
0x4f: {  	_ =	shalt  }
0x50: {  	_ =	shalt  }
0x51: {  	_ =	shalt  }
0x52: {  	_ =	shalt  }
0x53: {  	_ =	shalt  }
0x54: {  	_ =	shalt  }
0x55: {  	_ =	shalt  }
0x56: {  	_ =	shalt  }
0x57: {  	_ =	shalt  }
0x58: {  	_ =	shalt  }
0x59: {  	_ =	shalt  }
0x5a: {  	_ =	shalt  }
0x5b: {  	_ =	shalt  }
0x5c: {  	_ =	shalt  }
0x5d: {  	_ =	shalt  }
0x5e: {  	_ =	shalt  }
0x5f: {  	_ =	shalt  }
0x60: {  	_ =	shalt  }
0x61: {  	_ =	shalt  }
0x62: {  	_ =	shalt  }
0x63: {  	_ =	shalt  }
0x64: {  	_ =	shalt  }
0x65: {  	_ =	shalt  }
0x66: {  	_ =	shalt  }
0x67: {  	_ =	shalt  }
0x68: {  	_ =	shalt  }
0x69: {  	_ =	shalt  }
0x6a: {  	_ =	shalt  }
0x6b: {  	_ =	shalt  }
0x6c: {  	_ =	shalt  }
0x6d: {  	_ =	shalt  }
0x6e: {  	_ =	shalt  }
0x6f: {  	_ =	shalt  }
0x70: {  	_ =	shalt  }
0x71: {  	_ =	shalt  }
0x72: {  	_ =	shalt  }
0x73: {  	_ =	shalt  }
0x74: {  	_ =	shalt  }
0x75: {  	_ =	shalt  }
0x76: {  	_ =	shalt  }
0x77: {  	_ =	shalt  }
0x78: {  	_ =	shalt  }
0x79: {  	_ =	shalt  }
0x7a: {  	_ =	shalt  }
0x7b: {  	_ =	shalt  }
0x7c: {  	_ =	shalt  }
0x7d: {  	_ =	shalt  }
0x7e: {  	_ =	shalt  }
0x7f: {  	_ =	shalt  }
0x80: {  	_ =	shalt  }
0x81: {  	_ =	shalt  }
0x82: {  	_ =	shalt  }
0x83: {  	_ =	shalt  }
0x84: {  	_ =	shalt  }
0x85: {  	_ =	shalt  }
0x86: {  	_ =	shalt  }
0x87: {  	_ =	shalt  }
.Lfunc_end0:
.L_simem_size_0:
called_computation.3_lowered:
.L_overlay_start_0:
0x88: {  	s2 =	sld [smem:$0x3FD9]  }
0x89: {  	s3 =	sld [smem:$0x3FFE];
	_ =	sdelay $0x1  }
0x8a: {  	s1 =	srdreg.scid  }
0x8b: {  	s0 =	sand.u32 $0x1, s1  }
0x8c: {  	s17 =	sshll.u32 s0, $0xA;
	s2 =	sadd.s32 s3, s2  }
0x8d: {  	s2 =	sadd.s32 s2, s17  }
0x8e: {  	[smem:$0x3F91] =	sst s2  }
0x8f: {  	_ = 	snop  }
0x90: {  	(tm) =	ssettm $0x1  }
0x91: {  	s18 =	sld [smem:$0x3FFB];
	_ =	sdelay $0x3  }
0x92: {  	_ =	strace s18  }
0x93: {  	s2 =	sld [smem:$0x3FFC];
	_ =	sdelay $0x3  }
0x94: {  	_ =	strace s2  }
0x95: {  	s2 =	sld [smem:$0x3FFD];
	_ =	sdelay $0x3  }
0x96: {  	_ =	strace s2  }
0x97: {  	_ =	strace $0x8FFFFFFF  }
0x98: {  	s19 =	sld [smem:$0x3FDB];
	_ =	sdelay $0x1  }
0x99: {  	s20 =	simm.s32 $_scs_section_size  }
0x9a: {  	s4 =	simm.s32 $_size__tile_overlayer_lowered;
	s5 =	simm.s32 $_tile_overlayer_lowered  }
0x9b: {  	s6 =	simm.s32 $0x1BFF;
	s21 =	sshll.u32 s5, $0x1;
	s3 =	sadd.s32 s20, s19  }
0x9c: {  	s22 =	simm.s32 $0x0;
	s4 =	sshll.u32 s4, $0x1;
	s5 =	sadd.s32 s21, s3  }
0x9d: {  	[timem:s22], [sflag:s6] =	dma.local [hbm:s5], s4  }
0x9e: {  	_ =	swait.ge [sflag:s6], s4  }
0x9f: {  	s4 =	ssub.s32 $0x0, s4;
	[sflag:s6] =	ssyncset.done $0x0  }
0xa0: {  	[sflag:s6] =	ssyncadd.s32 s4;
	_ =	sdelay $0x1  }
0xa1: {  	s23 =	simm.s32 $0x1B8B  }
0xa2: {  	_ =	swait.ge [sflag:s23], $0x1  }
0xa3: {  	[sflag:s23] =	ssyncset.done $0x0  }
0xa4: {  	[sflag:s23] =	ssyncadd.s32 $0xFFFFFFFF  }
0xa5: {  	s4 =	sld [smem:$0x0]  }
0xa6: {  	s5 =	sand.u32 $0xFFFFFFFE, s1  }
0xa7: {  	p0 =	sne.s32 s1, s5  }
0xa8: {  	s5 =	sshll.u32 @p0 s5, $0xE  }
0xa9: {  	s5 =	sadd.s32 @p0 $0x11B8D, s5;
	s6 =	sshll.u32 @p0 s4, $0x11  }
0xaa: {  	s5 =	sor.u32 @p0 s6, s5  }
0xab: {  	[sflag:s5] =	ssyncadd.remote.s32 @p0 $0x1;
	_ =	sdelay $0x1  }
0xac: {  	s5 =	simm.s32 @p0 $0x1B8D  }
0xad: {  	_ =	swait.eq @p0 [sflag:s5], $0x1  }
0xae: {  	[sflag:s5] =	ssyncadd.s32 @p0 $0xFFFFFFFF  }
0xaf: {  	s6 =	sshll.u32 @!p0 s1, $0xE  }
0xb0: {  	s6 =	sor.u32 @!p0 $0x4000, s6;
	s5 =	simm.s32 @!p0 $0x1B8D  }
0xb1: {  	s4 =	sshll.u32 @!p0 s4, $0x11;
	s6 =	sadd.s32 @!p0 $0x11B8D, s6;
	_ =	swait.eq @!p0 [sflag:s5], $0x1  }
0xb2: {  	s4 =	sor.u32 @!p0 s4, s6;
	[sflag:s5] =	ssyncadd.s32 @!p0 $0xFFFFFFFF  }
0xb3: {  	s25 =	simm.s32 $0x1B8E;
	s24 =	sld [smem:$0x3FFE];
	[sflag:s4] =	ssyncadd.remote.s32 @!p0 $0x1  }
0xb4: {  	s26 =	simm.s32 $execute0_lowered;
	[smem:$0x3FD2] =	sst s25  }
0xb5: {  	s5 =	sshll.u32 s26, $0x1;
	_ =	strace $0x8000004F;
	[dreg:$0x1] =	wrdreg $0xFFFFFFFF  }
0xb6: {  	s28 =	simm.s32 $_size_execute0_lowered;
	s3 =	sadd.s32 s3, s5;
	[dreg:$0x0] =	wrdreg $0x0  }
0xb7: {  	s5 =	sshll.u32 s28, $0x1;
	[dreg:$0x2] =	wrdreg s3  }
0xb8: {  	[dreg:$0x3] =	wrdreg s5  }
0xb9: {  	[dreg:$0x4] =	wrdreg $0xC0  }
0xba: {  	_ =	task [dreg:s22], $0x5FFFF  }
0xbb: {  	[dreg:$0x1] =	wrdreg $0xFFFFFFFF  }
0xbc: {  	[dreg:$0x0] =	wrdreg $0x60  }
0xbd: {  	[dreg:$0x2] =	wrdreg s24  }
0xbe: {  	[dreg:$0x3] =	wrdreg $0xA  }
0xbf: {  	_ =	task.clear_ibuf [dreg:s22], $0x4FFFF;
	_ =	strace $0x9000004F  }
0xc0: {  	s29 =	simm.s32 $0xA;
	_ =	strace $0x80000051  }
0xc1: {  	_ =	swait.ge [sflag:s29], $0x1  }
0xc2: {  	[sflag:s29] =	ssyncadd.s32 $0xFFFFFFFF  }
0xc3: {  	_ =	strace $0x90000051  }
0xc4: {  	_ =	sfence  }
0xc5: {  	s30 =	sld [smem:$0x0];
	_ =	sdelay $0x2  }
0xc6: {  	s31 =	sshll.u32 s1, $0xD;
	s1 =	sshrl.u32 s1, $0x2  }
0xc7: {  	s4 =	sand.u32 $0x4000, s31;
	s1 =	sadd.s32 s1, s30  }
0xc8: {  	s0 =	sor.u32 s4, s0;
	s1 =	sshll.u32 s1, $0x11  }
0xc9: {  	s0 =	sor.u32 s1, s0  }
0xca: {  	s0 =	sadd.s32 $0x8F2B, s0  }
0xcb: {  	[sflag:s0] =	ssyncadd.remote.s32 $0x1  }
0xcc: {  	_ =	sfence.sel $0xFFFF  }
0xcd: {  	[dreg:$0x0] =	wrdreg $0xFFFFFFFF;
	(pc) =	sbr.abs _section_cstart, $3  }
0xce: {  	[dreg:$0x1] =	wrdreg $0xFFFFFFFF  }
0xcf: {  	_ =	task.clear_ibuf [dreg:s22], $0x2FFFF;
	_ =	strace $0x9FFFFFFF  }
0xd0: {  	(tm) =	ssettm $0x7FFFFFFF  }
0xd1: {  	_ =	shalt  }
tec
execute0_lowered:
.L_overlay_start_1:
0x0: {  	(tag) =	ssettag $0x1  }
0x1: {  	s2 =	rddreg [dreg:$0x0]  }
0x2: {  	s0 =	rddreg [dreg:$0x1];
	s4 =	srdreg.scid  }
0x3: {  	s3 =	simm.s32 $0x0;
	s1 =	stileid.u32;
	s10 =	simm.s32 $0x0  }
0x4: {  	s4 =	sand.u32 $0x1, s4;
	[smem:$0x7FF] =	sst s3;
	s5 =	sshll.u32 s1, $0xF  }
0x5: {  	s7 =	sshll.u32 s1, $0x13;
	s6 =	sshll.u32 s4, $0xE;
	_ =	strace $0x80000050  }
0x6: {  	s29 =	ssub.s32 $0x2, s4;
	s7 =	sadd.s32 s7, s2;
	s30 =	sshll.u32 s4, $0x12  }
0x7: {  	s5 =	sor.u32 s6, s5;
	s8 =	sshrl.u32 s29, $0x1;
	s31 =	sadd.s32 s30, s7  }
0x8: {  	s7 =	simm.s32 $0x2;
	s5 =	sshrl.u32 s5, $0x3;
	s6 =	ssub.s32 s29, s8  }
0x9: {  	s8 =	simm.s32 $0x80;
	s9 =	sadd.s32 s5, s2;
	s4 =	smax.u32 s6, $0x1  }
0xa: {  	s5 =	sadd.s32 $0x361800, s31;
	s6 =	sadd.s32 $0x49000, s9;
	s9 =	simm.s32 $0x1  }
.LBB2_1:
0xb: {  	s11 =	sadd.s32 $0x0, s6  }
0xc: {  	[tilespmem:s3], [sflag:$0x2] =	stream.linear.gather [hbm4b:s11+s3], $0x80, $0x38;
	[tilespmem:$0x4080] =	vst v63  }
0xd: {  	_ =	swait.ge [sflag:s7], $0x80  }
0xe: {  	[sflag:s7] =	ssyncset.done $0x0  }
0xf: {  	[sflag:s7] =	ssyncadd.s32 $0xFFFFFF80  }
0x10: {  	[tilespmem:s8], [sflag:$0x1] =	stream.indirect.gather [hbm4b:s2+s8], $0x80, s3, s8, $0xb8;
	[tilespmem:$0x4080] =	vst v63  }
0x11: {  	_ =	swait.ge [sflag:s9], $0x4000  }
0x12: {  	[sflag:s9] =	ssyncset.done $0x0  }
0x13: {  	[sflag:s9] =	ssyncadd.s32 $0xFFFFC000  }
0x14: {  	[hbm4b:s5+s3] =	stream.linear.scatter [tilespmem:s8], [sflag:$0x2], $0x4000, $0x38;
	[tilespmem:$0x4080] =	vst v63  }
0x15: {  	s12 =	simm.s32 $0x10;
	_ =	swait.ge [sflag:s7], $0x4000  }
0x16: {  	s13 =	simm.s32 $0x20;
	s11 =	sadd.s32 $0x800, s5;
	[sflag:s7] =	ssyncset.done $0x0  }
.LBB2_2:
0x17: {  	s14 =	sadd.s32 s12, s6  }
0x18: {  	[sflag:s7] =	ssyncadd.s32 $0xFFFFC000;
	s12 =	smov.u32 s13;
	s15 =	sadd.s32 $0x10, s13  }
0x19: {  	[tilespmem:s3], [sflag:$0x2] =	stream.linear.gather [hbm4b:s14+s3], $0x80, $0x38;
	[tilespmem:$0x4080] =	vst v63  }
0x1a: {  	p0 =	sne.s32 s13, $0x7F0;
	_ =	swait.ge [sflag:s7], $0x80  }
0x1b: {  	[sflag:s7] =	ssyncset.done $0x0  }
0x1c: {  	[sflag:s7] =	ssyncadd.s32 $0xFFFFFF80  }
0x1d: {  	[tilespmem:s8], [sflag:$0x1] =	stream.indirect.gather [hbm4b:s2+s8], $0x80, s3, s8, $0xb8;
	[tilespmem:$0x4080] =	vst v63  }
0x1e: {  	_ =	swait.ge [sflag:s9], $0x4000  }
.Ltmp0:
0x1f: {  	[sflag:s9] =	ssyncset.done $0x0;
	(pc) =	sbr.rel @p0 .LBB2_2-.Ltmp0, $4  }
0x20: {  	[sflag:s9] =	ssyncadd.s32 $0xFFFFC000  }
0x21: {  	[hbm4b:s11+s3] =	stream.linear.scatter [tilespmem:s8], [sflag:$0x2], $0x4000, $0x38;
	[tilespmem:$0x4080] =	vst v63  }
0x22: {  	_ =	swait.ge [sflag:s7], $0x4000  }
0x23: {  	s13 =	smov.u32 s15;
	s11 =	sadd.s32 $0x800, s11;
	[sflag:s7] =	ssyncset.done $0x0  }
0x24: {  	s12 =	sadd.s32 s12, s6;
	[sflag:s7] =	ssyncadd.s32 $0xFFFFC000  }
0x25: {  	[tilespmem:s3], [sflag:$0x2] =	stream.linear.gather [hbm4b:s12+s3], $0x80, $0x38;
	[tilespmem:$0x4080] =	vst v63  }
0x26: {  	_ =	swait.ge [sflag:s7], $0x80  }
0x27: {  	[sflag:s7] =	ssyncset.done $0x0  }
0x28: {  	[sflag:s7] =	ssyncadd.s32 $0xFFFFFF80  }
0x29: {  	[tilespmem:s8], [sflag:$0x1] =	stream.indirect.gather [hbm4b:s2+s8], $0x80, s3, s8, $0xb8;
	[tilespmem:$0x4080] =	vst v63  }
0x2a: {  	s10 =	sadd.s32 $0x1, s10;
	_ =	swait.ge [sflag:s9], $0x4000  }
0x2b: {  	p0 =	sne.s32 s10, s4;
	[sflag:s9] =	ssyncset.done $0x0  }
.Ltmp1:
0x2c: {  	[sflag:s9] =	ssyncadd.s32 $0xFFFFC000;
	(pc) =	sbr.rel @p0 .LBB2_1-.Ltmp1, $4  }
0x2d: {  	[hbm4b:s11+s3] =	stream.linear.scatter [tilespmem:s8], [sflag:$0x2], $0x4000, $0x38;
	[tilespmem:$0x4080] =	vst v63  }
0x2e: {  	_ =	swait.ge [sflag:s7], $0x4000  }
0x2f: {  	[sflag:s7] =	ssyncset.done $0x0  }
0x30: {  	[sflag:s7] =	ssyncadd.s32 $0xFFFFC000  }
0x31: {  	_ =	sfence.sel $0x180000  }
0x32: {  	[bflag:$0x0] =	sbarrier.arrive $0xFFFF  }
0x33: {  	p0 =	sne.s32 s1, $0x0;
	_ =	strace $0x90000050  }
0x34: {  	s0 =	sadd.s32 @!p0 $0x100000, s0;
	[bflag:$0x2] =	sbarrier.arrive $0xFFFF  }
0x35: {  	[sflag:s0] =	ssyncadd.tile.s32 @!p0 $0x1;
	_ =	shalt  }
.Lfunc_end2:
_tile_overlayer_lowered:
.L_overlay_start_2:
0x36: {  	(tag) =	ssettag $0x2  }
0x37: {  	s0 =	rddreg [dreg:$0x0];
	s2 =	stileid.u32  }
0x38: {  	s1 =	rddreg [dreg:$0x1];
	p0 =	sne.s32 s2, $0x0  }
0x39: {  	s3 =	rddreg [dreg:$0x2];
	[bflag:$0x3] =	sbarrier.arrive $0xFFFF;
	s2 =	simm.s32 @!p0 $0x1C02  }
0x3a: {  	[timem:s3], [sflag:s2] =	dma.local @!p0 [hbm:s0], s1  }
0x3b: {  	s0 =	simm.s32 @!p0 $0x2  }
0x3c: {  	_ =	swait.ge @!p0 [sflag:s0], s1  }
0x3d: {  	s1 =	ssub.s32 @!p0 $0x0, s1;
	[sflag:s0] =	ssyncset.done @!p0 $0x0  }
0x3e: {  	[sflag:s0] =	ssyncadd.s32 @!p0 s1  }
0x3f: {  	[bflag:$0x3] =	sbarrier.arrive $0xFFFF  }
0x40: {  	_ =	shalt  }

// kernel: kernel.18.cloned.1.call-start
scs
__scs_entry_jumppad:
0x0: {  	(pc) =	sbr.rel $0x88, $3  }
0x1: {  	(tag) =	ssettag $0x0;
	lr =	simm.s32 $0x1  }
0x2: {  	[smem:$0x3F6A] =	sst lr;
	_ =	strace $0xD0000000  }
0x3: {  	_ = 	snop  }
0x4: {  	_ = 	snop  }
0x5: {  	_ = 	snop  }
0x6: {  	_ = 	snop  }
0x7: {  	_ = 	snop  }
__scs_overlays_trampoline_lowered:
0x8: {  	[smem:$0x3F79] =	sst s0  }
0x9: {  	[smem:$0x3F7A] =	sst s1  }
0xa: {  	[smem:$0x3F7B] =	sst s2  }
0xb: {  	[smem:$0x3F7C] =	sst s3  }
0xc: {  	[smem:$0x3F7D] =	sst s4  }
0xd: {  	[smem:$0x3F7E] =	sst s5  }
0xe: {  	[smem:$0x3F7F] =	sst s6  }
0xf: {  	[smem:$0x3F80] =	sst s7  }
0x10: {  	[smem:$0x3F81] =	sst s8  }
0x11: {  	[smem:$0x3F82] =	sst s9;
	s0 =	simm.s32 @!p0 $0x0  }
0x12: {  	s1 =	sld [smem:$0x3F68];
	s0 =	simm.s32 @p0 $0x1  }
0x13: {  	[smem:$0x3F83] =	sst s0;
	s0 =	simm.s32 @!p1 $0x0  }
0x14: {  	s2 =	sld [smem:$0x3F67];
	s0 =	simm.s32 @p1 $0x1  }
0x15: {  	[smem:$0x3F84] =	sst s0;
	s0 =	simm.s32 @!p2 $0x0  }
0x16: {  	s3 =	sld [smem:$0x3FDB];
	s0 =	simm.s32 @p2 $0x1  }
0x17: {  	s4 =	simm.s32 $0x1BF5;
	[smem:$0x3F86] =	sst s0  }
0x18: {  	s0 =	sld [smem:$0x3F69];
	_ =	swait.ge [sflag:s4], $0x0  }
0x19: {  	s7 =	sld [smem:$0x3F6A]  }
0x1a: {  	s8 =	sadd.s32 $0xFFFFE003, lr  }
0x1b: {  	s9 =	sadd.s32 $0xFFFFFEF7, lr;
	s5 =	simm.s32 $0xFFFFFFFF;
	p2 =	slt.u32 s8, $0xFFFFF086  }
0x1c: {  	p1 =	slt.u32 s9, $0xF7A;
	s5 =	simm.s32 @!p2 $0x0  }
0x1d: {  	s5 =	simm.s32 @p1 $0x1;
	p0 =	seq.s32 s7, s2  }
0x1e: {  	s7 =	smul.u32 @!p0 $0xF7A, s2;
	p2 =	seq.s32 @!p0 s5, $0x0  }
0x1f: {  	s9 =	smul.u32 $0xF7A, s1;
	s8 =	simm.s32 @!p0 $0x1BF5;
	p2 =	por !p2, p0  }
0x20: {  	[sflag:s8] =	ssyncset.s32 @!p0 $0xFFFFF086;
	s6 =	sadd.s32 @!p0 s3, s7;
	s7 =	simm.s32 @!p0 $0x108  }
0x21: {  	s3 =	sadd.s32 s3, s9;
	s6 =	sadd.s32 @!p0 $0x88, s6;
	s7 =	simm.s32 @p2 $0x1082  }
0x22: {  	[simem:s7], [sflag:s8] =	dma.local @!p0 [hbm:s6], $0xF7A  }
0x23: {  	s9 =	sor.u32 $0xD0000000, s2;
	s6 =	simm.s32 $0x108;
	_ =	swait.ge @!p0 [sflag:s8], $0x0  }
0x24: {  	s3 =	sadd.s32 $0x88, s3;
	s6 =	simm.s32 @!p1 $0x1082;
	[sflag:s4] =	ssyncset.s32 $0xFFFFF086  }
0x25: {  	[simem:s6], [sflag:s4] =	dma.local [hbm:s3], $0xF7A  }
0x26: {  	[smem:$0x3F6A] =	sst s1;
	(tag) =	ssettag s2;
	_ =	strace s9  }
0x27: {  	s1 =	sld [smem:$0x3F7A]  }
0x28: {  	s2 =	sld [smem:$0x3F7B]  }
0x29: {  	s4 =	sld [smem:$0x3F7D]  }
0x2a: {  	p0 =	seq.s32 s5, $0x0;
	s5 =	sld [smem:$0x3F7E]  }
0x2b: {  	s6 =	sld [smem:$0x3F7F]  }
0x2c: {  	s7 =	sld [smem:$0x3F80]  }
0x2d: {  	s3 =	simm.s32 $0x108;
	s8 =	sld [smem:$0x3F81]  }
0x2e: {  	s3 =	simm.s32 @!p0 $0x1082;
	s9 =	sld [smem:$0x3F82]  }
0x2f: {  	lr =	sadd.s32 s0, s3;
	s0 =	sld [smem:$0x3F79]  }
0x30: {  	s3 =	sld [smem:$0x3F7C]  }
0x31: {  	[smem:$0x3F85] =	sst s10  }
0x32: {  	s10 =	sld [smem:$0x3F83];
	_ =	sdelay $0x3  }
0x33: {  	p0 =	seq.s32 s10, $0x1;
	s10 =	sld [smem:$0x3F85];
	_ =	sdelay $0x3  }
0x34: {  	[smem:$0x3F85] =	sst s10  }
0x35: {  	s10 =	sld [smem:$0x3F84];
	_ =	sdelay $0x3  }
0x36: {  	p1 =	seq.s32 s10, $0x1;
	s10 =	sld [smem:$0x3F85];
	_ =	sdelay $0x3  }
0x37: {  	[smem:$0x3F85] =	sst s10  }
0x38: {  	s10 =	sld [smem:$0x3F86]  }
0x39: {  	_ = 	snop;
	(pc) =	sbr.ind lr, $3  }
0x3a: {  	_ = 	snop  }
0x3b: {  	_ = 	snop  }
0x3c: {  	p2 =	seq.s32 s10, $0x1;
	s10 =	sld [smem:$0x3F85]  }
0x3d: {  	_ =	shalt  }
0x3e: {  	_ =	shalt  }
0x3f: {  	_ =	shalt  }
0x40: {  	_ =	shalt  }
0x41: {  	_ =	shalt  }
0x42: {  	_ =	shalt  }
0x43: {  	_ =	shalt  }
0x44: {  	_ =	shalt  }
0x45: {  	_ =	shalt  }
0x46: {  	_ =	shalt  }
0x47: {  	_ =	shalt  }
0x48: {  	_ =	shalt  }
0x49: {  	_ =	shalt  }
0x4a: {  	_ =	shalt  }
0x4b: {  	_ =	shalt  }
0x4c: {  	_ =	shalt  }
0x4d: {  	_ =	shalt  }
0x4e: {  	_ =	shalt  }
0x4f: {  	_ =	shalt  }
0x50: {  	_ =	shalt  }
0x51: {  	_ =	shalt  }
0x52: {  	_ =	shalt  }
0x53: {  	_ =	shalt  }
0x54: {  	_ =	shalt  }
0x55: {  	_ =	shalt  }
0x56: {  	_ =	shalt  }
0x57: {  	_ =	shalt  }
0x58: {  	_ =	shalt  }
0x59: {  	_ =	shalt  }
0x5a: {  	_ =	shalt  }
0x5b: {  	_ =	shalt  }
0x5c: {  	_ =	shalt  }
0x5d: {  	_ =	shalt  }
0x5e: {  	_ =	shalt  }
0x5f: {  	_ =	shalt  }
0x60: {  	_ =	shalt  }
0x61: {  	_ =	shalt  }
0x62: {  	_ =	shalt  }
0x63: {  	_ =	shalt  }
0x64: {  	_ =	shalt  }
0x65: {  	_ =	shalt  }
0x66: {  	_ =	shalt  }
0x67: {  	_ =	shalt  }
0x68: {  	_ =	shalt  }
0x69: {  	_ =	shalt  }
0x6a: {  	_ =	shalt  }
0x6b: {  	_ =	shalt  }
0x6c: {  	_ =	shalt  }
0x6d: {  	_ =	shalt  }
0x6e: {  	_ =	shalt  }
0x6f: {  	_ =	shalt  }
0x70: {  	_ =	shalt  }
0x71: {  	_ =	shalt  }
0x72: {  	_ =	shalt  }
0x73: {  	_ =	shalt  }
0x74: {  	_ =	shalt  }
0x75: {  	_ =	shalt  }
0x76: {  	_ =	shalt  }
0x77: {  	_ =	shalt  }
0x78: {  	_ =	shalt  }
0x79: {  	_ =	shalt  }
0x7a: {  	_ =	shalt  }
0x7b: {  	_ =	shalt  }
0x7c: {  	_ =	shalt  }
0x7d: {  	_ =	shalt  }
0x7e: {  	_ =	shalt  }
0x7f: {  	_ =	shalt  }
0x80: {  	_ =	shalt  }
0x81: {  	_ =	shalt  }
0x82: {  	_ =	shalt  }
0x83: {  	_ =	shalt  }
0x84: {  	_ =	shalt  }
0x85: {  	_ =	shalt  }
0x86: {  	_ =	shalt  }
0x87: {  	_ =	shalt  }
.Lfunc_end0:
.L_simem_size_0:
called_computation.4_lowered:
.L_overlay_start_0:
0x88: {  	s2 =	sld [smem:$0x3FD9]  }
0x89: {  	s3 =	sld [smem:$0x3FFE];
	_ =	sdelay $0x1  }
0x8a: {  	s1 =	srdreg.scid  }
0x8b: {  	s0 =	sand.u32 $0x1, s1  }
0x8c: {  	s16 =	sshll.u32 s0, $0xA;
	s2 =	sadd.s32 s3, s2  }
0x8d: {  	s2 =	sadd.s32 s2, s16  }
0x8e: {  	[smem:$0x3F91] =	sst s2  }
0x8f: {  	_ = 	snop  }
0x90: {  	(tm) =	ssettm $0x1  }
0x91: {  	s17 =	sld [smem:$0x3FFB];
	_ =	sdelay $0x3  }
0x92: {  	_ =	strace s17  }
0x93: {  	s2 =	sld [smem:$0x3FFC];
	_ =	sdelay $0x3  }
0x94: {  	_ =	strace s2  }
0x95: {  	s2 =	sld [smem:$0x3FFD];
	_ =	sdelay $0x3  }
0x96: {  	_ =	strace s2  }
0x97: {  	_ =	strace $0x8FFFFFFF  }
0x98: {  	s18 =	sld [smem:$0x3FDB];
	_ =	sdelay $0x1  }
0x99: {  	s19 =	simm.s32 $_scs_section_size  }
0x9a: {  	s4 =	simm.s32 $_size__tile_overlayer_lowered;
	s5 =	simm.s32 $_tile_overlayer_lowered  }
0x9b: {  	s22 =	simm.s32 $0x1BFF;
	s21 =	sshll.u32 s5, $0x1;
	s2 =	sadd.s32 s19, s18  }
0x9c: {  	s6 =	simm.s32 $0x0;
	s20 =	sshll.u32 s4, $0x1;
	s4 =	sadd.s32 s21, s2  }
0x9d: {  	[timem:s6], [sflag:s22] =	dma.local [hbm:s4], s20  }
0x9e: {  	_ =	swait.ge [sflag:s22], s20  }
0x9f: {  	s3 =	ssub.s32 $0x0, s20;
	[sflag:s22] =	ssyncset.done $0x0  }
0xa0: {  	[sflag:s22] =	ssyncadd.s32 s3;
	_ =	sdelay $0x1  }
0xa1: {  	s23 =	simm.s32 $0x1B8B  }
0xa2: {  	_ =	swait.ge [sflag:s23], $0x1  }
0xa3: {  	[sflag:s23] =	ssyncset.done $0x0  }
0xa4: {  	s25 =	simm.s32 $0x1B8E;
	s24 =	sld [smem:$0x3FFE];
	[sflag:s23] =	ssyncadd.s32 $0xFFFFFFFF  }
0xa5: {  	s26 =	simm.s32 $execute0_lowered;
	[smem:$0x3FD2] =	sst s25  }
0xa6: {  	s4 =	sshll.u32 s26, $0x1;
	_ =	strace $0x80000052;
	[dreg:$0x1] =	wrdreg $0xFFFFFFFF  }
0xa7: {  	s28 =	simm.s32 $_size_execute0_lowered;
	s2 =	sadd.s32 s2, s4;
	[dreg:$0x0] =	wrdreg $0x0  }
0xa8: {  	s4 =	sshll.u32 s28, $0x1;
	[dreg:$0x2] =	wrdreg s2  }
0xa9: {  	[dreg:$0x3] =	wrdreg s4  }
0xaa: {  	[dreg:$0x4] =	wrdreg $0xC0  }
0xab: {  	_ =	task [dreg:s6], $0x5FFFF  }
0xac: {  	[dreg:$0x1] =	wrdreg $0xFFFFFFFF  }
0xad: {  	[dreg:$0x0] =	wrdreg $0x60  }
0xae: {  	[dreg:$0x2] =	wrdreg s24  }
0xaf: {  	[dreg:$0x3] =	wrdreg $0x9  }
0xb0: {  	_ =	task.clear_ibuf [dreg:s6], $0x4FFFF;
	_ =	strace $0x90000052  }
0xb1: {  	s29 =	simm.s32 $0x9;
	_ =	strace $0x80000054  }
0xb2: {  	_ =	swait.ge [sflag:s29], $0x1  }
0xb3: {  	[sflag:s29] =	ssyncadd.s32 $0xFFFFFFFF  }
0xb4: {  	_ =	strace $0x90000054  }
0xb5: {  	_ =	sfence  }
0xb6: {  	s30 =	sld [smem:$0x0];
	_ =	sdelay $0x2  }
0xb7: {  	s31 =	sshll.u32 s1, $0xD;
	s1 =	sshrl.u32 s1, $0x2  }
0xb8: {  	s3 =	sand.u32 $0x4000, s31;
	s1 =	sadd.s32 s1, s30  }
0xb9: {  	s0 =	sor.u32 s3, s0;
	s1 =	sshll.u32 s1, $0x11  }
0xba: {  	s0 =	sor.u32 s1, s0  }
0xbb: {  	s0 =	sadd.s32 $0x8F2B, s0  }
0xbc: {  	[sflag:s0] =	ssyncadd.remote.s32 $0x1  }
0xbd: {  	_ =	sfence.sel $0xFFFF  }
0xbe: {  	[dreg:$0x0] =	wrdreg $0xFFFFFFFF;
	(pc) =	sbr.abs _section_cstart, $3  }
0xbf: {  	[dreg:$0x1] =	wrdreg $0xFFFFFFFF  }
0xc0: {  	_ =	task.clear_ibuf [dreg:s6], $0x2FFFF;
	_ =	strace $0x9FFFFFFF  }
0xc1: {  	(tm) =	ssettm $0x7FFFFFFF  }
tec
execute0_lowered:
.L_overlay_start_1:
0x0: {  	(tag) =	ssettag $0x1  }
0x1: {  	s2 =	rddreg [dreg:$0x0]  }
0x2: {  	s0 =	rddreg [dreg:$0x1];
	s4 =	srdreg.scid  }
0x3: {  	s3 =	simm.s32 $0x0;
	s1 =	stileid.u32;
	s10 =	simm.s32 $0x1080  }
0x4: {  	s11 =	simm.s32 $0x1880;
	s12 =	simm.s32 $0x2080;
	s13 =	simm.s32 $0x2880  }
0x5: {  	s14 =	simm.s32 $0x3080;
	s15 =	simm.s32 $0x3880;
	s16 =	simm.s32 $0x4080  }
0x6: {  	s17 =	simm.s32 $0x4880;
	s18 =	simm.s32 $0x5080;
	s19 =	simm.s32 $0x5880  }
0x7: {  	s20 =	simm.s32 $0x6080;
	s21 =	simm.s32 $0x6880;
	s22 =	simm.s32 $0x7080  }
0x8: {  	s23 =	simm.s32 $0x7880;
	s24 =	simm.s32 $0x1;
	s25 =	simm.s32 $0x0  }
0x9: {  	s4 =	sand.u32 $0x1, s4;
	[smem:$0x7FF] =	sst s3;
	s5 =	sshll.u32 s1, $0xB  }
0xa: {  	s7 =	sshll.u32 s1, $0x10;
	s6 =	sshll.u32 s4, $0xA;
	_ =	strace $0x80000053  }
0xb: {  	s29 =	ssub.s32 $0x2, s4;
	s7 =	sadd.s32 s7, s2;
	s30 =	sshll.u32 s4, $0xF  }
0xc: {  	s5 =	sor.u32 s6, s5;
	s8 =	sshrl.u32 s29, $0x1;
	s31 =	sadd.s32 s30, s7  }
0xd: {  	v2 =	vlaneseq.u32;
	s7 =	simm.s32 $0x2;
	s5 =	sshrl.u32 s5, $0x3;
	s6 =	ssub.s32 s29, s8  }
0xe: {  	vm0 =	vmmov $0xffff;
	v1 =	vshrl.u32 v2, $0x3;
	s8 =	simm.s32 $0x80;
	s9 =	sadd.s32 s5, s2;
	s4 =	smax.u32 s6, $0x1  }
0xf: {  	v0 =	vand.u32 $0x7, v2;
	v2 =	vor.u32 $0x8, v2;
	v1 =	vmul.u32 $0x8, v1;
	s5 =	sadd.s32 $0x5B800, s31;
	s6 =	sadd.s32 $0x5A800, s9;
	s9 =	simm.s32 $0x880  }
.LBB2_1:
0x10: {  	s26 =	smov.u32 s5;
	s28 =	simm.s32 $0x0  }
.LBB2_2:
0x11: {  	s29 =	sadd.s32 s28, s6  }
0x12: {  	[tilespmem:s3], [sflag:$0x2] =	stream.linear.gather [hbm4b:s29+s3], $0x80, $0x38;
	[tilespmem:$0x8080] =	vst v63  }
0x13: {  	_ =	swait.ge [sflag:s7], $0x80  }
0x14: {  	[sflag:s7] =	ssyncset.done $0x0  }
0x15: {  	[sflag:s7] =	ssyncadd.s32 $0xFFFFFF80  }
0x16: {  	v3 =	vld [tilespmem:$0x0];
	_ =	sdelay $0x4  }
0x17: {  	v4 =	vshll.u32 v3, $0x1  }
0x18: {  	v3 =	vand.u32 $0x7, v3;
	v4 =	vand.u32 $0xFFFFFFF0, v4  }
0x19: {  	v3 =	vor.u32 v3, v4  }
0x1a: {  	v4 =	vperm.xlane v3, v0;
	_ =	sdelay $0x1  }
0x1b: {  	v3 =	vperm.xlane v3, v2;
	v4 =	vadd.s32 v1, v4;
	_ =	sdelay $0x1  }
0x1c: {  	v3 =	vadd.s32 v1, v3;
	_ =	sdelay $0x2  }
0x1d: {  	[tilespmem:s8], [sflag:$0x1] =	stream.indirect_vreg.gather [hbm4b:s2+s3], $0x80, v4, vm0, $0xb8;
	[tilespmem:$0x8080] =	vst v63  }
0x1e: {  	_ = 	snop  }
0x1f: {  	[tilespmem:s9], [sflag:$0x1] =	stream.indirect_vreg.gather [hbm4b:s2+s3], $0x80, v3, vm0, $0xb8;
	[tilespmem:$0x8080] =	vst v63  }
0x20: {  	v3 =	vld [tilespmem:$0x10];
	_ =	sdelay $0x4  }
0x21: {  	v57 =	vshll.u32 v3, $0x1  }
0x22: {  	v3 =	vand.u32 $0x7, v3;
	v4 =	vand.u32 $0xFFFFFFF0, v57  }
0x23: {  	v3 =	vor.u32 v3, v4  }
0x24: {  	v4 =	vperm.xlane v3, v0;
	_ =	sdelay $0x1  }
0x25: {  	v3 =	vperm.xlane v3, v2;
	v4 =	vadd.s32 v1, v4;
	_ =	sdelay $0x1  }
0x26: {  	v3 =	vadd.s32 v1, v3;
	_ =	sdelay $0x2  }
0x27: {  	[tilespmem:s10], [sflag:$0x1] =	stream.indirect_vreg.gather [hbm4b:s2+s3], $0x80, v4, vm0, $0xb8;
	[tilespmem:$0x8080] =	vst v63  }
0x28: {  	_ = 	snop  }
0x29: {  	[tilespmem:s11], [sflag:$0x1] =	stream.indirect_vreg.gather [hbm4b:s2+s3], $0x80, v3, vm0, $0xb8;
	[tilespmem:$0x8080] =	vst v63  }
0x2a: {  	v3 =	vld [tilespmem:$0x20];
	_ =	sdelay $0x4  }
0x2b: {  	v58 =	vshll.u32 v3, $0x1  }
0x2c: {  	v3 =	vand.u32 $0x7, v3;
	v4 =	vand.u32 $0xFFFFFFF0, v58  }
0x2d: {  	v3 =	vor.u32 v3, v4  }
0x2e: {  	v4 =	vperm.xlane v3, v0;
	_ =	sdelay $0x1  }
0x2f: {  	v3 =	vperm.xlane v3, v2;
	v4 =	vadd.s32 v1, v4;
	_ =	sdelay $0x1  }
0x30: {  	v3 =	vadd.s32 v1, v3;
	_ =	sdelay $0x2  }
0x31: {  	[tilespmem:s12], [sflag:$0x1] =	stream.indirect_vreg.gather [hbm4b:s2+s3], $0x80, v4, vm0, $0xb8;
	[tilespmem:$0x8080] =	vst v63  }
0x32: {  	_ = 	snop  }
0x33: {  	[tilespmem:s13], [sflag:$0x1] =	stream.indirect_vreg.gather [hbm4b:s2+s3], $0x80, v3, vm0, $0xb8;
	[tilespmem:$0x8080] =	vst v63  }
0x34: {  	v3 =	vld [tilespmem:$0x30];
	_ =	sdelay $0x4  }
0x35: {  	v59 =	vshll.u32 v3, $0x1  }
0x36: {  	v3 =	vand.u32 $0x7, v3;
	v4 =	vand.u32 $0xFFFFFFF0, v59  }
0x37: {  	v3 =	vor.u32 v3, v4  }
0x38: {  	v4 =	vperm.xlane v3, v0;
	_ =	sdelay $0x1  }
0x39: {  	v3 =	vperm.xlane v3, v2;
	v4 =	vadd.s32 v1, v4;
	_ =	sdelay $0x1  }
0x3a: {  	v3 =	vadd.s32 v1, v3;
	_ =	sdelay $0x2  }
0x3b: {  	[tilespmem:s14], [sflag:$0x1] =	stream.indirect_vreg.gather [hbm4b:s2+s3], $0x80, v4, vm0, $0xb8;
	[tilespmem:$0x8080] =	vst v63  }
0x3c: {  	_ = 	snop  }
0x3d: {  	[tilespmem:s15], [sflag:$0x1] =	stream.indirect_vreg.gather [hbm4b:s2+s3], $0x80, v3, vm0, $0xb8;
	[tilespmem:$0x8080] =	vst v63  }
0x3e: {  	v3 =	vld [tilespmem:$0x40];
	_ =	sdelay $0x4  }
0x3f: {  	v60 =	vshll.u32 v3, $0x1  }
0x40: {  	v3 =	vand.u32 $0x7, v3;
	v4 =	vand.u32 $0xFFFFFFF0, v60  }
0x41: {  	v3 =	vor.u32 v3, v4  }
0x42: {  	v4 =	vperm.xlane v3, v0;
	_ =	sdelay $0x1  }
0x43: {  	v3 =	vperm.xlane v3, v2;
	v4 =	vadd.s32 v1, v4;
	_ =	sdelay $0x1  }
0x44: {  	v3 =	vadd.s32 v1, v3;
	_ =	sdelay $0x2  }
0x45: {  	[tilespmem:s16], [sflag:$0x1] =	stream.indirect_vreg.gather [hbm4b:s2+s3], $0x80, v4, vm0, $0xb8;
	[tilespmem:$0x8080] =	vst v63  }
0x46: {  	_ = 	snop  }
0x47: {  	[tilespmem:s17], [sflag:$0x1] =	stream.indirect_vreg.gather [hbm4b:s2+s3], $0x80, v3, vm0, $0xb8;
	[tilespmem:$0x8080] =	vst v63  }
0x48: {  	v3 =	vld [tilespmem:$0x50];
	_ =	sdelay $0x4  }
0x49: {  	v61 =	vshll.u32 v3, $0x1  }
0x4a: {  	v3 =	vand.u32 $0x7, v3;
	v4 =	vand.u32 $0xFFFFFFF0, v61  }
0x4b: {  	v3 =	vor.u32 v3, v4  }
0x4c: {  	v4 =	vperm.xlane v3, v0;
	_ =	sdelay $0x1  }
0x4d: {  	v3 =	vperm.xlane v3, v2;
	v4 =	vadd.s32 v1, v4;
	_ =	sdelay $0x1  }
0x4e: {  	v3 =	vadd.s32 v1, v3;
	_ =	sdelay $0x2  }
0x4f: {  	[tilespmem:s18], [sflag:$0x1] =	stream.indirect_vreg.gather [hbm4b:s2+s3], $0x80, v4, vm0, $0xb8;
	[tilespmem:$0x8080] =	vst v63  }
0x50: {  	_ = 	snop  }
0x51: {  	[tilespmem:s19], [sflag:$0x1] =	stream.indirect_vreg.gather [hbm4b:s2+s3], $0x80, v3, vm0, $0xb8;
	[tilespmem:$0x8080] =	vst v63  }
0x52: {  	v3 =	vld [tilespmem:$0x60];
	_ =	sdelay $0x4  }
0x53: {  	v62 =	vshll.u32 v3, $0x1  }
0x54: {  	v3 =	vand.u32 $0x7, v3;
	v4 =	vand.u32 $0xFFFFFFF0, v62  }
0x55: {  	v3 =	vor.u32 v3, v4  }
0x56: {  	v4 =	vperm.xlane v3, v0;
	_ =	sdelay $0x1  }
0x57: {  	v3 =	vperm.xlane v3, v2;
	v4 =	vadd.s32 v1, v4;
	_ =	sdelay $0x1  }
0x58: {  	v3 =	vadd.s32 v1, v3;
	_ =	sdelay $0x2  }
0x59: {  	[tilespmem:s20], [sflag:$0x1] =	stream.indirect_vreg.gather [hbm4b:s2+s3], $0x80, v4, vm0, $0xb8;
	[tilespmem:$0x8080] =	vst v63  }
0x5a: {  	_ = 	snop  }
0x5b: {  	[tilespmem:s21], [sflag:$0x1] =	stream.indirect_vreg.gather [hbm4b:s2+s3], $0x80, v3, vm0, $0xb8;
	[tilespmem:$0x8080] =	vst v63  }
0x5c: {  	v3 =	vld [tilespmem:$0x70];
	_ =	sdelay $0x4  }
0x5d: {  	v63 =	vshll.u32 v3, $0x1  }
0x5e: {  	v3 =	vand.u32 $0x7, v3;
	v4 =	vand.u32 $0xFFFFFFF0, v63  }
0x5f: {  	v3 =	vor.u32 v3, v4  }
0x60: {  	v4 =	vperm.xlane v3, v0;
	_ =	sdelay $0x1  }
0x61: {  	v3 =	vperm.xlane v3, v2;
	v4 =	vadd.s32 v1, v4;
	_ =	sdelay $0x1  }
0x62: {  	v3 =	vadd.s32 v1, v3;
	_ =	sdelay $0x2  }
0x63: {  	[tilespmem:s22], [sflag:$0x1] =	stream.indirect_vreg.gather [hbm4b:s2+s3], $0x80, v4, vm0, $0xb8;
	[tilespmem:$0x8080] =	vst v63  }
0x64: {  	_ = 	snop  }
0x65: {  	[tilespmem:s23], [sflag:$0x1] =	stream.indirect_vreg.gather [hbm4b:s2+s3], $0x80, v3, vm0, $0xb8;
	[tilespmem:$0x8080] =	vst v63  }
0x66: {  	_ =	swait.ge [sflag:s24], $0x8000  }
0x67: {  	p0 =	sne.s32 s28, $0x70;
	[sflag:s24] =	ssyncset.done $0x0  }
.Ltmp0:
0x68: {  	[sflag:s24] =	ssyncadd.s32 $0xFFFF8000;
	(pc) =	sbr.rel @p0 .LBB2_2-.Ltmp0, $4  }
0x69: {  	[hbm4b:s26+s3] =	stream.linear.scatter [tilespmem:s8], [sflag:$0x2], $0x8000, $0x38;
	[tilespmem:$0x8080] =	vst v63  }
0x6a: {  	_ =	swait.ge [sflag:s7], $0x8000  }
0x6b: {  	[sflag:s7] =	ssyncset.done $0x0  }
0x6c: {  	s28 =	sadd.s32 $0x10, s28;
	s26 =	sadd.s32 $0x1000, s26;
	[sflag:s7] =	ssyncadd.s32 $0xFFFF8000  }
0x6d: {  	s25 =	sadd.s32 $0x1, s25  }
0x6e: {  	p0 =	sne.s32 s25, s4  }
.Ltmp1:
0x6f: {  	_ = 	snop;
	(pc) =	sbr.rel @p0 .LBB2_1-.Ltmp1, $1  }
0x70: {  	_ =	sdelay $0x3  }
0x71: {  	_ =	sfence.sel $0x180000  }
0x72: {  	[bflag:$0x0] =	sbarrier.arrive $0xFFFF  }
0x73: {  	p0 =	sne.s32 s1, $0x0;
	_ =	strace $0x90000053  }
0x74: {  	s0 =	sadd.s32 @!p0 $0x100000, s0;
	[bflag:$0x2] =	sbarrier.arrive $0xFFFF  }
0x75: {  	[sflag:s0] =	ssyncadd.tile.s32 @!p0 $0x1;
	_ =	shalt  }
.Lfunc_end2:
_tile_overlayer_lowered:
.L_overlay_start_2:
0x76: {  	(tag) =	ssettag $0x2  }
0x77: {  	s0 =	rddreg [dreg:$0x0];
	s2 =	stileid.u32  }
0x78: {  	s1 =	rddreg [dreg:$0x1];
	p0 =	sne.s32 s2, $0x0  }
0x79: {  	s3 =	rddreg [dreg:$0x2];
	[bflag:$0x3] =	sbarrier.arrive $0xFFFF;
	s2 =	simm.s32 @!p0 $0x1C02  }
0x7a: {  	[timem:s3], [sflag:s2] =	dma.local @!p0 [hbm:s0], s1  }
0x7b: {  	s0 =	simm.s32 @!p0 $0x2  }
0x7c: {  	_ =	swait.ge @!p0 [sflag:s0], s1  }
0x7d: {  	s1 =	ssub.s32 @!p0 $0x0, s1;
	[sflag:s0] =	ssyncset.done @!p0 $0x0  }
0x7e: {  	[sflag:s0] =	ssyncadd.s32 @!p0 s1  }
0x7f: {  	[bflag:$0x3] =	sbarrier.arrive $0xFFFF  }
0x80: {  	_ =	shalt  }

// kernel: kernel.21.cloned.1.call-start
scs
__scs_entry_jumppad:
0x0: {  	(pc) =	sbr.rel $0x88, $3  }
0x1: {  	(tag) =	ssettag $0x0;
	lr =	simm.s32 $0x1  }
0x2: {  	[smem:$0x3F6A] =	sst lr;
	_ =	strace $0xD0000000  }
0x3: {  	_ = 	snop  }
0x4: {  	_ = 	snop  }
0x5: {  	_ = 	snop  }
0x6: {  	_ = 	snop  }
0x7: {  	_ = 	snop  }
__scs_overlays_trampoline_lowered:
0x8: {  	[smem:$0x3F79] =	sst s0  }
0x9: {  	[smem:$0x3F7A] =	sst s1  }
0xa: {  	[smem:$0x3F7B] =	sst s2  }
0xb: {  	[smem:$0x3F7C] =	sst s3  }
0xc: {  	[smem:$0x3F7D] =	sst s4  }
0xd: {  	[smem:$0x3F7E] =	sst s5  }
0xe: {  	[smem:$0x3F7F] =	sst s6  }
0xf: {  	[smem:$0x3F80] =	sst s7  }
0x10: {  	[smem:$0x3F81] =	sst s8  }
0x11: {  	[smem:$0x3F82] =	sst s9;
	s0 =	simm.s32 @!p0 $0x0  }
0x12: {  	s1 =	sld [smem:$0x3F68];
	s0 =	simm.s32 @p0 $0x1  }
0x13: {  	[smem:$0x3F83] =	sst s0;
	s0 =	simm.s32 @!p1 $0x0  }
0x14: {  	s2 =	sld [smem:$0x3F67];
	s0 =	simm.s32 @p1 $0x1  }
0x15: {  	[smem:$0x3F84] =	sst s0;
	s0 =	simm.s32 @!p2 $0x0  }
0x16: {  	s3 =	sld [smem:$0x3FDB];
	s0 =	simm.s32 @p2 $0x1  }
0x17: {  	s4 =	simm.s32 $0x1BF5;
	[smem:$0x3F86] =	sst s0  }
0x18: {  	s0 =	sld [smem:$0x3F69];
	_ =	swait.ge [sflag:s4], $0x0  }
0x19: {  	s7 =	sld [smem:$0x3F6A]  }
0x1a: {  	s8 =	sadd.s32 $0xFFFFE003, lr  }
0x1b: {  	s9 =	sadd.s32 $0xFFFFFEF7, lr;
	s5 =	simm.s32 $0xFFFFFFFF;
	p2 =	slt.u32 s8, $0xFFFFF086  }
0x1c: {  	p1 =	slt.u32 s9, $0xF7A;
	s5 =	simm.s32 @!p2 $0x0  }
0x1d: {  	s5 =	simm.s32 @p1 $0x1;
	p0 =	seq.s32 s7, s2  }
0x1e: {  	s7 =	smul.u32 @!p0 $0xF7A, s2;
	p2 =	seq.s32 @!p0 s5, $0x0  }
0x1f: {  	s9 =	smul.u32 $0xF7A, s1;
	s8 =	simm.s32 @!p0 $0x1BF5;
	p2 =	por !p2, p0  }
0x20: {  	[sflag:s8] =	ssyncset.s32 @!p0 $0xFFFFF086;
	s6 =	sadd.s32 @!p0 s3, s7;
	s7 =	simm.s32 @!p0 $0x108  }
0x21: {  	s3 =	sadd.s32 s3, s9;
	s6 =	sadd.s32 @!p0 $0x88, s6;
	s7 =	simm.s32 @p2 $0x1082  }
0x22: {  	[simem:s7], [sflag:s8] =	dma.local @!p0 [hbm:s6], $0xF7A  }
0x23: {  	s9 =	sor.u32 $0xD0000000, s2;
	s6 =	simm.s32 $0x108;
	_ =	swait.ge @!p0 [sflag:s8], $0x0  }
0x24: {  	s3 =	sadd.s32 $0x88, s3;
	s6 =	simm.s32 @!p1 $0x1082;
	[sflag:s4] =	ssyncset.s32 $0xFFFFF086  }
0x25: {  	[simem:s6], [sflag:s4] =	dma.local [hbm:s3], $0xF7A  }
0x26: {  	[smem:$0x3F6A] =	sst s1;
	(tag) =	ssettag s2;
	_ =	strace s9  }
0x27: {  	s1 =	sld [smem:$0x3F7A]  }
0x28: {  	s2 =	sld [smem:$0x3F7B]  }
0x29: {  	s4 =	sld [smem:$0x3F7D]  }
0x2a: {  	p0 =	seq.s32 s5, $0x0;
	s5 =	sld [smem:$0x3F7E]  }
0x2b: {  	s6 =	sld [smem:$0x3F7F]  }
0x2c: {  	s7 =	sld [smem:$0x3F80]  }
0x2d: {  	s3 =	simm.s32 $0x108;
	s8 =	sld [smem:$0x3F81]  }
0x2e: {  	s3 =	simm.s32 @!p0 $0x1082;
	s9 =	sld [smem:$0x3F82]  }
0x2f: {  	lr =	sadd.s32 s0, s3;
	s0 =	sld [smem:$0x3F79]  }
0x30: {  	s3 =	sld [smem:$0x3F7C]  }
0x31: {  	[smem:$0x3F85] =	sst s10  }
0x32: {  	s10 =	sld [smem:$0x3F83];
	_ =	sdelay $0x3  }
0x33: {  	p0 =	seq.s32 s10, $0x1;
	s10 =	sld [smem:$0x3F85];
	_ =	sdelay $0x3  }
0x34: {  	[smem:$0x3F85] =	sst s10  }
0x35: {  	s10 =	sld [smem:$0x3F84];
	_ =	sdelay $0x3  }
0x36: {  	p1 =	seq.s32 s10, $0x1;
	s10 =	sld [smem:$0x3F85];
	_ =	sdelay $0x3  }
0x37: {  	[smem:$0x3F85] =	sst s10  }
0x38: {  	s10 =	sld [smem:$0x3F86]  }
0x39: {  	_ = 	snop;
	(pc) =	sbr.ind lr, $3  }
0x3a: {  	_ = 	snop  }
0x3b: {  	_ = 	snop  }
0x3c: {  	p2 =	seq.s32 s10, $0x1;
	s10 =	sld [smem:$0x3F85]  }
0x3d: {  	_ =	shalt  }
0x3e: {  	_ =	shalt  }
0x3f: {  	_ =	shalt  }
0x40: {  	_ =	shalt  }
0x41: {  	_ =	shalt  }
0x42: {  	_ =	shalt  }
0x43: {  	_ =	shalt  }
0x44: {  	_ =	shalt  }
0x45: {  	_ =	shalt  }
0x46: {  	_ =	shalt  }
0x47: {  	_ =	shalt  }
0x48: {  	_ =	shalt  }
0x49: {  	_ =	shalt  }
0x4a: {  	_ =	shalt  }
0x4b: {  	_ =	shalt  }
0x4c: {  	_ =	shalt  }
0x4d: {  	_ =	shalt  }
0x4e: {  	_ =	shalt  }
0x4f: {  	_ =	shalt  }
0x50: {  	_ =	shalt  }
0x51: {  	_ =	shalt  }
0x52: {  	_ =	shalt  }
0x53: {  	_ =	shalt  }
0x54: {  	_ =	shalt  }
0x55: {  	_ =	shalt  }
0x56: {  	_ =	shalt  }
0x57: {  	_ =	shalt  }
0x58: {  	_ =	shalt  }
0x59: {  	_ =	shalt  }
0x5a: {  	_ =	shalt  }
0x5b: {  	_ =	shalt  }
0x5c: {  	_ =	shalt  }
0x5d: {  	_ =	shalt  }
0x5e: {  	_ =	shalt  }
0x5f: {  	_ =	shalt  }
0x60: {  	_ =	shalt  }
0x61: {  	_ =	shalt  }
0x62: {  	_ =	shalt  }
0x63: {  	_ =	shalt  }
0x64: {  	_ =	shalt  }
0x65: {  	_ =	shalt  }
0x66: {  	_ =	shalt  }
0x67: {  	_ =	shalt  }
0x68: {  	_ =	shalt  }
0x69: {  	_ =	shalt  }
0x6a: {  	_ =	shalt  }
0x6b: {  	_ =	shalt  }
0x6c: {  	_ =	shalt  }
0x6d: {  	_ =	shalt  }
0x6e: {  	_ =	shalt  }
0x6f: {  	_ =	shalt  }
0x70: {  	_ =	shalt  }
0x71: {  	_ =	shalt  }
0x72: {  	_ =	shalt  }
0x73: {  	_ =	shalt  }
0x74: {  	_ =	shalt  }
0x75: {  	_ =	shalt  }
0x76: {  	_ =	shalt  }
0x77: {  	_ =	shalt  }
0x78: {  	_ =	shalt  }
0x79: {  	_ =	shalt  }
0x7a: {  	_ =	shalt  }
0x7b: {  	_ =	shalt  }
0x7c: {  	_ =	shalt  }
0x7d: {  	_ =	shalt  }
0x7e: {  	_ =	shalt  }
0x7f: {  	_ =	shalt  }
0x80: {  	_ =	shalt  }
0x81: {  	_ =	shalt  }
0x82: {  	_ =	shalt  }
0x83: {  	_ =	shalt  }
0x84: {  	_ =	shalt  }
0x85: {  	_ =	shalt  }
0x86: {  	_ =	shalt  }
0x87: {  	_ =	shalt  }
.Lfunc_end0:
.L_simem_size_0:
called_computation.5_lowered:
.L_overlay_start_0:
0x88: {  	s2 =	sld [smem:$0x3FD9]  }
0x89: {  	s3 =	sld [smem:$0x3FFE];
	_ =	sdelay $0x1  }
0x8a: {  	s1 =	srdreg.scid  }
0x8b: {  	s0 =	sand.u32 $0x1, s1  }
0x8c: {  	s16 =	sshll.u32 s0, $0xA;
	s2 =	sadd.s32 s3, s2  }
0x8d: {  	s2 =	sadd.s32 s2, s16  }
0x8e: {  	[smem:$0x3F91] =	sst s2  }
0x8f: {  	_ = 	snop  }
0x90: {  	(tm) =	ssettm $0x1  }
0x91: {  	s17 =	sld [smem:$0x3FFB];
	_ =	sdelay $0x3  }
0x92: {  	_ =	strace s17  }
0x93: {  	s2 =	sld [smem:$0x3FFC];
	_ =	sdelay $0x3  }
0x94: {  	_ =	strace s2  }
0x95: {  	s2 =	sld [smem:$0x3FFD];
	_ =	sdelay $0x3  }
0x96: {  	_ =	strace s2  }
0x97: {  	_ =	strace $0x8FFFFFFF  }
0x98: {  	s18 =	sld [smem:$0x3FDB];
	_ =	sdelay $0x1  }
0x99: {  	s19 =	simm.s32 $_scs_section_size  }
0x9a: {  	s4 =	simm.s32 $_size__tile_overlayer_lowered;
	s5 =	simm.s32 $_tile_overlayer_lowered  }
0x9b: {  	s22 =	simm.s32 $0x1BFF;
	s21 =	sshll.u32 s5, $0x1;
	s2 =	sadd.s32 s19, s18  }
0x9c: {  	s6 =	simm.s32 $0x0;
	s20 =	sshll.u32 s4, $0x1;
	s4 =	sadd.s32 s21, s2  }
0x9d: {  	[timem:s6], [sflag:s22] =	dma.local [hbm:s4], s20  }
0x9e: {  	_ =	swait.ge [sflag:s22], s20  }
0x9f: {  	s3 =	ssub.s32 $0x0, s20;
	[sflag:s22] =	ssyncset.done $0x0  }
0xa0: {  	[sflag:s22] =	ssyncadd.s32 s3;
	_ =	sdelay $0x1  }
0xa1: {  	s23 =	simm.s32 $0x1B8B  }
0xa2: {  	_ =	swait.ge [sflag:s23], $0x1  }
0xa3: {  	[sflag:s23] =	ssyncset.done $0x0  }
0xa4: {  	s25 =	simm.s32 $0x1B8E;
	s24 =	sld [smem:$0x3FFE];
	[sflag:s23] =	ssyncadd.s32 $0xFFFFFFFF  }
0xa5: {  	s26 =	simm.s32 $execute0_lowered;
	[smem:$0x3FD2] =	sst s25  }
0xa6: {  	s4 =	sshll.u32 s26, $0x1;
	_ =	strace $0x80000055;
	[dreg:$0x1] =	wrdreg $0xFFFFFFFF  }
0xa7: {  	s28 =	simm.s32 $_size_execute0_lowered;
	s2 =	sadd.s32 s2, s4;
	[dreg:$0x0] =	wrdreg $0x0  }
0xa8: {  	s4 =	sshll.u32 s28, $0x1;
	[dreg:$0x2] =	wrdreg s2  }
0xa9: {  	[dreg:$0x3] =	wrdreg s4  }
0xaa: {  	[dreg:$0x4] =	wrdreg $0xC0  }
0xab: {  	_ =	task [dreg:s6], $0x5FFFF  }
0xac: {  	[dreg:$0x1] =	wrdreg $0xFFFFFFFF  }
0xad: {  	[dreg:$0x0] =	wrdreg $0x60  }
0xae: {  	[dreg:$0x2] =	wrdreg s24  }
0xaf: {  	[dreg:$0x3] =	wrdreg $0x9  }
0xb0: {  	_ =	task.clear_ibuf [dreg:s6], $0x4FFFF;
	_ =	strace $0x90000055  }
0xb1: {  	s29 =	simm.s32 $0x9;
	_ =	strace $0x80000057  }
0xb2: {  	_ =	swait.ge [sflag:s29], $0x1  }
0xb3: {  	[sflag:s29] =	ssyncadd.s32 $0xFFFFFFFF  }
0xb4: {  	_ =	strace $0x90000057  }
0xb5: {  	_ =	sfence  }
0xb6: {  	s30 =	sld [smem:$0x0];
	_ =	sdelay $0x2  }
0xb7: {  	s31 =	sshll.u32 s1, $0xD;
	s1 =	sshrl.u32 s1, $0x2  }
0xb8: {  	s3 =	sand.u32 $0x4000, s31;
	s1 =	sadd.s32 s1, s30  }
0xb9: {  	s0 =	sor.u32 s3, s0;
	s1 =	sshll.u32 s1, $0x11  }
0xba: {  	s0 =	sor.u32 s1, s0  }
0xbb: {  	s0 =	sadd.s32 $0x8F2B, s0  }
0xbc: {  	[sflag:s0] =	ssyncadd.remote.s32 $0x1  }
0xbd: {  	_ =	sfence.sel $0xFFFF  }
0xbe: {  	[dreg:$0x0] =	wrdreg $0xFFFFFFFF;
	(pc) =	sbr.abs _section_cstart, $3  }
0xbf: {  	[dreg:$0x1] =	wrdreg $0xFFFFFFFF  }
0xc0: {  	_ =	task.clear_ibuf [dreg:s6], $0x2FFFF;
	_ =	strace $0x9FFFFFFF  }
0xc1: {  	(tm) =	ssettm $0x7FFFFFFF  }
tec
execute0_lowered:
.L_overlay_start_1:
0x0: {  	(tag) =	ssettag $0x1  }
0x1: {  	s2 =	rddreg [dreg:$0x0];
	s5 =	stileid.u32  }
0x2: {  	s0 =	srdreg.scid;
	s3 =	simm.s32 $0x0;
	s14 =	simm.s32 $0x880  }
0x3: {  	s15 =	simm.s32 $0xC80;
	s17 =	simm.s32 $0x1480;
	s19 =	simm.s32 $0x1880  }
0x4: {  	s20 =	simm.s32 $0x2080;
	s21 =	simm.s32 $0x2480;
	s22 =	simm.s32 $0x2C80  }
0x5: {  	s23 =	simm.s32 $0x3080;
	s24 =	simm.s32 $0x3880;
	[smem:$0x7FF] =	sst s3  }
0x6: {  	s25 =	simm.s32 $0x3C80;
	_ =	strace $0x80000056;
	[dreg:$0x3] =	wrdreg s14  }
0x7: {  	s7 =	simm.s32 $0x2;
	s26 =	simm.s32 $0x4480;
	[dreg:$0x4] =	wrdreg s15  }
0x8: {  	s8 =	simm.s32 $0x80;
	s9 =	simm.s32 $0x4880;
	[dreg:$0x5] =	wrdreg s17  }
0x9: {  	s10 =	simm.s32 $0x5080;
	s11 =	simm.s32 $0x5480;
	[dreg:$0x6] =	wrdreg s19  }
0xa: {  	s12 =	simm.s32 $0x5C80;
	s28 =	simm.s32 $0xB480;
	[dreg:$0x7] =	wrdreg s20  }
0xb: {  	s29 =	simm.s32 $0xBC80;
	s30 =	simm.s32 $0x1;
	[dreg:$0x8] =	wrdreg s21  }
0xc: {  	s31 =	simm.s32 $0x0;
	s1 =	sshll.u32 s5, $0x8;
	[dreg:$0x9] =	wrdreg s22  }
0xd: {  	s0 =	sand.u32 $0x1, s0;
	s13 =	smul.u32 $0x18000, s5;
	[dreg:$0xa] =	wrdreg s23  }
0xe: {  	s1 =	sadd.s32 s1, s2;
	s4 =	sshll.u32 s0, $0x7;
	[dreg:$0xb] =	wrdreg s24  }
0xf: {  	s16 =	ssub.s32 $0x2, s0;
	s0 =	smul.u32 $0xC000, s0;
	[dreg:$0xc] =	wrdreg s25  }
0x10: {  	[dreg:$0xd] =	wrdreg s26;
	s14 =	simm.s32 $0x6880;
	s15 =	simm.s32 $0x6C80  }
0x11: {  	s17 =	simm.s32 $0x7880;
	s19 =	simm.s32 $0x8480;
	s20 =	simm.s32 $0x8C80  }
0x12: {  	s21 =	simm.s32 $0x9080;
	s22 =	simm.s32 $0x9880;
	s23 =	simm.s32 $0x9C80  }
0x13: {  	s24 =	simm.s32 $0xA480;
	s25 =	simm.s32 $0xA880;
	s26 =	simm.s32 $0xB080  }
0x14: {  	s1 =	sadd.s32 s4, s1;
	s6 =	sadd.s32 s13, s2;
	s18 =	sshrl.u32 s16, $0x1  }
0x15: {  	s4 =	sadd.s32 $0x100, s2;
	s1 =	sadd.s32 $0x40000, s1;
	s5 =	ssub.s32 s16, s18  }
0x16: {  	v2 =	vlaneseq.u32;
	s0 =	sadd.s32 s0, s6;
	[dreg:$0x2] =	wrdreg s1;
	s5 =	smax.u32 s5, $0x1  }
0x17: {  	vm0 =	vmmov $0xffff;
	vm1 =	vmmov $0xff;
	v1 =	vshrl.u32 v2, $0x3;
	s13 =	simm.s32 $0x6080;
	s0 =	sadd.s32 $0x41000, s0;
	[dreg:$0xe] =	wrdreg s5  }
0x18: {  	v0 =	vand.u32 $0x7, v2;
	v2 =	vor.u32 $0x8, v2;
	v1 =	vmul.u32 $0x8, v1;
	s16 =	simm.s32 $0x7480;
	s18 =	simm.s32 $0x8080;
	[dreg:$0xf] =	wrdreg s0  }
.LBB2_1:
0x19: {  	s6 =	rddreg [dreg:$0xf];
	s1 =	simm.s32 $0x0  }
.LBB2_2:
0x1a: {  	s5 =	rddreg [dreg:$0x2]  }
0x1b: {  	s5 =	sadd.s32 s1, s5  }
0x1c: {  	[tilespmem:s3], [sflag:$0x2] =	stream.linear.gather [hbm4b:s5+s3], $0x80, $0x38;
	[tilespmem:$0xC080] =	vst v63  }
0x1d: {  	_ =	swait.ge [sflag:s7], $0x80  }
0x1e: {  	[sflag:s7] =	ssyncset.done $0x0  }
0x1f: {  	[sflag:s7] =	ssyncadd.s32 $0xFFFFFF80  }
0x20: {  	v3 =	vld [tilespmem:$0x0];
	_ =	sdelay $0x4  }
0x21: {  	v4 =	vshrl.u32 v3, $0x3  }
0x22: {  	v4 =	vmul.u32 $0x18, v4  }
0x23: {  	v3 =	vand.u32 $0x7, v3  }
0x24: {  	v3 =	vor.u32 v3, v4  }
0x25: {  	v4 =	vperm.xlane v3, v0;
	_ =	sdelay $0x1  }
0x26: {  	v4 =	vadd.s32 v1, v4;
	_ =	sdelay $0x1  }
0x27: {  	v3 =	vperm.xlane v3, v2;
	_ =	sdelay $0x1  }
0x28: {  	v3 =	vadd.s32 v1, v3  }
0x29: {  	[tilespmem:s8], [sflag:$0x1] =	stream.indirect_vreg.gather [hbm4b:s2+s3], $0x80, v4, vm0, $0xb8;
	[tilespmem:$0xC080] =	vst v63  }
0x2a: {  	s5 =	rddreg [dreg:$0x3]  }
0x2b: {  	[tilespmem:s5], [sflag:$0x1] =	stream.indirect_vreg.gather [hbm4b:s4+s3], $0x80, v4, vm1, $0xb8;
	[tilespmem:$0xC080] =	vst v63  }
0x2c: {  	s0 =	rddreg [dreg:$0x4]  }
0x2d: {  	[tilespmem:s0], [sflag:$0x1] =	stream.indirect_vreg.gather [hbm4b:s2+s3], $0x80, v3, vm0, $0xb8;
	[tilespmem:$0xC080] =	vst v63  }
0x2e: {  	s5 =	rddreg [dreg:$0x5]  }
0x2f: {  	[tilespmem:s5], [sflag:$0x1] =	stream.indirect_vreg.gather [hbm4b:s4+s3], $0x80, v3, vm1, $0xb8;
	[tilespmem:$0xC080] =	vst v63  }
0x30: {  	v3 =	vld [tilespmem:$0x10];
	_ =	sdelay $0x4  }
0x31: {  	v57 =	vshrl.u32 v3, $0x3  }
0x32: {  	v4 =	vmul.u32 $0x18, v57  }
0x33: {  	v3 =	vand.u32 $0x7, v3  }
0x34: {  	v3 =	vor.u32 v3, v4  }
0x35: {  	v4 =	vperm.xlane v3, v0;
	_ =	sdelay $0x1  }
0x36: {  	v4 =	vadd.s32 v1, v4;
	_ =	sdelay $0x1  }
0x37: {  	v3 =	vperm.xlane v3, v2;
	_ =	sdelay $0x1  }
0x38: {  	s0 =	rddreg [dreg:$0x6];
	v3 =	vadd.s32 v1, v3  }
0x39: {  	[tilespmem:s0], [sflag:$0x1] =	stream.indirect_vreg.gather [hbm4b:s2+s3], $0x80, v4, vm0, $0xb8;
	[tilespmem:$0xC080] =	vst v63  }
0x3a: {  	s5 =	rddreg [dreg:$0x7]  }
0x3b: {  	[tilespmem:s5], [sflag:$0x1] =	stream.indirect_vreg.gather [hbm4b:s4+s3], $0x80, v4, vm1, $0xb8;
	[tilespmem:$0xC080] =	vst v63  }
0x3c: {  	s0 =	rddreg [dreg:$0x8]  }
0x3d: {  	[tilespmem:s0], [sflag:$0x1] =	stream.indirect_vreg.gather [hbm4b:s2+s3], $0x80, v3, vm0, $0xb8;
	[tilespmem:$0xC080] =	vst v63  }
0x3e: {  	s5 =	rddreg [dreg:$0x9]  }
0x3f: {  	[tilespmem:s5], [sflag:$0x1] =	stream.indirect_vreg.gather [hbm4b:s4+s3], $0x80, v3, vm1, $0xb8;
	[tilespmem:$0xC080] =	vst v63  }
0x40: {  	v3 =	vld [tilespmem:$0x20];
	_ =	sdelay $0x4  }
0x41: {  	v58 =	vshrl.u32 v3, $0x3  }
0x42: {  	v4 =	vmul.u32 $0x18, v58  }
0x43: {  	v3 =	vand.u32 $0x7, v3  }
0x44: {  	v3 =	vor.u32 v3, v4  }
0x45: {  	v4 =	vperm.xlane v3, v0;
	_ =	sdelay $0x1  }
0x46: {  	v4 =	vadd.s32 v1, v4;
	_ =	sdelay $0x1  }
0x47: {  	v3 =	vperm.xlane v3, v2;
	_ =	sdelay $0x1  }
0x48: {  	s0 =	rddreg [dreg:$0xa];
	v3 =	vadd.s32 v1, v3  }
0x49: {  	[tilespmem:s0], [sflag:$0x1] =	stream.indirect_vreg.gather [hbm4b:s2+s3], $0x80, v4, vm0, $0xb8;
	[tilespmem:$0xC080] =	vst v63  }
0x4a: {  	s5 =	rddreg [dreg:$0xb]  }
0x4b: {  	[tilespmem:s5], [sflag:$0x1] =	stream.indirect_vreg.gather [hbm4b:s4+s3], $0x80, v4, vm1, $0xb8;
	[tilespmem:$0xC080] =	vst v63  }
0x4c: {  	s0 =	rddreg [dreg:$0xc]  }
0x4d: {  	[tilespmem:s0], [sflag:$0x1] =	stream.indirect_vreg.gather [hbm4b:s2+s3], $0x80, v3, vm0, $0xb8;
	[tilespmem:$0xC080] =	vst v63  }
0x4e: {  	s5 =	rddreg [dreg:$0xd]  }
0x4f: {  	[tilespmem:s5], [sflag:$0x1] =	stream.indirect_vreg.gather [hbm4b:s4+s3], $0x80, v3, vm1, $0xb8;
	[tilespmem:$0xC080] =	vst v63  }
0x50: {  	v3 =	vld [tilespmem:$0x30];
	_ =	sdelay $0x4  }
0x51: {  	v59 =	vshrl.u32 v3, $0x3  }
0x52: {  	v4 =	vmul.u32 $0x18, v59  }
0x53: {  	v3 =	vand.u32 $0x7, v3  }
0x54: {  	v3 =	vor.u32 v3, v4  }
0x55: {  	v4 =	vperm.xlane v3, v0;
	_ =	sdelay $0x1  }
0x56: {  	v4 =	vadd.s32 v1, v4;
	_ =	sdelay $0x1  }
0x57: {  	v3 =	vperm.xlane v3, v2;
	_ =	sdelay $0x1  }
0x58: {  	v3 =	vadd.s32 v1, v3  }
0x59: {  	[tilespmem:s9], [sflag:$0x1] =	stream.indirect_vreg.gather [hbm4b:s2+s3], $0x80, v4, vm0, $0xb8;
	[tilespmem:$0xC080] =	vst v63  }
0x5a: {  	_ = 	snop  }
0x5b: {  	[tilespmem:s10], [sflag:$0x1] =	stream.indirect_vreg.gather [hbm4b:s4+s3], $0x80, v4, vm1, $0xb8;
	[tilespmem:$0xC080] =	vst v63  }
0x5c: {  	_ = 	snop  }
0x5d: {  	[tilespmem:s11], [sflag:$0x1] =	stream.indirect_vreg.gather [hbm4b:s2+s3], $0x80, v3, vm0, $0xb8;
	[tilespmem:$0xC080] =	vst v63  }
0x5e: {  	_ = 	snop  }
0x5f: {  	[tilespmem:s12], [sflag:$0x1] =	stream.indirect_vreg.gather [hbm4b:s4+s3], $0x80, v3, vm1, $0xb8;
	[tilespmem:$0xC080] =	vst v63  }
0x60: {  	v3 =	vld [tilespmem:$0x40];
	_ =	sdelay $0x4  }
0x61: {  	v60 =	vshrl.u32 v3, $0x3  }
0x62: {  	v4 =	vmul.u32 $0x18, v60  }
0x63: {  	v3 =	vand.u32 $0x7, v3  }
0x64: {  	v3 =	vor.u32 v3, v4  }
0x65: {  	v4 =	vperm.xlane v3, v0;
	_ =	sdelay $0x1  }
0x66: {  	v4 =	vadd.s32 v1, v4;
	_ =	sdelay $0x1  }
0x67: {  	v3 =	vperm.xlane v3, v2;
	_ =	sdelay $0x1  }
0x68: {  	v3 =	vadd.s32 v1, v3  }
0x69: {  	[tilespmem:s13], [sflag:$0x1] =	stream.indirect_vreg.gather [hbm4b:s2+s3], $0x80, v4, vm0, $0xb8;
	[tilespmem:$0xC080] =	vst v63  }
0x6a: {  	_ = 	snop  }
0x6b: {  	[tilespmem:s14], [sflag:$0x1] =	stream.indirect_vreg.gather [hbm4b:s4+s3], $0x80, v4, vm1, $0xb8;
	[tilespmem:$0xC080] =	vst v63  }
0x6c: {  	_ = 	snop  }
0x6d: {  	[tilespmem:s15], [sflag:$0x1] =	stream.indirect_vreg.gather [hbm4b:s2+s3], $0x80, v3, vm0, $0xb8;
	[tilespmem:$0xC080] =	vst v63  }
0x6e: {  	_ = 	snop  }
0x6f: {  	[tilespmem:s16], [sflag:$0x1] =	stream.indirect_vreg.gather [hbm4b:s4+s3], $0x80, v3, vm1, $0xb8;
	[tilespmem:$0xC080] =	vst v63  }
0x70: {  	v3 =	vld [tilespmem:$0x50];
	_ =	sdelay $0x4  }
0x71: {  	v61 =	vshrl.u32 v3, $0x3  }
0x72: {  	v4 =	vmul.u32 $0x18, v61  }
0x73: {  	v3 =	vand.u32 $0x7, v3  }
0x74: {  	v3 =	vor.u32 v3, v4  }
0x75: {  	v4 =	vperm.xlane v3, v0;
	_ =	sdelay $0x1  }
0x76: {  	v4 =	vadd.s32 v1, v4;
	_ =	sdelay $0x1  }
0x77: {  	v3 =	vperm.xlane v3, v2;
	_ =	sdelay $0x1  }
0x78: {  	v3 =	vadd.s32 v1, v3  }
0x79: {  	[tilespmem:s17], [sflag:$0x1] =	stream.indirect_vreg.gather [hbm4b:s2+s3], $0x80, v4, vm0, $0xb8;
	[tilespmem:$0xC080] =	vst v63  }
0x7a: {  	_ = 	snop  }
0x7b: {  	[tilespmem:s18], [sflag:$0x1] =	stream.indirect_vreg.gather [hbm4b:s4+s3], $0x80, v4, vm1, $0xb8;
	[tilespmem:$0xC080] =	vst v63  }
0x7c: {  	_ = 	snop  }
0x7d: {  	[tilespmem:s19], [sflag:$0x1] =	stream.indirect_vreg.gather [hbm4b:s2+s3], $0x80, v3, vm0, $0xb8;
	[tilespmem:$0xC080] =	vst v63  }
0x7e: {  	_ = 	snop  }
0x7f: {  	[tilespmem:s20], [sflag:$0x1] =	stream.indirect_vreg.gather [hbm4b:s4+s3], $0x80, v3, vm1, $0xb8;
	[tilespmem:$0xC080] =	vst v63  }
0x80: {  	v3 =	vld [tilespmem:$0x60];
	_ =	sdelay $0x4  }
0x81: {  	v62 =	vshrl.u32 v3, $0x3  }
0x82: {  	v4 =	vmul.u32 $0x18, v62  }
0x83: {  	v3 =	vand.u32 $0x7, v3  }
0x84: {  	v3 =	vor.u32 v3, v4  }
0x85: {  	v4 =	vperm.xlane v3, v0;
	_ =	sdelay $0x1  }
0x86: {  	v4 =	vadd.s32 v1, v4;
	_ =	sdelay $0x1  }
0x87: {  	v3 =	vperm.xlane v3, v2;
	_ =	sdelay $0x1  }
0x88: {  	v3 =	vadd.s32 v1, v3  }
0x89: {  	[tilespmem:s21], [sflag:$0x1] =	stream.indirect_vreg.gather [hbm4b:s2+s3], $0x80, v4, vm0, $0xb8;
	[tilespmem:$0xC080] =	vst v63  }
0x8a: {  	_ = 	snop  }
0x8b: {  	[tilespmem:s22], [sflag:$0x1] =	stream.indirect_vreg.gather [hbm4b:s4+s3], $0x80, v4, vm1, $0xb8;
	[tilespmem:$0xC080] =	vst v63  }
0x8c: {  	_ = 	snop  }
0x8d: {  	[tilespmem:s23], [sflag:$0x1] =	stream.indirect_vreg.gather [hbm4b:s2+s3], $0x80, v3, vm0, $0xb8;
	[tilespmem:$0xC080] =	vst v63  }
0x8e: {  	_ = 	snop  }
0x8f: {  	[tilespmem:s24], [sflag:$0x1] =	stream.indirect_vreg.gather [hbm4b:s4+s3], $0x80, v3, vm1, $0xb8;
	[tilespmem:$0xC080] =	vst v63  }
0x90: {  	v3 =	vld [tilespmem:$0x70];
	_ =	sdelay $0x4  }
0x91: {  	v63 =	vshrl.u32 v3, $0x3  }
0x92: {  	v4 =	vmul.u32 $0x18, v63  }
0x93: {  	v3 =	vand.u32 $0x7, v3  }
0x94: {  	v3 =	vor.u32 v3, v4  }
0x95: {  	v4 =	vperm.xlane v3, v0;
	_ =	sdelay $0x1  }
0x96: {  	v4 =	vadd.s32 v1, v4;
	_ =	sdelay $0x1  }
0x97: {  	v3 =	vperm.xlane v3, v2;
	_ =	sdelay $0x1  }
0x98: {  	v3 =	vadd.s32 v1, v3  }
0x99: {  	[tilespmem:s25], [sflag:$0x1] =	stream.indirect_vreg.gather [hbm4b:s2+s3], $0x80, v4, vm0, $0xb8;
	[tilespmem:$0xC080] =	vst v63  }
0x9a: {  	_ = 	snop  }
0x9b: {  	[tilespmem:s26], [sflag:$0x1] =	stream.indirect_vreg.gather [hbm4b:s4+s3], $0x80, v4, vm1, $0xb8;
	[tilespmem:$0xC080] =	vst v63  }
0x9c: {  	_ = 	snop  }
0x9d: {  	[tilespmem:s28], [sflag:$0x1] =	stream.indirect_vreg.gather [hbm4b:s2+s3], $0x80, v3, vm0, $0xb8;
	[tilespmem:$0xC080] =	vst v63  }
0x9e: {  	_ = 	snop  }
0x9f: {  	[tilespmem:s29], [sflag:$0x1] =	stream.indirect_vreg.gather [hbm4b:s4+s3], $0x80, v3, vm1, $0xb8;
	[tilespmem:$0xC080] =	vst v63  }
0xa0: {  	_ =	swait.ge [sflag:s30], $0xC000  }
0xa1: {  	p0 =	sne.s32 s1, $0x70;
	[sflag:s30] =	ssyncset.done $0x0  }
.Ltmp0:
0xa2: {  	[sflag:s30] =	ssyncadd.s32 $0xFFFF4000;
	(pc) =	sbr.rel @p0 .LBB2_2-.Ltmp0, $4  }
0xa3: {  	[hbm4b:s6+s3] =	stream.linear.scatter [tilespmem:s8], [sflag:$0x2], $0xC000, $0x38;
	[tilespmem:$0xC080] =	vst v63  }
0xa4: {  	_ =	swait.ge [sflag:s7], $0xC000  }
0xa5: {  	[sflag:s7] =	ssyncset.done $0x0  }
0xa6: {  	s1 =	sadd.s32 $0x10, s1;
	s6 =	sadd.s32 $0x1800, s6;
	[sflag:s7] =	ssyncadd.s32 $0xFFFF4000  }
0xa7: {  	s31 =	sadd.s32 $0x1, s31;
	s0 =	rddreg [dreg:$0xe]  }
0xa8: {  	p0 =	sne.s32 s31, s0  }
.Ltmp1:
0xa9: {  	_ = 	snop;
	(pc) =	sbr.rel @p0 .LBB2_1-.Ltmp1, $1  }
0xaa: {  	_ =	sdelay $0x3  }
0xab: {  	_ =	sfence.sel $0x180000  }
0xac: {  	[bflag:$0x0] =	sbarrier.arrive $0xFFFF  }
0xad: {  	_ =	strace $0x90000056  }
0xae: {  	s0 =	stileid.u32;
	[bflag:$0x2] =	sbarrier.arrive $0xFFFF  }
0xaf: {  	p0 =	sne.s32 s0, $0x0;
	s0 =	rddreg [dreg:$0x1]  }
0xb0: {  	s0 =	sadd.s32 @!p0 $0x100000, s0  }
0xb1: {  	[sflag:s0] =	ssyncadd.tile.s32 @!p0 $0x1;
	_ =	shalt  }
.Lfunc_end2:
_tile_overlayer_lowered:
.L_overlay_start_2:
0xb2: {  	(tag) =	ssettag $0x2  }
0xb3: {  	s0 =	rddreg [dreg:$0x0];
	s2 =	stileid.u32  }
0xb4: {  	s1 =	rddreg [dreg:$0x1];
	p0 =	sne.s32 s2, $0x0  }
0xb5: {  	s3 =	rddreg [dreg:$0x2];
	[bflag:$0x3] =	sbarrier.arrive $0xFFFF;
	s2 =	simm.s32 @!p0 $0x1C02  }
0xb6: {  	[timem:s3], [sflag:s2] =	dma.local @!p0 [hbm:s0], s1  }
0xb7: {  	s0 =	simm.s32 @!p0 $0x2  }
0xb8: {  	_ =	swait.ge @!p0 [sflag:s0], s1  }
0xb9: {  	s1 =	ssub.s32 @!p0 $0x0, s1;
	[sflag:s0] =	ssyncset.done @!p0 $0x0  }
0xba: {  	[sflag:s0] =	ssyncadd.s32 @!p0 s1  }
0xbb: {  	[bflag:$0x3] =	sbarrier.arrive $0xFFFF  }
0xbc: {  	_ =	shalt  }

// kernel: kernel.24.cloned.1.call-start
scs
__scs_entry_jumppad:
0x0: {  	(pc) =	sbr.rel $0x88, $3  }
0x1: {  	(tag) =	ssettag $0x0;
	lr =	simm.s32 $0x1  }
0x2: {  	[smem:$0x3F6A] =	sst lr;
	_ =	strace $0xD0000000  }
0x3: {  	_ = 	snop  }
0x4: {  	_ = 	snop  }
0x5: {  	_ = 	snop  }
0x6: {  	_ = 	snop  }
0x7: {  	_ = 	snop  }
__scs_overlays_trampoline_lowered:
0x8: {  	[smem:$0x3F79] =	sst s0  }
0x9: {  	[smem:$0x3F7A] =	sst s1  }
0xa: {  	[smem:$0x3F7B] =	sst s2  }
0xb: {  	[smem:$0x3F7C] =	sst s3  }
0xc: {  	[smem:$0x3F7D] =	sst s4  }
0xd: {  	[smem:$0x3F7E] =	sst s5  }
0xe: {  	[smem:$0x3F7F] =	sst s6  }
0xf: {  	[smem:$0x3F80] =	sst s7  }
0x10: {  	[smem:$0x3F81] =	sst s8  }
0x11: {  	[smem:$0x3F82] =	sst s9;
	s0 =	simm.s32 @!p0 $0x0  }
0x12: {  	s1 =	sld [smem:$0x3F68];
	s0 =	simm.s32 @p0 $0x1  }
0x13: {  	[smem:$0x3F83] =	sst s0;
	s0 =	simm.s32 @!p1 $0x0  }
0x14: {  	s2 =	sld [smem:$0x3F67];
	s0 =	simm.s32 @p1 $0x1  }
0x15: {  	[smem:$0x3F84] =	sst s0;
	s0 =	simm.s32 @!p2 $0x0  }
0x16: {  	s3 =	sld [smem:$0x3FDB];
	s0 =	simm.s32 @p2 $0x1  }
0x17: {  	s4 =	simm.s32 $0x1BF5;
	[smem:$0x3F86] =	sst s0  }
0x18: {  	s0 =	sld [smem:$0x3F69];
	_ =	swait.ge [sflag:s4], $0x0  }
0x19: {  	s7 =	sld [smem:$0x3F6A]  }
0x1a: {  	s8 =	sadd.s32 $0xFFFFE003, lr  }
0x1b: {  	s9 =	sadd.s32 $0xFFFFFEF7, lr;
	s5 =	simm.s32 $0xFFFFFFFF;
	p2 =	slt.u32 s8, $0xFFFFF086  }
0x1c: {  	p1 =	slt.u32 s9, $0xF7A;
	s5 =	simm.s32 @!p2 $0x0  }
0x1d: {  	s5 =	simm.s32 @p1 $0x1;
	p0 =	seq.s32 s7, s2  }
0x1e: {  	s7 =	smul.u32 @!p0 $0xF7A, s2;
	p2 =	seq.s32 @!p0 s5, $0x0  }
0x1f: {  	s9 =	smul.u32 $0xF7A, s1;
	s8 =	simm.s32 @!p0 $0x1BF5;
	p2 =	por !p2, p0  }
0x20: {  	[sflag:s8] =	ssyncset.s32 @!p0 $0xFFFFF086;
	s6 =	sadd.s32 @!p0 s3, s7;
	s7 =	simm.s32 @!p0 $0x108  }
0x21: {  	s3 =	sadd.s32 s3, s9;
	s6 =	sadd.s32 @!p0 $0x88, s6;
	s7 =	simm.s32 @p2 $0x1082  }
0x22: {  	[simem:s7], [sflag:s8] =	dma.local @!p0 [hbm:s6], $0xF7A  }
0x23: {  	s9 =	sor.u32 $0xD0000000, s2;
	s6 =	simm.s32 $0x108;
	_ =	swait.ge @!p0 [sflag:s8], $0x0  }
0x24: {  	s3 =	sadd.s32 $0x88, s3;
	s6 =	simm.s32 @!p1 $0x1082;
	[sflag:s4] =	ssyncset.s32 $0xFFFFF086  }
0x25: {  	[simem:s6], [sflag:s4] =	dma.local [hbm:s3], $0xF7A  }
0x26: {  	[smem:$0x3F6A] =	sst s1;
	(tag) =	ssettag s2;
	_ =	strace s9  }
0x27: {  	s1 =	sld [smem:$0x3F7A]  }
0x28: {  	s2 =	sld [smem:$0x3F7B]  }
0x29: {  	s4 =	sld [smem:$0x3F7D]  }
0x2a: {  	p0 =	seq.s32 s5, $0x0;
	s5 =	sld [smem:$0x3F7E]  }
0x2b: {  	s6 =	sld [smem:$0x3F7F]  }
0x2c: {  	s7 =	sld [smem:$0x3F80]  }
0x2d: {  	s3 =	simm.s32 $0x108;
	s8 =	sld [smem:$0x3F81]  }
0x2e: {  	s3 =	simm.s32 @!p0 $0x1082;
	s9 =	sld [smem:$0x3F82]  }
0x2f: {  	lr =	sadd.s32 s0, s3;
	s0 =	sld [smem:$0x3F79]  }
0x30: {  	s3 =	sld [smem:$0x3F7C]  }
0x31: {  	[smem:$0x3F85] =	sst s10  }
0x32: {  	s10 =	sld [smem:$0x3F83];
	_ =	sdelay $0x3  }
0x33: {  	p0 =	seq.s32 s10, $0x1;
	s10 =	sld [smem:$0x3F85];
	_ =	sdelay $0x3  }
0x34: {  	[smem:$0x3F85] =	sst s10  }
0x35: {  	s10 =	sld [smem:$0x3F84];
	_ =	sdelay $0x3  }
0x36: {  	p1 =	seq.s32 s10, $0x1;
	s10 =	sld [smem:$0x3F85];
	_ =	sdelay $0x3  }
0x37: {  	[smem:$0x3F85] =	sst s10  }
0x38: {  	s10 =	sld [smem:$0x3F86]  }
0x39: {  	_ = 	snop;
	(pc) =	sbr.ind lr, $3  }
0x3a: {  	_ = 	snop  }
0x3b: {  	_ = 	snop  }
0x3c: {  	p2 =	seq.s32 s10, $0x1;
	s10 =	sld [smem:$0x3F85]  }
0x3d: {  	_ =	shalt  }
0x3e: {  	_ =	shalt  }
0x3f: {  	_ =	shalt  }
0x40: {  	_ =	shalt  }
0x41: {  	_ =	shalt  }
0x42: {  	_ =	shalt  }
0x43: {  	_ =	shalt  }
0x44: {  	_ =	shalt  }
0x45: {  	_ =	shalt  }
0x46: {  	_ =	shalt  }
0x47: {  	_ =	shalt  }
0x48: {  	_ =	shalt  }
0x49: {  	_ =	shalt  }
0x4a: {  	_ =	shalt  }
0x4b: {  	_ =	shalt  }
0x4c: {  	_ =	shalt  }
0x4d: {  	_ =	shalt  }
0x4e: {  	_ =	shalt  }
0x4f: {  	_ =	shalt  }
0x50: {  	_ =	shalt  }
0x51: {  	_ =	shalt  }
0x52: {  	_ =	shalt  }
0x53: {  	_ =	shalt  }
0x54: {  	_ =	shalt  }
0x55: {  	_ =	shalt  }
0x56: {  	_ =	shalt  }
0x57: {  	_ =	shalt  }
0x58: {  	_ =	shalt  }
0x59: {  	_ =	shalt  }
0x5a: {  	_ =	shalt  }
0x5b: {  	_ =	shalt  }
0x5c: {  	_ =	shalt  }
0x5d: {  	_ =	shalt  }
0x5e: {  	_ =	shalt  }
0x5f: {  	_ =	shalt  }
0x60: {  	_ =	shalt  }
0x61: {  	_ =	shalt  }
0x62: {  	_ =	shalt  }
0x63: {  	_ =	shalt  }
0x64: {  	_ =	shalt  }
0x65: {  	_ =	shalt  }
0x66: {  	_ =	shalt  }
0x67: {  	_ =	shalt  }
0x68: {  	_ =	shalt  }
0x69: {  	_ =	shalt  }
0x6a: {  	_ =	shalt  }
0x6b: {  	_ =	shalt  }
0x6c: {  	_ =	shalt  }
0x6d: {  	_ =	shalt  }
0x6e: {  	_ =	shalt  }
0x6f: {  	_ =	shalt  }
0x70: {  	_ =	shalt  }
0x71: {  	_ =	shalt  }
0x72: {  	_ =	shalt  }
0x73: {  	_ =	shalt  }
0x74: {  	_ =	shalt  }
0x75: {  	_ =	shalt  }
0x76: {  	_ =	shalt  }
0x77: {  	_ =	shalt  }
0x78: {  	_ =	shalt  }
0x79: {  	_ =	shalt  }
0x7a: {  	_ =	shalt  }
0x7b: {  	_ =	shalt  }
0x7c: {  	_ =	shalt  }
0x7d: {  	_ =	shalt  }
0x7e: {  	_ =	shalt  }
0x7f: {  	_ =	shalt  }
0x80: {  	_ =	shalt  }
0x81: {  	_ =	shalt  }
0x82: {  	_ =	shalt  }
0x83: {  	_ =	shalt  }
0x84: {  	_ =	shalt  }
0x85: {  	_ =	shalt  }
0x86: {  	_ =	shalt  }
0x87: {  	_ =	shalt  }
.Lfunc_end0:
.L_simem_size_0:
called_computation.6_lowered:
.L_overlay_start_0:
0x88: {  	s2 =	sld [smem:$0x3FD9]  }
0x89: {  	s3 =	sld [smem:$0x3FFE];
	_ =	sdelay $0x1  }
0x8a: {  	s1 =	srdreg.scid  }
0x8b: {  	s0 =	sand.u32 $0x1, s1  }
0x8c: {  	s17 =	sshll.u32 s0, $0xA;
	s2 =	sadd.s32 s3, s2  }
0x8d: {  	s2 =	sadd.s32 s2, s17  }
0x8e: {  	[smem:$0x3F91] =	sst s2  }
0x8f: {  	_ = 	snop  }
0x90: {  	s2 =	sld [smem:$0x3FD0];
	(tm) =	ssettm $0x1  }
0x91: {  	s18 =	sld [smem:$0x3FFB];
	_ =	sdelay $0x3  }
0x92: {  	_ =	strace s18  }
0x93: {  	s3 =	sld [smem:$0x3FFC];
	_ =	sdelay $0x3  }
0x94: {  	_ =	strace s3  }
0x95: {  	s3 =	sld [smem:$0x3FFD];
	_ =	sdelay $0x3  }
0x96: {  	_ =	strace s3  }
0x97: {  	_ =	strace $0x8FFFFFFF  }
0x98: {  	s19 =	sld [smem:$0x3FDB];
	_ =	sdelay $0x1  }
0x99: {  	s4 =	simm.s32 $_scs_section_size  }
0x9a: {  	s5 =	simm.s32 $_size__tile_overlayer_lowered;
	s6 =	simm.s32 $_tile_overlayer_lowered  }
0x9b: {  	s22 =	simm.s32 $0x1BFF;
	s21 =	sshll.u32 s6, $0x1;
	s3 =	sadd.s32 s4, s19  }
0x9c: {  	s7 =	simm.s32 $0x0;
	s20 =	sshll.u32 s5, $0x1;
	s5 =	sadd.s32 s21, s3  }
0x9d: {  	[timem:s7], [sflag:s22] =	dma.local [hbm:s5], s20  }
0x9e: {  	_ =	swait.ge [sflag:s22], s20  }
0x9f: {  	s4 =	ssub.s32 $0x0, s20;
	[sflag:s22] =	ssyncset.done $0x0  }
0xa0: {  	[sflag:s22] =	ssyncadd.s32 s4;
	_ =	sdelay $0x1  }
0xa1: {  	s23 =	simm.s32 $0x1B8B  }
0xa2: {  	_ =	swait.ge [sflag:s23], $0x1  }
0xa3: {  	[sflag:s23] =	ssyncset.done $0x0  }
0xa4: {  	s25 =	simm.s32 $0x1B8E;
	s24 =	sld [smem:$0x3FFE];
	[sflag:s23] =	ssyncadd.s32 $0xFFFFFFFF  }
0xa5: {  	s26 =	simm.s32 $execute0_lowered;
	[smem:$0x3FD2] =	sst s25  }
0xa6: {  	s5 =	sshll.u32 s26, $0x1;
	_ =	strace $0x80000058;
	[dreg:$0x1] =	wrdreg $0xFFFFFFFF  }
0xa7: {  	s28 =	simm.s32 $_size_execute0_lowered;
	s3 =	sadd.s32 s3, s5;
	[dreg:$0x0] =	wrdreg $0x0  }
0xa8: {  	s5 =	sshll.u32 s28, $0x1;
	[dreg:$0x2] =	wrdreg s3  }
0xa9: {  	[dreg:$0x3] =	wrdreg s5  }
0xaa: {  	[dreg:$0x4] =	wrdreg $0xC0  }
0xab: {  	_ =	task [dreg:s7], $0x5FFFF  }
0xac: {  	[dreg:$0x1] =	wrdreg $0xFFFFFFFF  }
0xad: {  	[dreg:$0x0] =	wrdreg $0x60  }
0xae: {  	[dreg:$0x2] =	wrdreg s24  }
0xaf: {  	[dreg:$0x3] =	wrdreg s2  }
0xb0: {  	[dreg:$0x4] =	wrdreg $0x9  }
0xb1: {  	_ =	task.clear_ibuf [dreg:s7], $0x5FFFF;
	_ =	strace $0x90000058  }
0xb2: {  	s29 =	simm.s32 $0x9;
	_ =	strace $0x8000005A  }
0xb3: {  	_ =	swait.ge [sflag:s29], $0x1  }
0xb4: {  	[sflag:s29] =	ssyncadd.s32 $0xFFFFFFFF  }
0xb5: {  	_ =	strace $0x9000005A  }
0xb6: {  	_ =	sfence  }
0xb7: {  	s30 =	sld [smem:$0x0];
	_ =	sdelay $0x2  }
0xb8: {  	s31 =	sshll.u32 s1, $0xD;
	s1 =	sshrl.u32 s1, $0x2  }
0xb9: {  	s3 =	sand.u32 $0x4000, s31;
	s1 =	sadd.s32 s1, s30  }
0xba: {  	s0 =	sor.u32 s3, s0;
	s1 =	sshll.u32 s1, $0x11  }
0xbb: {  	s0 =	sor.u32 s1, s0  }
0xbc: {  	s0 =	sadd.s32 $0x8F2B, s0  }
0xbd: {  	[sflag:s0] =	ssyncadd.remote.s32 $0x1  }
0xbe: {  	_ =	sfence.sel $0xFFFF  }
0xbf: {  	[dreg:$0x0] =	wrdreg $0xFFFFFFFF;
	(pc) =	sbr.abs _section_cstart, $3  }
0xc0: {  	[dreg:$0x1] =	wrdreg $0xFFFFFFFF  }
0xc1: {  	_ =	task.clear_ibuf [dreg:s7], $0x2FFFF;
	_ =	strace $0x9FFFFFFF  }
0xc2: {  	(tm) =	ssettm $0x7FFFFFFF  }
0xc3: {  	_ =	shalt  }
tec
execute0_lowered:
.L_overlay_start_1:
0x0: {  	(tag) =	ssettag $0x1  }
0x1: {  	s1 =	rddreg [dreg:$0x0]  }
0x2: {  	s4 =	rddreg [dreg:$0x1]  }
0x3: {  	s0 =	rddreg [dreg:$0x2];
	s5 =	srdreg.scid  }
0x4: {  	s3 =	simm.s32 $0x0;
	s2 =	stileid.u32;
	s9 =	simm.s32 $0x80  }
0x5: {  	s10 =	simm.s32 $0x880;
	s11 =	simm.s32 $0x1080;
	s12 =	simm.s32 $0x1880  }
0x6: {  	s13 =	simm.s32 $0x2080;
	s14 =	simm.s32 $0x2880;
	s15 =	simm.s32 $0x3080  }
0x7: {  	s16 =	simm.s32 $0x3880;
	s17 =	simm.s32 $0x4080;
	s18 =	simm.s32 $0x4880  }
0x8: {  	s19 =	simm.s32 $0x5080;
	s20 =	simm.s32 $0x5880;
	s21 =	simm.s32 $0x6080  }
0x9: {  	s22 =	simm.s32 $0x6880;
	s23 =	simm.s32 $0x7080;
	s24 =	simm.s32 $0x7880  }
0xa: {  	s25 =	simm.s32 $0x1;
	s5 =	sand.u32 $0x1, s5;
	[smem:$0x7FF] =	sst s3  }
0xb: {  	s6 =	sshll.u32 s2, $0x7;
	s7 =	sshll.u32 s5, $0x6;
	s5 =	ssub.s32 $0x2, s5  }
0xc: {  	_ =	strace $0x80000059;
	s6 =	sor.u32 s7, s6;
	s8 =	sshrl.u32 s5, $0x1  }
0xd: {  	v2 =	vlaneseq.u32;
	s7 =	sshll.u32 s6, $0x6;
	s6 =	sshrl.u32 s6, $0x3;
	s8 =	ssub.s32 s5, s8  }
0xe: {  	vm0 =	vmmov $0xffff;
	v1 =	vshrl.u32 v2, $0x3;
	s5 =	sadd.s32 $0x100, s1;
	s7 =	sadd.s32 s7, s1;
	s4 =	sadd.s32 s4, s6  }
0xf: {  	v0 =	vand.u32 $0x7, v2;
	v2 =	vor.u32 $0x8, v2;
	v1 =	vmul.u32 $0x8, v1;
	s6 =	sadd.s32 $0x8000, s7;
	s7 =	smax.u32 s8, $0x1;
	s8 =	simm.s32 $0x2  }
.LBB2_1:
0x10: {  	[tilespmem:s3], [sflag:$0x2] =	stream.linear.gather [hbm4b:s4+s3], $0x40, $0x38;
	[tilespmem:$0x8080] =	vst v63  }
0x11: {  	_ =	swait.ge [sflag:s8], $0x40  }
0x12: {  	[sflag:s8] =	ssyncset.done $0x0  }
0x13: {  	[sflag:s8] =	ssyncadd.s32 $0xFFFFFFC0  }
0x14: {  	v3 =	vld [tilespmem:$0x0];
	_ =	sdelay $0x4  }
0x15: {  	v4 =	vshll.u32 v3, $0x2  }
0x16: {  	v3 =	vand.u32 $0x7, v3;
	v4 =	vand.u32 $0xFFFFFFE0, v4  }
0x17: {  	v3 =	vor.u32 v3, v4  }
0x18: {  	v4 =	vperm.xlane v3, v0;
	_ =	sdelay $0x1  }
0x19: {  	v4 =	vadd.s32 v1, v4;
	_ =	sdelay $0x1  }
0x1a: {  	v3 =	vperm.xlane v3, v2;
	_ =	sdelay $0x1  }
0x1b: {  	v3 =	vadd.s32 v1, v3  }
0x1c: {  	[tilespmem:s9], [sflag:$0x1] =	stream.indirect_vreg.gather [hbm4b:s1+s3], $0x80, v4, vm0, $0xb8;
	[tilespmem:$0x8080] =	vst v63  }
0x1d: {  	_ = 	snop  }
0x1e: {  	[tilespmem:s10], [sflag:$0x1] =	stream.indirect_vreg.gather [hbm4b:s5+s3], $0x80, v4, vm0, $0xb8;
	[tilespmem:$0x8080] =	vst v63  }
0x1f: {  	_ = 	snop  }
0x20: {  	[tilespmem:s11], [sflag:$0x1] =	stream.indirect_vreg.gather [hbm4b:s1+s3], $0x80, v3, vm0, $0xb8;
	[tilespmem:$0x8080] =	vst v63  }
0x21: {  	_ = 	snop  }
0x22: {  	[tilespmem:s12], [sflag:$0x1] =	stream.indirect_vreg.gather [hbm4b:s5+s3], $0x80, v3, vm0, $0xb8;
	[tilespmem:$0x8080] =	vst v63  }
0x23: {  	v3 =	vld [tilespmem:$0x10];
	_ =	sdelay $0x4  }
0x24: {  	v61 =	vshll.u32 v3, $0x2  }
0x25: {  	v3 =	vand.u32 $0x7, v3;
	v4 =	vand.u32 $0xFFFFFFE0, v61  }
0x26: {  	v3 =	vor.u32 v3, v4  }
0x27: {  	v4 =	vperm.xlane v3, v0;
	_ =	sdelay $0x1  }
0x28: {  	v4 =	vadd.s32 v1, v4;
	_ =	sdelay $0x1  }
0x29: {  	v3 =	vperm.xlane v3, v2;
	_ =	sdelay $0x1  }
0x2a: {  	v3 =	vadd.s32 v1, v3  }
0x2b: {  	[tilespmem:s13], [sflag:$0x1] =	stream.indirect_vreg.gather [hbm4b:s1+s3], $0x80, v4, vm0, $0xb8;
	[tilespmem:$0x8080] =	vst v63  }
0x2c: {  	_ = 	snop  }
0x2d: {  	[tilespmem:s14], [sflag:$0x1] =	stream.indirect_vreg.gather [hbm4b:s5+s3], $0x80, v4, vm0, $0xb8;
	[tilespmem:$0x8080] =	vst v63  }
0x2e: {  	_ = 	snop  }
0x2f: {  	[tilespmem:s15], [sflag:$0x1] =	stream.indirect_vreg.gather [hbm4b:s1+s3], $0x80, v3, vm0, $0xb8;
	[tilespmem:$0x8080] =	vst v63  }
0x30: {  	_ = 	snop  }
0x31: {  	[tilespmem:s16], [sflag:$0x1] =	stream.indirect_vreg.gather [hbm4b:s5+s3], $0x80, v3, vm0, $0xb8;
	[tilespmem:$0x8080] =	vst v63  }
0x32: {  	v3 =	vld [tilespmem:$0x20];
	_ =	sdelay $0x4  }
0x33: {  	v62 =	vshll.u32 v3, $0x2  }
0x34: {  	v3 =	vand.u32 $0x7, v3;
	v4 =	vand.u32 $0xFFFFFFE0, v62  }
0x35: {  	v3 =	vor.u32 v3, v4  }
0x36: {  	v4 =	vperm.xlane v3, v0;
	_ =	sdelay $0x1  }
0x37: {  	v4 =	vadd.s32 v1, v4;
	_ =	sdelay $0x1  }
0x38: {  	v3 =	vperm.xlane v3, v2;
	_ =	sdelay $0x1  }
0x39: {  	v3 =	vadd.s32 v1, v3  }
0x3a: {  	[tilespmem:s17], [sflag:$0x1] =	stream.indirect_vreg.gather [hbm4b:s1+s3], $0x80, v4, vm0, $0xb8;
	[tilespmem:$0x8080] =	vst v63  }
0x3b: {  	_ = 	snop  }
0x3c: {  	[tilespmem:s18], [sflag:$0x1] =	stream.indirect_vreg.gather [hbm4b:s5+s3], $0x80, v4, vm0, $0xb8;
	[tilespmem:$0x8080] =	vst v63  }
0x3d: {  	_ = 	snop  }
0x3e: {  	[tilespmem:s19], [sflag:$0x1] =	stream.indirect_vreg.gather [hbm4b:s1+s3], $0x80, v3, vm0, $0xb8;
	[tilespmem:$0x8080] =	vst v63  }
0x3f: {  	_ = 	snop  }
0x40: {  	[tilespmem:s20], [sflag:$0x1] =	stream.indirect_vreg.gather [hbm4b:s5+s3], $0x80, v3, vm0, $0xb8;
	[tilespmem:$0x8080] =	vst v63  }
0x41: {  	v3 =	vld [tilespmem:$0x30];
	_ =	sdelay $0x4  }
0x42: {  	v63 =	vshll.u32 v3, $0x2  }
0x43: {  	v3 =	vand.u32 $0x7, v3;
	v4 =	vand.u32 $0xFFFFFFE0, v63  }
0x44: {  	v3 =	vor.u32 v3, v4  }
0x45: {  	v4 =	vperm.xlane v3, v0;
	_ =	sdelay $0x1  }
0x46: {  	v4 =	vadd.s32 v1, v4;
	_ =	sdelay $0x1  }
0x47: {  	v3 =	vperm.xlane v3, v2;
	_ =	sdelay $0x1  }
0x48: {  	v3 =	vadd.s32 v1, v3  }
0x49: {  	[tilespmem:s21], [sflag:$0x1] =	stream.indirect_vreg.gather [hbm4b:s1+s3], $0x80, v4, vm0, $0xb8;
	[tilespmem:$0x8080] =	vst v63  }
0x4a: {  	_ = 	snop  }
0x4b: {  	[tilespmem:s22], [sflag:$0x1] =	stream.indirect_vreg.gather [hbm4b:s5+s3], $0x80, v4, vm0, $0xb8;
	[tilespmem:$0x8080] =	vst v63  }
0x4c: {  	_ = 	snop  }
0x4d: {  	[tilespmem:s23], [sflag:$0x1] =	stream.indirect_vreg.gather [hbm4b:s1+s3], $0x80, v3, vm0, $0xb8;
	[tilespmem:$0x8080] =	vst v63  }
0x4e: {  	_ = 	snop  }
0x4f: {  	[tilespmem:s24], [sflag:$0x1] =	stream.indirect_vreg.gather [hbm4b:s5+s3], $0x80, v3, vm0, $0xb8;
	[tilespmem:$0x8080] =	vst v63  }
0x50: {  	_ =	swait.ge [sflag:s25], $0x8000  }
0x51: {  	p0 =	sne.s32 s7, $0x1;
	[sflag:s25] =	ssyncset.done $0x0  }
.Ltmp0:
0x52: {  	[sflag:s25] =	ssyncadd.s32 $0xFFFF8000;
	(pc) =	sbr.rel @p0 .LBB2_1-.Ltmp0, $4  }
0x53: {  	[hbm4b:s6+s3] =	stream.linear.scatter [tilespmem:s9], [sflag:$0x2], $0x8000, $0x38;
	[tilespmem:$0x8080] =	vst v63  }
0x54: {  	_ =	swait.ge [sflag:s8], $0x8000  }
0x55: {  	[sflag:s8] =	ssyncset.done $0x0  }
0x56: {  	s7 =	sadd.s32 $0xFFFFFFFF, s7;
	[sflag:s8] =	ssyncadd.s32 $0xFFFF8000  }
0x57: {  	_ =	sfence.sel $0x180000  }
0x58: {  	[bflag:$0x0] =	sbarrier.arrive $0xFFFF  }
0x59: {  	p0 =	sne.s32 s2, $0x0;
	_ =	strace $0x90000059  }
0x5a: {  	s0 =	sadd.s32 @!p0 $0x100000, s0;
	[bflag:$0x2] =	sbarrier.arrive $0xFFFF  }
0x5b: {  	[sflag:s0] =	ssyncadd.tile.s32 @!p0 $0x1;
	_ =	shalt  }
.Lfunc_end2:
_tile_overlayer_lowered:
.L_overlay_start_2:
0x5c: {  	(tag) =	ssettag $0x2  }
0x5d: {  	s0 =	rddreg [dreg:$0x0];
	s2 =	stileid.u32  }
0x5e: {  	s1 =	rddreg [dreg:$0x1];
	p0 =	sne.s32 s2, $0x0  }
0x5f: {  	s3 =	rddreg [dreg:$0x2];
	[bflag:$0x3] =	sbarrier.arrive $0xFFFF;
	s2 =	simm.s32 @!p0 $0x1C02  }
0x60: {  	[timem:s3], [sflag:s2] =	dma.local @!p0 [hbm:s0], s1  }
0x61: {  	s0 =	simm.s32 @!p0 $0x2  }
0x62: {  	_ =	swait.ge @!p0 [sflag:s0], s1  }
0x63: {  	s1 =	ssub.s32 @!p0 $0x0, s1;
	[sflag:s0] =	ssyncset.done @!p0 $0x0  }
0x64: {  	[sflag:s0] =	ssyncadd.s32 @!p0 s1  }
0x65: {  	[bflag:$0x3] =	sbarrier.arrive $0xFFFF  }
0x66: {  	_ =	shalt  }

// kernel: sparse-core-data-format-call.cloned.1.call-start
scs
called_computation_lowered:
.L_overlay_start_0:
0x0: {  	s1 =	sld [smem:$0x3FD9]  }
0x1: {  	s2 =	sld [smem:$0x3FFE];
	_ =	sdelay $0x1  }
0x2: {  	s3 =	srdreg.scid  }
0x3: {  	s0 =	sand.u32 $0x1, s3  }
0x4: {  	s17 =	sshll.u32 s0, $0xA;
	s1 =	sadd.s32 s2, s1  }
0x5: {  	s1 =	sadd.s32 s1, s17  }
0x6: {  	[smem:$0x3F91] =	sst s1  }
0x7: {  	_ = 	snop  }
0x8: {  	(tm) =	ssettm $0x1  }
0x9: {  	s18 =	sld [smem:$0x3FFB];
	_ =	sdelay $0x3  }
0xa: {  	_ =	strace s18  }
0xb: {  	s1 =	sld [smem:$0x3FFC];
	_ =	sdelay $0x3  }
0xc: {  	_ =	strace s1  }
0xd: {  	s1 =	sld [smem:$0x3FFD];
	_ =	sdelay $0x3  }
0xe: {  	_ =	strace s1  }
0xf: {  	_ =	strace $0x8FFFFFFF  }
0x10: {  	s19 =	sld [smem:$0x3FDB];
	_ =	sdelay $0x1  }
0x11: {  	s20 =	simm.s32 $_scs_section_size  }
0x12: {  	s4 =	simm.s32 $_size__tile_overlayer_lowered;
	s5 =	simm.s32 $_tile_overlayer_lowered  }
0x13: {  	s23 =	simm.s32 $0x1BFF;
	s22 =	sshll.u32 s5, $0x1;
	s1 =	sadd.s32 s20, s19  }
0x14: {  	s6 =	simm.s32 $0x0;
	s21 =	sshll.u32 s4, $0x1;
	s4 =	sadd.s32 s22, s1  }
0x15: {  	[timem:s6], [sflag:s23] =	dma.local [hbm:s4], s21  }
0x16: {  	_ =	swait.ge [sflag:s23], s21  }
0x17: {  	s2 =	ssub.s32 $0x0, s21;
	[sflag:s23] =	ssyncset.done $0x0  }
0x18: {  	[sflag:s23] =	ssyncadd.s32 s2;
	_ =	sdelay $0x1  }
0x19: {  	s24 =	simm.s32 $0x1B8B  }
0x1a: {  	_ =	swait.ge [sflag:s24], $0x1  }
0x1b: {  	[sflag:s24] =	ssyncset.done $0x0  }
0x1c: {  	s26 =	simm.s32 $0x1B8E;
	s25 =	sld [smem:$0x3FFE];
	[sflag:s24] =	ssyncadd.s32 $0xFFFFFFFF  }
0x1d: {  	s27 =	simm.s32 $execute0_lowered;
	[smem:$0x3FD2] =	sst s26  }
0x1e: {  	s4 =	sshll.u32 s27, $0x1;
	_ =	strace $0x80000049;
	[dreg:$0x1] =	wrdreg $0xFFFFFFFF  }
0x1f: {  	s28 =	simm.s32 $_size_execute0_lowered;
	s1 =	sadd.s32 s1, s4;
	[dreg:$0x0] =	wrdreg $0x0  }
0x20: {  	s4 =	sshll.u32 s28, $0x1;
	[dreg:$0x2] =	wrdreg s1  }
0x21: {  	[dreg:$0x3] =	wrdreg s4  }
0x22: {  	[dreg:$0x4] =	wrdreg $0xC0  }
0x23: {  	_ =	task [dreg:s6], $0x5FFFF  }
0x24: {  	[dreg:$0x1] =	wrdreg $0xFFFFFFFF  }
0x25: {  	[dreg:$0x0] =	wrdreg $0x60  }
0x26: {  	[dreg:$0x2] =	wrdreg s25  }
0x27: {  	[dreg:$0x3] =	wrdreg $0x9  }
0x28: {  	_ =	task.clear_ibuf [dreg:s6], $0x4FFFF;
	_ =	strace $0x90000049  }
0x29: {  	s29 =	simm.s32 $0x9;
	_ =	strace $0x8000004B  }
0x2a: {  	_ =	swait.ge [sflag:s29], $0x1  }
0x2b: {  	[sflag:s29] =	ssyncadd.s32 $0xFFFFFFFF  }
0x2c: {  	_ =	strace $0x9000004B  }
0x2d: {  	_ =	sfence  }
0x2e: {  	s30 =	sld [smem:$0x0];
	_ =	sdelay $0x2  }
0x2f: {  	s31 =	sshll.u32 s3, $0xD;
	s3 =	sshrl.u32 s3, $0x2  }
0x30: {  	s2 =	sand.u32 $0x4000, s31;
	s1 =	sadd.s32 s3, s30  }
0x31: {  	s0 =	sor.u32 s2, s0;
	s1 =	sshll.u32 s1, $0x11  }
0x32: {  	s0 =	sor.u32 s1, s0  }
0x33: {  	s0 =	sadd.s32 $0x8F2B, s0  }
0x34: {  	[sflag:s0] =	ssyncadd.remote.s32 $0x1  }
0x35: {  	_ =	sfence.sel $0xFFFF  }
0x36: {  	[dreg:$0x0] =	wrdreg $0xFFFFFFFF;
	(pc) =	sbr.abs _section_cstart, $3  }
0x37: {  	[dreg:$0x1] =	wrdreg $0xFFFFFFFF  }
0x38: {  	_ =	task.clear_ibuf [dreg:s6], $0x2FFFF;
	_ =	strace $0x9FFFFFFF  }
0x39: {  	(tm) =	ssettm $0x7FFFFFFF  }
tec
execute0_lowered:
.L_overlay_start_1:
0x0: {  	(tag) =	ssettag $0x1  }
0x1: {  	s0 =	srdreg.scid;
	s3 =	rddreg [dreg:$0x0];
	s5 =	simm.s32 $0x1  }
0x2: {  	s7 =	simm.s32 $0x2;
	s15 =	simm.s32 $0x0;
	p0 =	por $0x0, $0x0  }
0x3: {  	s8 =	simm.s32 $0x1000;
	s13 =	simm.s32 $0x0;
	s1 =	sshll.u32 s0, $0x7  }
0x4: {  	s14 =	simm.s32 $0x0;
	s9 =	simm.s32 $0x0;
	s1 =	sand.u32 $0x80, s1  }
0x5: {  	s0 =	rddreg [dreg:$0x1];
	_ =	strace $0x8000004A;
	s6 =	ssub.s32 $0x200, s1  }
.Ltmp0:
0x6: {  	s2 =	sadd.s32 $0x41000, s3;
	s31 =	sshrl.u32 s6, $0x7;
	(pc) =	sbr.rel .LBB1_1-.Ltmp0, $4  }
0x7: {  	s4 =	sadd.s32 $0x141000, s3;
	s6 =	sshrl.u32 s6, $0x8;
	s3 =	sand.u32 $0x1, s31  }
0x8: {  	s11 =	stileid.u32;
	[sflag:s5] =	ssyncpa.u1 $0x0;
	s6 =	sadd.s32 s6, s3  }
0x9: {  	s12 =	simm.s32 $0x0;
	[sflag:s7] =	ssyncpa.u1 $0x0;
	s6 =	sshll.u32 s6, $0x3  }
0xa: {  	s10 =	smov.u32 s1;
	s3 =	stileid.u32;
	s7 =	sor.u32 $0x1, s6  }
.LBB1_4:
0xb: {  	v5 =	vld [tilespmem:s18+$0xFFFFFFD0];
	[tilespmem:s19+$0x2040 ss:$0x81] =	vst.msk $0xffff, v1  }
0xc: {  	v58 =	vld [tilespmem:s18+$0xFFFFFFE0];
	[tilespmem:s19+$0x2850 ss:$0x81] =	vst.msk $0xffff, v2  }
0xd: {  	s20 =	sshra.s32 s20, $0x2;
	v59 =	vld [tilespmem:s18+$0xFFFFFFF0];
	[tilespmem:s19+$0x3060 ss:$0x81] =	vst.msk $0xffff, v3  }
0xe: {  	v60 =	vld [tilespmem:s18+$0x0];
	[tilespmem:s19+$0x0 ss:$0x81] =	vst.msk $0xffff, v0;
	s17 =	sadd.s32 s20, s17  }
0xf: {  	v61 =	vld [tilespmem:s18+$0x10];
	s25 =	sshll.u32 s15, $0x9;
	[tilespmem:s17+$0x3870 ss:$0x81] =	vst.msk $0xffff, v4  }
0x10: {  	s26 =	sshll.u32 s13, $0x3;
	v62 =	vld [tilespmem:s18+$0x20];
	s27 =	sshll.u32 s15, $0x7;
	s30 =	sand.u32 $0x78, s13;
	[tilespmem:s17+$0x810 ss:$0x81] =	vst.msk $0xffff, v5  }
0x11: {  	v63 =	vld [tilespmem:s18+$0xFFFFFFC0];
	s14 =	sshll.u32 s14, $0x10;
	s19 =	sand.u32 $0x7F000, s25;
	s20 =	sand.u32 $0x7FC00, s26;
	[tilespmem:s17+$0x1020 ss:$0x81] =	vst.msk $0xffff, v58  }
0x12: {  	s29 =	sand.u32 $0x200, s27;
	s15 =	sand.u32 $0x180, s27;
	s28 =	sadd.s32 s20, s19;
	[tilespmem:s17+$0x1830 ss:$0x81] =	vst.msk $0xffff, v59  }
0x13: {  	s31 =	sand.u32 $0x7, s13;
	s15 =	sor.u32 s30, s15;
	s18 =	sor.u32 s29, s28;
	[tilespmem:s17+$0x2040 ss:$0x81] =	vst.msk $0xffff, v60  }
0x14: {  	s14 =	sadd.s32 s4, s14;
	s15 =	sshrl.u32 s15, $0x3;
	s18 =	sshrl.u32 s18, $0x3;
	[tilespmem:s17+$0x2850 ss:$0x81] =	vst.msk $0xffff, v61  }
0x15: {  	s13 =	sshll.u32 s31, $0x12;
	s14 =	sadd.s32 s15, s14;
	[tilespmem:s17+$0x3060 ss:$0x81] =	vst.msk $0xffff, v62;
	s18 =	sand.u32 $0xFFC0, s18  }
0x16: {  	s13 =	sor.u32 $0x400, s13;
	[tilespmem:s17+$0x0 ss:$0x81] =	vst.msk $0xffff, v63;
	s14 =	sadd.s32 s18, s14  }
0x17: {  	[hbm4b:s14+s13] =	stream.strided.scatter [tilespmem:s16], [sflag:$0x2], $0x4000, s8, s13, $0x20;
	[tilespmem:$0x10100] =	vst v63  }
.LBB1_5:
0x18: {  	s16 =	sadd.s32 $0x80, s9  }
0x19: {  	s13 =	sadd.s32 $0x100, s10;
	s17 =	smov.u32 s10;
	p2 =	sgt.s32 s16, $0x3FF  }
0x1a: {  	s17 =	smov.u32 @p2 s13  }
0x1b: {  	s19 =	smov.u32 s11;
	s13 =	sadd.s32 $0x10, s11;
	p3 =	sgt.s32 s17, $0x1FF  }
0x1c: {  	s19 =	smov.u32 @p3 s13  }
0x1d: {  	s16 =	simm.s32 @p2 $0x0;
	p2 =	sgt.s32 s19, $0xF  }
0x1e: {  	p1 =	slt.u32 s12, $0x2;
	s19 =	smov.u32 @p2 s3;
	p2 =	sne.s32 s12, s7  }
.Ltmp1:
0x1f: {  	s18 =	simm.s32 @!p1 $0x2;
	(pc) =	sbr.rel @!p2 .LBB1_6-.Ltmp1, $4  }
0x20: {  	s15 =	smov.u32 s9;
	s14 =	smov.u32 s11;
	_ =	swait.ge @!p1 [sflag:s18], $0x4000  }
0x21: {  	p0 =	por !p0, !p0;
	[sflag:s18] =	ssyncset.done @!p1 $0x0;
	s9 =	smov.u32 s16  }
0x22: {  	s17 =	smov.u32 @p3 s1;
	s13 =	smov.u32 s10;
	[sflag:s18] =	ssyncadd.s32 @!p1 $0xFFFFC000  }
0x23: {  	s10 =	smov.u32 s17;
	s12 =	sadd.s32 $0x1, s12;
	s11 =	smov.u32 s19  }
.LBB1_1:
0x24: {  	p1 =	sge.u32 s12, s6  }
0x25: {  	s31 =	sadd.s32 $0xFFFFFFFF, s12;
	s16 =	sshll.u32 @!p1 s10, $0x7  }
0x26: {  	s17 =	sxor.u32 @!p1 $0xFFFFFFFF, s12;
	s18 =	sand.u32 @!p1 $0x78, s9;
	s19 =	sand.u32 @!p1 $0x380, s16  }
0x27: {  	s17 =	sshll.u32 @!p1 s17, $0xE;
	s18 =	sor.u32 @!p1 s18, s19;
	s19 =	sshll.u32 @!p1 s11, $0x10  }
0x28: {  	s16 =	sand.u32 @!p1 $0xFC00, s16;
	s18 =	sshrl.u32 @!p1 s18, $0x3;
	s19 =	sadd.s32 @!p1 s2, s19  }
0x29: {  	s16 =	sadd.s32 @!p1 s9, s16;
	s18 =	sadd.s32 @!p1 s18, s19;
	s19 =	sand.u32 @!p1 $0x7, s9  }
0x2a: {  	s17 =	sand.u32 @!p1 $0x4000, s17;
	s16 =	sand.u32 @!p1 $0xFF80, s16;
	s19 =	sshll.u32 @!p1 s19, $0x12  }
0x2b: {  	s16 =	sadd.s32 @!p1 s16, s18;
	s18 =	sor.u32 @!p1 $0x400, s19;
	s19 =	simm.s32 @!p1 $0x2000  }
0x2c: {  	[tilespmem:s17], [sflag:$0x1] =	stream.strided.gather @!p1 [hbm4b:s16+s18], $0x4000, s19, s18, $0x38;
	[tilespmem:$0x10100] =	vst v63  }
0x2d: {  	p1 =	sge.u32 s31, s6  }
.Ltmp2:
0x2e: {  	_ = 	snop;
	(pc) =	sbr.rel @p1 .LBB1_5-.Ltmp2, $1  }
0x2f: {  	_ =	sdelay $0x3  }
0x30: {  	s16 =	simm.s32 $0x1  }
0x31: {  	_ =	swait.ge [sflag:s5], $0x4000;
	s16 =	simm.s32 @!p0 $0x0  }
0x32: {  	[sflag:s5] =	ssyncset.done $0x0;
	s17 =	sshll.u32 s16, $0xE  }
0x33: {  	[sflag:s5] =	ssyncadd.s32 $0xFFFFC000;
	s18 =	sor.u32 $0x40, s17  }
0x34: {  	s16 =	smul.u32 $0x10200, s16;
	v0 =	vld [tilespmem:s18+$0x30]  }
0x35: {  	v3 =	vld [tilespmem:s18+$0xFFFFFFD0]  }
0x36: {  	s16 =	sshrl.u32 s16, $0x2;
	v4 =	vld [tilespmem:s18+$0xFFFFFFE0]  }
0x37: {  	v5 =	vld [tilespmem:s18+$0xFFFFFFF0];
	s17 =	sor.u32 $0x8000, s16  }
0x38: {  	s31 =	sand.u32 $0x1, s12;
	v1 =	vld [tilespmem:s18+$0x0];
	s19 =	sadd.s32 $0x0, s17  }
0x39: {  	v2 =	vld [tilespmem:s18+$0x10];
	s16 =	smul.u32 $0x10200, s31;
	[tilespmem:s19+$0x3870 ss:$0x81] =	vst.msk $0xffff, v0  }
0x3a: {  	[tilespmem:s19+$0x810 ss:$0x81] =	vst.msk $0xffff, v3;
	v3 =	vld [tilespmem:s18+$0x20]  }
0x3b: {  	s16 =	sshrl.u32 s16, $0x2;
	v0 =	vld [tilespmem:s18+$0xFFFFFFC0];
	[tilespmem:s19+$0x1020 ss:$0x81] =	vst.msk $0xffff, v4;
	s18 =	sadd.s32 $0x80, s18  }
0x3c: {  	s20 =	simm.s32 $0x4;
	s21 =	simm.s32 $0x8;
	s16 =	sor.u32 $0x8000, s16;
	[tilespmem:s19+$0x1830 ss:$0x81] =	vst.msk $0xffff, v5;
	v4 =	vld [tilespmem:s18+$0x30]  }
.LBB1_3:
0x3d: {  	p1 =	sne.s32 s21, $0x1FC;
	v5 =	vld [tilespmem:s18+$0xFFFFFFD0];
	[tilespmem:s19+$0x2040 ss:$0x81] =	vst.msk $0xffff, v1  }
0x3e: {  	v6 =	vld [tilespmem:s18+$0xFFFFFFE0];
	[tilespmem:s19+$0x2850 ss:$0x81] =	vst.msk $0xffff, v2  }
0x3f: {  	s22 =	sshra.s32 s20, $0x2;
	s20 =	smov.u32 s21;
	v7 =	vld [tilespmem:s18+$0xFFFFFFF0];
	[tilespmem:s19+$0x3060 ss:$0x81] =	vst.msk $0xffff, v3  }
.Ltmp3:
0x40: {  	v1 =	vld [tilespmem:s18+$0x0];
	[tilespmem:s19+$0x0 ss:$0x81] =	vst.msk $0xffff, v0;
	s19 =	sadd.s32 s22, s17;
	(pc) =	sbr.rel @p1 .LBB1_3-.Ltmp3, $4  }
0x41: {  	v2 =	vld [tilespmem:s18+$0x10];
	[tilespmem:s19+$0x3870 ss:$0x81] =	vst.msk $0xffff, v4  }
0x42: {  	[tilespmem:s19+$0x810 ss:$0x81] =	vst.msk $0xffff, v5;
	v3 =	vld [tilespmem:s18+$0x20]  }
0x43: {  	v0 =	vld [tilespmem:s18+$0xFFFFFFC0];
	[tilespmem:s19+$0x1020 ss:$0x81] =	vst.msk $0xffff, v6;
	s18 =	sadd.s32 $0x80, s18  }
0x44: {  	s21 =	sadd.s32 $0x4, s21;
	v4 =	vld [tilespmem:s18+$0x30];
	[tilespmem:s19+$0x1830 ss:$0x81] =	vst.msk $0xffff, v7  }
.Ltmp4:
0x45: {  	_ = 	snop;
	(pc) =	sbr.rel .LBB1_4-.Ltmp4, $1  }
0x46: {  	_ =	sdelay $0x3  }
.LBB1_6:
0x47: {  	_ =	sfence.sel $0x180000  }
0x48: {  	s1 =	simm.s32 $0x1;
	[bflag:$0x0] =	sbarrier.arrive $0xFFFF  }
0x49: {  	s31 =	simm.s32 $0x2;
	[sflag:s1] =	ssyncpa.u1 $0x1  }
0x4a: {  	[sflag:s31] =	ssyncpa.u1 $0x1  }
0x4b: {  	p0 =	sne.s32 s3, $0x0;
	_ =	strace $0x9000004A  }
0x4c: {  	s0 =	sadd.s32 @!p0 $0x100000, s0;
	[bflag:$0x2] =	sbarrier.arrive $0xFFFF  }
0x4d: {  	[sflag:s0] =	ssyncadd.tile.s32 @!p0 $0x1;
	_ =	shalt  }
.Lfunc_end1:
_tile_overlayer_lowered:
.L_overlay_start_2:
0x4e: {  	(tag) =	ssettag $0x2  }
0x4f: {  	s0 =	rddreg [dreg:$0x0];
	s2 =	stileid.u32  }
0x50: {  	s1 =	rddreg [dreg:$0x1];
	p0 =	sne.s32 s2, $0x0  }
0x51: {  	s3 =	rddreg [dreg:$0x2];
	[bflag:$0x3] =	sbarrier.arrive $0xFFFF;
	s2 =	simm.s32 @!p0 $0x1C01  }
0x52: {  	[timem:s3], [sflag:s2] =	dma.local @!p0 [hbm:s0], s1  }
0x53: {  	s0 =	simm.s32 @!p0 $0x1  }
0x54: {  	_ =	swait.ge @!p0 [sflag:s0], s1  }
0x55: {  	s1 =	ssub.s32 @!p0 $0x0, s1;
	[sflag:s0] =	ssyncset.done @!p0 $0x0  }
0x56: {  	[sflag:s0] =	ssyncadd.s32 @!p0 s1  }
0x57: {  	[bflag:$0x3] =	sbarrier.arrive $0xFFFF  }
0x58: {  	_ =	shalt  }

</sc_bundles>
